<compile_context>
chip_gen: v7x
topology: tpu7x:2x2x1
jax: 0.10.2.dev20260603
libtpu: 0.0.44.dev20260713+nightly
codegen_flags: <defaults>
</compile_context>

<pallas_src>
import functools

import jax
import jax.numpy as jnp
from jax import lax
from jax.experimental import pallas as pl
from jax.experimental.pallas import tpu as pltpu
from jax.experimental.pallas import tpu_sc as plsc

HIDDEN = 1024
SEQ = 2048
BATCH = 4
TOK = BATCH * SEQ
EPS = 1e-12

L = 16
NVEC = HIDDEN // L

NC = 2
NS = 16
NW = NC * NS
TPW = TOK // NW
C = 32
NCHUNK = TPW // C


def _rsqrt_nr(v16):
    bits = lax.bitcast_convert_type(v16, jnp.int32)
    y = lax.bitcast_convert_type(
        jnp.int32(0x5F3759DF) - lax.shift_right_arithmetic(bits, 1),
        jnp.float32)
    for _ in range(3):
        y = y * (1.5 - 0.5 * v16 * y * y)
    return y


@functools.partial(
    pl.kernel,
    mesh=plsc.VectorSubcoreMesh(core_axis_name="c", subcore_axis_name="s"),
    compiler_params=pltpu.CompilerParams(needs_layout_passes=False),
    out_type=jax.ShapeDtypeStruct((TOK, HIDDEN), jnp.float32),
    scratch_types=[
        pltpu.VMEM((C, HIDDEN), jnp.float32),
        pltpu.VMEM((C, HIDDEN), jnp.float32),
        pltpu.VMEM((2, HIDDEN), jnp.float32),
        pltpu.VMEM((TPW,), jnp.int32),
        pltpu.VMEM((TPW,), jnp.int32),
        pltpu.VMEM((HIDDEN,), jnp.float32),
        pltpu.VMEM((HIDDEN,), jnp.float32),
        pltpu.SemaphoreType.DMA,
    ],
)
def _embed_ln(ids_hbm, tids_hbm, word_hbm, pos_hbm, type_hbm, gamma_hbm,
              beta_hbm, out_hbm, buf, posbuf, typebuf, wid_v, tid_v,
              gamma_v, beta_v, sem):
    wid = lax.axis_index("s") * NC + lax.axis_index("c")
    tok_base = wid * TPW
    pos_base = lax.rem(tok_base, SEQ)

    pltpu.sync_copy(ids_hbm.at[pl.ds(tok_base, TPW)], wid_v)
    pltpu.sync_copy(tids_hbm.at[pl.ds(tok_base, TPW)], tid_v)
    pltpu.sync_copy(type_hbm, typebuf)
    pltpu.sync_copy(gamma_hbm, gamma_v)
    pltpu.sync_copy(beta_hbm, beta_v)

    iota = lax.iota(jnp.int32, L)
    zero = jnp.zeros((L,), jnp.float32)

    for ci in range(NCHUNK):
        pltpu.async_copy(word_hbm.at[wid_v.at[pl.ds(ci * C, C)]], buf,
                         sem).wait()
        pltpu.sync_copy(pos_hbm.at[pl.ds(pos_base + ci * C, C)], posbuf)

        def token_body(t, _):
            grp = ci * C + (t // L) * L
            tid16 = tid_v[pl.ds(grp, L)].astype(jnp.float32)
            tid_t = jnp.sum(
                jnp.where(iota == lax.rem(t, L), tid16, 0.0)).astype(jnp.int32)

            def p1(j, carry):
                s1, s2 = carry
                x = (buf[t, pl.ds(j * L, L)]
                     + posbuf[t, pl.ds(j * L, L)]
                     + typebuf[tid_t, pl.ds(j * L, L)])
                buf[t, pl.ds(j * L, L)] = x
                return s1 + x, s2 + x * x

            s1, s2 = lax.fori_loop(0, NVEC, p1, (zero, zero))
            tot = jnp.sum(s1)
            tot2 = jnp.sum(s2)
            mean = tot * (1.0 / HIDDEN)
            var = tot2 * (1.0 / HIDDEN) - mean * mean
            inv = _rsqrt_nr(lax.broadcast(var + EPS, (L,)))
            mean_v = lax.broadcast(mean, (L,))

            def p2(j, _):
                x = buf[t, pl.ds(j * L, L)]
                g = gamma_v[pl.ds(j * L, L)]
                b = beta_v[pl.ds(j * L, L)]
                buf[t, pl.ds(j * L, L)] = (x - mean_v) * inv * g + b
                return 0

            lax.fori_loop(0, NVEC, p2, 0)
            return 0

        lax.fori_loop(0, C, token_body, 0)
        pltpu.sync_copy(buf, out_hbm.at[pl.ds(tok_base + ci * C, C)])


def kernel(input_ids, token_type_ids, word_emb, pos_emb, type_emb, gamma,
           beta):
    ids = input_ids.reshape(-1).astype(jnp.int32)
    tids = token_type_ids.reshape(-1).astype(jnp.int32)
    out = _embed_ln(ids, tids, word_emb, pos_emb, type_emb, gamma, beta)
    return out.reshape(input_ids.shape[0], input_ids.shape[1], HIDDEN)

# --- scband reference (transcript-rebuilt; emitter-appended) ---
"""Pipeline reference for scband-bert-embeddings-14044543058450 (READ-ONLY COPY).

The authoritative reference and input builder live on the scoring server;
editing this copy changes nothing except your own understanding.
"""

import jax, jax.numpy as jnp
import numpy as np

VOCAB = 30522
HIDDEN = 1024
MAX_POS = 2048
TYPE_VOCAB = 2
B, S = 4, 2048
EPS = 1e-12


def setup_inputs(seed: int = 0) -> dict:
    key = jax.random.key(seed)
    k1, k2, k3, k4, k5 = jax.random.split(key, 5)
    input_ids = jax.random.randint(k1, (B, S), 0, VOCAB, dtype=jnp.int64 if jax.config.jax_enable_x64 else jnp.int32)
    token_type_ids = jax.random.randint(k2, (B, S), 0, TYPE_VOCAB, dtype=jnp.int64 if jax.config.jax_enable_x64 else jnp.int32)
    word_emb = jax.random.normal(k3, (VOCAB, HIDDEN), dtype=jnp.float32) * 0.02
    pos_emb = jax.random.normal(k4, (MAX_POS, HIDDEN), dtype=jnp.float32) * 0.02
    type_emb = jax.random.normal(k5, (TYPE_VOCAB, HIDDEN), dtype=jnp.float32) * 0.02
    gamma = jnp.ones((HIDDEN,), dtype=jnp.float32)
    beta = jnp.zeros((HIDDEN,), dtype=jnp.float32)
    return {
        "input_ids": input_ids,
        "token_type_ids": token_type_ids,
        "word_emb": word_emb,
        "pos_emb": pos_emb,
        "type_emb": type_emb,
        "gamma": gamma,
        "beta": beta,
    }


def _layer_norm(x, gamma, beta, eps=EPS):
    mean = jnp.mean(x, axis=-1, keepdims=True)
    var = jnp.mean((x - mean) ** 2, axis=-1, keepdims=True)
    return (x - mean) / jnp.sqrt(var + eps) * gamma + beta


def reference(input_ids, token_type_ids, word_emb, pos_emb, type_emb, gamma, beta):
    seq_length = input_ids.shape[1]
    position_ids = jnp.arange(seq_length, dtype=input_ids.dtype)
    position_ids = jnp.broadcast_to(position_ids[None, :], input_ids.shape)
    words_embeddings = jnp.take(word_emb, input_ids, axis=0)
    position_embeddings = jnp.take(pos_emb, position_ids, axis=0)
    token_type_embeddings = jnp.take(type_emb, token_type_ids, axis=0)
    embeddings = words_embeddings + position_embeddings + token_type_embeddings
    embeddings = _layer_norm(embeddings, gamma, beta)
    # dropout is identity in eval mode
    return embeddings

if __name__ == "__main__":
    import jax
    _d = setup_inputs()
    print(jax.jit(kernel)(*tuple(_d.values())))

</pallas_src>

<mosaic_0001>
#map = affine_map<(d0, d1) -> (0)>
#map1 = affine_map<(d0, d1) -> (0, 0)>
module attributes {stable_mosaic.version = 14 : i64} {
  func.func @_embed_ln(%arg0: i32, %arg1: i32, %arg2: memref<8192xi32, #tpu.memory_space<hbm>>, %arg3: memref<8192xi32, #tpu.memory_space<hbm>>, %arg4: memref<30522x1024xf32, #tpu.memory_space<hbm>>, %arg5: memref<2048x1024xf32, #tpu.memory_space<hbm>>, %arg6: memref<2x1024xf32, #tpu.memory_space<hbm>>, %arg7: memref<1024xf32, #tpu.memory_space<hbm>>, %arg8: memref<1024xf32, #tpu.memory_space<hbm>>, %arg9: memref<8192x1024xf32, #tpu.memory_space<hbm>>, %arg10: memref<32x1024xf32, #tpu.memory_space<vmem>>, %arg11: memref<32x1024xf32, #tpu.memory_space<vmem>>, %arg12: memref<2x1024xf32, #tpu.memory_space<vmem>>, %arg13: memref<256xi32, #tpu.memory_space<vmem>>, %arg14: memref<256xi32, #tpu.memory_space<vmem>>, %arg15: memref<1024xf32, #tpu.memory_space<vmem>>, %arg16: memref<1024xf32, #tpu.memory_space<vmem>>, %arg17: memref<!tpu.dma_semaphore, #tpu.memory_space<semaphore_mem>>) attributes {dimension_semantics = [#tpu.dimension_semantics<core_parallel>, #tpu.dimension_semantics<subcore_parallel>], iteration_bounds = array<i64: 2, 16>, scalar_prefetch = 0 : i64, scratch_operands = 8 : i64, tpu.core_type = #tpu.core_type<sc_vector_subcore>, window_params = [{transform_indices = #map}, {transform_indices = #map}, {transform_indices = #map1}, {transform_indices = #map1}, {transform_indices = #map1}, {transform_indices = #map}, {transform_indices = #map}, {transform_indices = #map1}]} {
    %mul3A = arith.constant 2 : i32
    %mul3A_0 = arith.muli %arg1, %mul3A : i32
    %add3A = arith.addi %mul3A_0, %arg0 : i32
    %mul3A_1 = arith.constant 256 : i32
    %mul3A_2 = arith.muli %add3A, %mul3A_1 : i32
    %rem3A = arith.constant 2048 : i32
    %rem3A_3 = arith.remsi %mul3A_2, %rem3A : i32
    "tpu.region"() ({
      %run_scoped3A = tpu.sem_alloc : memref<!tpu.dma_semaphore, #tpu.memory_space<semaphore_mem>>
      %dma_start3A_170 = tpu.memref_slice %arg2[%mul3A_2] : memref<8192xi32, #tpu.memory_space<hbm>> -> memref<256xi32, #tpu.memory_space<hbm>>
      %dma_start3A_171 = tpu.memref_slice %arg2[%mul3A_2] : memref<8192xi32, #tpu.memory_space<hbm>> -> memref<256xi32, #tpu.memory_space<hbm>>
      tpu.enqueue_dma source(%dma_start3A_171 : memref<256xi32, #tpu.memory_space<hbm>>) target(%arg13 : memref<256xi32, #tpu.memory_space<vmem>>) target_semaphore(%run_scoped3A : memref<!tpu.dma_semaphore, #tpu.memory_space<semaphore_mem>>)
      %dma_wait3A_172 = tpu.memref_slice %arg2[%mul3A_2] : memref<8192xi32, #tpu.memory_space<hbm>> -> memref<256xi32, #tpu.memory_space<hbm>>
      %dma_wait3A_173 = tpu.memref_slice %arg2[%mul3A_2] : memref<8192xi32, #tpu.memory_space<hbm>> -> memref<256xi32, #tpu.memory_space<hbm>>
      tpu.wait_dma2 semaphore(%run_scoped3A : memref<!tpu.dma_semaphore, #tpu.memory_space<semaphore_mem>>) src(%dma_wait3A_173 : memref<256xi32, #tpu.memory_space<hbm>>) dst(%arg13 : memref<256xi32, #tpu.memory_space<vmem>>)
      tpu.yield
    }) : () -> ()
    "tpu.region"() ({
      %run_scoped3A = tpu.sem_alloc : memref<!tpu.dma_semaphore, #tpu.memory_space<semaphore_mem>>
      %dma_start3A_170 = tpu.memref_slice %arg3[%mul3A_2] : memref<8192xi32, #tpu.memory_space<hbm>> -> memref<256xi32, #tpu.memory_space<hbm>>
      %dma_start3A_171 = tpu.memref_slice %arg3[%mul3A_2] : memref<8192xi32, #tpu.memory_space<hbm>> -> memref<256xi32, #tpu.memory_space<hbm>>
      tpu.enqueue_dma source(%dma_start3A_171 : memref<256xi32, #tpu.memory_space<hbm>>) target(%arg14 : memref<256xi32, #tpu.memory_space<vmem>>) target_semaphore(%run_scoped3A : memref<!tpu.dma_semaphore, #tpu.memory_space<semaphore_mem>>)
      %dma_wait3A_172 = tpu.memref_slice %arg3[%mul3A_2] : memref<8192xi32, #tpu.memory_space<hbm>> -> memref<256xi32, #tpu.memory_space<hbm>>
      %dma_wait3A_173 = tpu.memref_slice %arg3[%mul3A_2] : memref<8192xi32, #tpu.memory_space<hbm>> -> memref<256xi32, #tpu.memory_space<hbm>>
      tpu.wait_dma2 semaphore(%run_scoped3A : memref<!tpu.dma_semaphore, #tpu.memory_space<semaphore_mem>>) src(%dma_wait3A_173 : memref<256xi32, #tpu.memory_space<hbm>>) dst(%arg14 : memref<256xi32, #tpu.memory_space<vmem>>)
      tpu.yield
    }) : () -> ()
    "tpu.region"() ({
      %run_scoped3A = tpu.sem_alloc : memref<!tpu.dma_semaphore, #tpu.memory_space<semaphore_mem>>
      tpu.enqueue_dma source(%arg6 : memref<2x1024xf32, #tpu.memory_space<hbm>>) target(%arg12 : memref<2x1024xf32, #tpu.memory_space<vmem>>) target_semaphore(%run_scoped3A : memref<!tpu.dma_semaphore, #tpu.memory_space<semaphore_mem>>)
      tpu.wait_dma2 semaphore(%run_scoped3A : memref<!tpu.dma_semaphore, #tpu.memory_space<semaphore_mem>>) src(%arg6 : memref<2x1024xf32, #tpu.memory_space<hbm>>) dst(%arg12 : memref<2x1024xf32, #tpu.memory_space<vmem>>)
      tpu.yield
    }) : () -> ()
    "tpu.region"() ({
      %run_scoped3A = tpu.sem_alloc : memref<!tpu.dma_semaphore, #tpu.memory_space<semaphore_mem>>
      tpu.enqueue_dma source(%arg7 : memref<1024xf32, #tpu.memory_space<hbm>>) target(%arg15 : memref<1024xf32, #tpu.memory_space<vmem>>) target_semaphore(%run_scoped3A : memref<!tpu.dma_semaphore, #tpu.memory_space<semaphore_mem>>)
      tpu.wait_dma2 semaphore(%run_scoped3A : memref<!tpu.dma_semaphore, #tpu.memory_space<semaphore_mem>>) src(%arg7 : memref<1024xf32, #tpu.memory_space<hbm>>) dst(%arg15 : memref<1024xf32, #tpu.memory_space<vmem>>)
      tpu.yield
    }) : () -> ()
    "tpu.region"() ({
      %run_scoped3A = tpu.sem_alloc : memref<!tpu.dma_semaphore, #tpu.memory_space<semaphore_mem>>
      tpu.enqueue_dma source(%arg8 : memref<1024xf32, #tpu.memory_space<hbm>>) target(%arg16 : memref<1024xf32, #tpu.memory_space<vmem>>) target_semaphore(%run_scoped3A : memref<!tpu.dma_semaphore, #tpu.memory_space<semaphore_mem>>)
      tpu.wait_dma2 semaphore(%run_scoped3A : memref<!tpu.dma_semaphore, #tpu.memory_space<semaphore_mem>>) src(%arg8 : memref<1024xf32, #tpu.memory_space<hbm>>) dst(%arg16 : memref<1024xf32, #tpu.memory_space<vmem>>)
      tpu.yield
    }) : () -> ()
    %iota3A = tpu.iota {dimensions = array<i32: 0>} : vector<16xi32>
    %broadcast_in_dim3A = arith.constant 0.000000e+00 : f32
    %broadcast_in_dim3A_4 = vector.broadcast %broadcast_in_dim3A : f32 to vector<16xf32>
    %dma_start3A = arith.constant 0 : i32
    %dma_start3A_5 = tpu.memref_slice %arg13[%dma_start3A] : memref<256xi32, #tpu.memory_space<vmem>> -> memref<32xi32, #tpu.memory_space<vmem>>
    %dma_start3A_6 = arith.constant 0 : i32
    %dma_start3A_7 = arith.constant 0 : i32
    %dma_start3A_8 = tpu.memref_slice %arg4[%dma_start3A_6, %dma_start3A_7] : memref<30522x1024xf32, #tpu.memory_space<hbm>> -> memref<30522x1024xf32, #tpu.memory_space<hbm>>
    tpu.enqueue_indirect_dma source(%dma_start3A_8 : memref<30522x1024xf32, #tpu.memory_space<hbm>>) target(%arg10 : memref<32x1024xf32, #tpu.memory_space<vmem>>) offsets(%dma_start3A_5 : memref<32xi32, #tpu.memory_space<vmem>>) semaphore(%arg17 : memref<!tpu.dma_semaphore, #tpu.memory_space<semaphore_mem>>)
    %dma_wait3A = arith.constant 0 : i32
    %dma_wait3A_9 = tpu.memref_slice %arg13[%dma_wait3A] : memref<256xi32, #tpu.memory_space<vmem>> -> memref<32xi32, #tpu.memory_space<vmem>>
    %dma_wait3A_10 = arith.constant 0 : i32
    %dma_wait3A_11 = arith.constant 0 : i32
    %dma_wait3A_12 = tpu.memref_slice %arg4[%dma_wait3A_10, %dma_wait3A_11] : memref<30522x1024xf32, #tpu.memory_space<hbm>> -> memref<30522x1024xf32, #tpu.memory_space<hbm>>
    tpu.wait_indirect_dma semaphore(%arg17 : memref<!tpu.dma_semaphore, #tpu.memory_space<semaphore_mem>>) src(%dma_wait3A_12 : memref<30522x1024xf32, #tpu.memory_space<hbm>>) dst(%arg10 : memref<32x1024xf32, #tpu.memory_space<vmem>>)
    %add3A_13 = arith.constant 0 : i32
    %add3A_14 = arith.addi %rem3A_3, %add3A_13 : i32
    "tpu.region"() ({
      %run_scoped3A = tpu.sem_alloc : memref<!tpu.dma_semaphore, #tpu.memory_space<semaphore_mem>>
      %dma_start3A_170 = arith.constant 0 : i32
      %dma_start3A_171 = tpu.memref_slice %arg5[%add3A_14, %dma_start3A_170] : memref<2048x1024xf32, #tpu.memory_space<hbm>> -> memref<32x1024xf32, #tpu.memory_space<hbm>>
      %dma_start3A_172 = arith.constant 0 : i32
      %dma_start3A_173 = tpu.memref_slice %arg5[%add3A_14, %dma_start3A_172] : memref<2048x1024xf32, #tpu.memory_space<hbm>> -> memref<32x1024xf32, #tpu.memory_space<hbm>>
      tpu.enqueue_dma source(%dma_start3A_173 : memref<32x1024xf32, #tpu.memory_space<hbm>>) target(%arg11 : memref<32x1024xf32, #tpu.memory_space<vmem>>) target_semaphore(%run_scoped3A : memref<!tpu.dma_semaphore, #tpu.memory_space<semaphore_mem>>)
      %dma_wait3A_174 = arith.constant 0 : i32
      %dma_wait3A_175 = tpu.memref_slice %arg5[%add3A_14, %dma_wait3A_174] : memref<2048x1024xf32, #tpu.memory_space<hbm>> -> memref<32x1024xf32, #tpu.memory_space<hbm>>
      %dma_wait3A_176 = arith.constant 0 : i32
      %dma_wait3A_177 = tpu.memref_slice %arg5[%add3A_14, %dma_wait3A_176] : memref<2048x1024xf32, #tpu.memory_space<hbm>> -> memref<32x1024xf32, #tpu.memory_space<hbm>>
      tpu.wait_dma2 semaphore(%run_scoped3A : memref<!tpu.dma_semaphore, #tpu.memory_space<semaphore_mem>>) src(%dma_wait3A_177 : memref<32x1024xf32, #tpu.memory_space<hbm>>) dst(%arg11 : memref<32x1024xf32, #tpu.memory_space<vmem>>)
      tpu.yield
    }) : () -> ()
    %scan3A = arith.constant 0 : i32
    %scan3A_15 = arith.constant 0 : i32
    %scan3A_16 = arith.constant 32 : i32
    %scan3A_17 = arith.addi %scan3A_15, %scan3A_16 : i32
    %scan3A_18 = arith.constant 1 : i32
    %scan3A_19 = scf.for %scan3A_170 = %scan3A_15 to %scan3A_17 step %scan3A_18 iter_args(%scan3A_171 = %scan3A) -> (i32)  : i32 {
      %jit3A = arith.constant 16 : i32
      %div3A = arith.divsi %scan3A_170, %jit3A : i32
      %sign3A = arith.constant 0 : i32
      %sign3A_172 = arith.cmpi sgt, %scan3A_170, %sign3A : i32
      %sign3A_173 = arith.extui %sign3A_172 : i1 to i32
      %sign3A_174 = arith.constant 0 : i32
      %sign3A_175 = arith.cmpi slt, %scan3A_170, %sign3A_174 : i32
      %sign3A_176 = arith.extui %sign3A_175 : i1 to i32
      %sign3A_177 = arith.subi %sign3A_173, %sign3A_176 : i32
      %sign3A_178 = arith.constant 0 : i32
      %sign3A_179 = arith.cmpi sgt, %jit3A, %sign3A_178 : i32
      %sign3A_180 = arith.extui %sign3A_179 : i1 to i32
      %sign3A_181 = arith.constant 0 : i32
      %sign3A_182 = arith.cmpi slt, %jit3A, %sign3A_181 : i32
      %sign3A_183 = arith.extui %sign3A_182 : i1 to i32
      %sign3A_184 = arith.subi %sign3A_180, %sign3A_183 : i32
      %ne3A = arith.cmpi ne, %sign3A_177, %sign3A_184 : i32
      %rem3A_185 = arith.remsi %scan3A_170, %jit3A : i32
      %ne3A_186 = arith.constant 0 : i32
      %ne3A_187 = arith.cmpi ne, %rem3A_185, %ne3A_186 : i32
      %and3A = arith.andi %ne3A, %ne3A_187 : i1
      %sub3A = arith.constant 1 : i32
      %sub3A_188 = arith.subi %div3A, %sub3A : i32
      %select_n3A = arith.select %and3A, %sub3A_188, %div3A : i32
      %mul3A_189 = arith.constant 16 : i32
      %mul3A_190 = arith.muli %select_n3A, %mul3A_189 : i32
      %add3A_191 = arith.constant 0 : i32
      %add3A_192 = arith.addi %add3A_191, %mul3A_190 : i32
      %get3A = arith.index_cast %add3A_192 : i32 to index
      %get3A_193 = tpu.vector_load %arg14[%get3A] {strides = array<i32>} : memref<256xi32, #tpu.memory_space<vmem>>, vector<16xi32>,
      %convert_element_type3A = arith.sitofp %get3A_193 : vector<16xi32> to vector<16xf32>
      %rem3A_194 = arith.constant 16 : i32
      %rem3A_195 = arith.remsi %scan3A_170, %rem3A_194 : i32
      %eq3A = vector.broadcast %rem3A_195 : i32 to vector<16xi32>
      %eq3A_196 = arith.cmpi eq, %iota3A, %eq3A : vector<16xi32>
      %jit3A_197 = arith.constant 0.000000e+00 : f32
      %broadcast_in_dim3A_198 = vector.broadcast %jit3A_197 : f32 to vector<16xf32>
      %select_n3A_199 = arith.select %eq3A_196, %convert_element_type3A, %broadcast_in_dim3A_198 : vector<16xi1>, vector<16xf32>
      %reduce_sum3A = arith.constant true
      %reduce_sum3A_200 = vector.broadcast %reduce_sum3A : i1 to vector<16xi1>
      %reduce_sum3A_201 = tpu.scan <sum>, %select_n3A_199 masked %reduce_sum3A_200 : vector<16xf32>, vector<16xi1> -> vector<16xf32>
      %reduce_sum3A_202 = vector.extract %reduce_sum3A_201[15] : f32 from vector<16xf32>
      %convert_element_type3A_203 = arith.fptosi %reduce_sum3A_202 : f32 to i32
      %scan3A_204 = arith.constant 0 : i32
      %scan3A_205 = arith.constant 64 : i32
      %scan3A_206 = arith.addi %scan3A_204, %scan3A_205 : i32
      %scan3A_207 = arith.constant 1 : i32
      %scan3A_208:2 = scf.for %scan3A_269 = %scan3A_204 to %scan3A_206 step %scan3A_207 iter_args(%scan3A_270 = %broadcast_in_dim3A_4, %scan3A_271 = %broadcast_in_dim3A_4) -> (vector<16xf32>, vector<16xf32>)  : i32 {
        %mul3A_272 = arith.constant 16 : i32
        %mul3A_273 = arith.muli %scan3A_269, %mul3A_272 : i32
        %get3A_274 = arith.index_cast %scan3A_170 : i32 to index
        %get3A_275 = arith.index_cast %mul3A_273 : i32 to index
        %get3A_276 = tpu.vector_load %arg10[%get3A_274, %get3A_275] {strides = array<i32>} : memref<32x1024xf32, #tpu.memory_space<vmem>>, vector<16xf32>,
        %mul3A_277 = arith.constant 16 : i32
        %mul3A_278 = arith.muli %scan3A_269, %mul3A_277 : i32
        %get3A_279 = arith.index_cast %scan3A_170 : i32 to index
        %get3A_280 = arith.index_cast %mul3A_278 : i32 to index
        %get3A_281 = tpu.vector_load %arg11[%get3A_279, %get3A_280] {strides = array<i32>} : memref<32x1024xf32, #tpu.memory_space<vmem>>, vector<16xf32>,
        %add3A_282 = arith.addf %get3A_276, %get3A_281 : vector<16xf32>
        %mul3A_283 = arith.constant 16 : i32
        %mul3A_284 = arith.muli %scan3A_269, %mul3A_283 : i32
        %get3A_285 = arith.index_cast %convert_element_type3A_203 : i32 to index
        %get3A_286 = arith.index_cast %mul3A_284 : i32 to index
        %get3A_287 = tpu.vector_load %arg12[%get3A_285, %get3A_286] {strides = array<i32>} : memref<2x1024xf32, #tpu.memory_space<vmem>>, vector<16xf32>,
        %add3A_288 = arith.addf %add3A_282, %get3A_287 : vector<16xf32>
        %mul3A_289 = arith.constant 16 : i32
        %mul3A_290 = arith.muli %scan3A_269, %mul3A_289 : i32
        %swap3A = arith.index_cast %scan3A_170 : i32 to index
        %swap3A_291 = arith.index_cast %mul3A_290 : i32 to index
        %swap3A_292 = tpu.vector_load %arg10[%swap3A, %swap3A_291] {strides = array<i32>} : memref<32x1024xf32, #tpu.memory_space<vmem>>, vector<16xf32>,
        tpu.vector_store %arg10[%swap3A, %swap3A_291], %add3A_288 {strides = array<i32>} : memref<32x1024xf32, #tpu.memory_space<vmem>>, vector<16xf32>,
        %add3A_293 = arith.addf %scan3A_270, %add3A_288 : vector<16xf32>
        %mul3A_294 = arith.mulf %add3A_288, %add3A_288 : vector<16xf32>
        %add3A_295 = arith.addf %scan3A_271, %mul3A_294 : vector<16xf32>
        scf.yield %add3A_293, %add3A_295 : vector<16xf32>, vector<16xf32>
      }
      %scan3A_209 = arith.constant 64 : i32
      %reduce_sum3A_210 = arith.constant true
      %reduce_sum3A_211 = vector.broadcast %reduce_sum3A_210 : i1 to vector<16xi1>
      %reduce_sum3A_212 = tpu.scan <sum>, %scan3A_208#0 masked %reduce_sum3A_211 : vector<16xf32>, vector<16xi1> -> vector<16xf32>
      %reduce_sum3A_213 = vector.extract %reduce_sum3A_212[15] : f32 from vector<16xf32>
      %reduce_sum3A_214 = arith.constant true
      %reduce_sum3A_215 = vector.broadcast %reduce_sum3A_214 : i1 to vector<16xi1>
      %reduce_sum3A_216 = tpu.scan <sum>, %scan3A_208#1 masked %reduce_sum3A_215 : vector<16xf32>, vector<16xi1> -> vector<16xf32>
      %reduce_sum3A_217 = vector.extract %reduce_sum3A_216[15] : f32 from vector<16xf32>
      %mul3A_218 = arith.constant 9.765625E-4 : f32
      %mul3A_219 = arith.mulf %reduce_sum3A_213, %mul3A_218 : f32
      %mul3A_220 = arith.constant 9.765625E-4 : f32
      %mul3A_221 = arith.mulf %reduce_sum3A_217, %mul3A_220 : f32
      %mul3A_222 = arith.mulf %mul3A_219, %mul3A_219 : f32
      %sub3A_223 = arith.subf %mul3A_221, %mul3A_222 : f32
      %add3A_224 = arith.constant 9.99999996E-13 : f32
      %add3A_225 = arith.addf %sub3A_223, %add3A_224 : f32
      %broadcast_in_dim3A_226 = vector.broadcast %add3A_225 : f32 to vector<16xf32>
      %bitcast_convert_type3A = tpu.bitcast %broadcast_in_dim3A_226 : vector<16xf32> -> vector<16xi32>
      %shift_right_arithmetic3A = arith.constant 1 : i32
      %shift_right_arithmetic3A_227 = vector.broadcast %shift_right_arithmetic3A : i32 to vector<16xi32>
      %shift_right_arithmetic3A_228 = arith.shrsi %bitcast_convert_type3A, %shift_right_arithmetic3A_227 : vector<16xi32>
      %sub3A_229 = arith.constant 1597463007 : i32
      %sub3A_230 = vector.broadcast %sub3A_229 : i32 to vector<16xi32>
      %sub3A_231 = arith.subi %sub3A_230, %shift_right_arithmetic3A_228 : vector<16xi32>
      %bitcast_convert_type3A_232 = tpu.bitcast %sub3A_231 : vector<16xi32> -> vector<16xf32>
      %mul3A_233 = arith.constant 5.000000e-01 : f32
      %mul3A_234 = vector.broadcast %mul3A_233 : f32 to vector<16xf32>
      %mul3A_235 = arith.mulf %mul3A_234, %broadcast_in_dim3A_226 : vector<16xf32>
      %mul3A_236 = arith.mulf %mul3A_235, %bitcast_convert_type3A_232 : vector<16xf32>
      %mul3A_237 = arith.mulf %mul3A_236, %bitcast_convert_type3A_232 : vector<16xf32>
      %sub3A_238 = arith.constant 1.500000e+00 : f32
      %sub3A_239 = vector.broadcast %sub3A_238 : f32 to vector<16xf32>
      %sub3A_240 = arith.subf %sub3A_239, %mul3A_237 : vector<16xf32>
      %mul3A_241 = arith.mulf %bitcast_convert_type3A_232, %sub3A_240 : vector<16xf32>
      %mul3A_242 = arith.constant 5.000000e-01 : f32
      %mul3A_243 = vector.broadcast %mul3A_242 : f32 to vector<16xf32>
      %mul3A_244 = arith.mulf %mul3A_243, %broadcast_in_dim3A_226 : vector<16xf32>
      %mul3A_245 = arith.mulf %mul3A_244, %mul3A_241 : vector<16xf32>
      %mul3A_246 = arith.mulf %mul3A_245, %mul3A_241 : vector<16xf32>
      %sub3A_247 = arith.constant 1.500000e+00 : f32
      %sub3A_248 = vector.broadcast %sub3A_247 : f32 to vector<16xf32>
      %sub3A_249 = arith.subf %sub3A_248, %mul3A_246 : vector<16xf32>
      %mul3A_250 = arith.mulf %mul3A_241, %sub3A_249 : vector<16xf32>
      %mul3A_251 = arith.constant 5.000000e-01 : f32
      %mul3A_252 = vector.broadcast %mul3A_251 : f32 to vector<16xf32>
      %mul3A_253 = arith.mulf %mul3A_252, %broadcast_in_dim3A_226 : vector<16xf32>
      %mul3A_254 = arith.mulf %mul3A_253, %mul3A_250 : vector<16xf32>
      %mul3A_255 = arith.mulf %mul3A_254, %mul3A_250 : vector<16xf32>
      %sub3A_256 = arith.constant 1.500000e+00 : f32
      %sub3A_257 = vector.broadcast %sub3A_256 : f32 to vector<16xf32>
      %sub3A_258 = arith.subf %sub3A_257, %mul3A_255 : vector<16xf32>
      %mul3A_259 = arith.mulf %mul3A_250, %sub3A_258 : vector<16xf32>
      %broadcast_in_dim3A_260 = vector.broadcast %mul3A_219 : f32 to vector<16xf32>
      %scan3A_261 = arith.constant 0 : i32
      %scan3A_262 = arith.constant 0 : i32
      %scan3A_263 = arith.constant 64 : i32
      %scan3A_264 = arith.addi %scan3A_262, %scan3A_263 : i32
      %scan3A_265 = arith.constant 1 : i32
      %scan3A_266 = scf.for %scan3A_269 = %scan3A_262 to %scan3A_264 step %scan3A_265 iter_args(%scan3A_270 = %scan3A_261) -> (i32)  : i32 {
        %mul3A_271 = arith.constant 16 : i32
        %mul3A_272 = arith.muli %scan3A_269, %mul3A_271 : i32
        %get3A_273 = arith.index_cast %scan3A_170 : i32 to index
        %get3A_274 = arith.index_cast %mul3A_272 : i32 to index
        %get3A_275 = tpu.vector_load %arg10[%get3A_273, %get3A_274] {strides = array<i32>} : memref<32x1024xf32, #tpu.memory_space<vmem>>, vector<16xf32>,
        %mul3A_276 = arith.constant 16 : i32
        %mul3A_277 = arith.muli %scan3A_269, %mul3A_276 : i32
        %get3A_278 = arith.index_cast %mul3A_277 : i32 to index
        %get3A_279 = tpu.vector_load %arg15[%get3A_278] {strides = array<i32>} : memref<1024xf32, #tpu.memory_space<vmem>>, vector<16xf32>,
        %mul3A_280 = arith.constant 16 : i32
        %mul3A_281 = arith.muli %scan3A_269, %mul3A_280 : i32
        %get3A_282 = arith.index_cast %mul3A_281 : i32 to index
        %get3A_283 = tpu.vector_load %arg16[%get3A_282] {strides = array<i32>} : memref<1024xf32, #tpu.memory_space<vmem>>, vector<16xf32>,
        %sub3A_284 = arith.subf %get3A_275, %broadcast_in_dim3A_260 : vector<16xf32>
        %mul3A_285 = arith.mulf %sub3A_284, %mul3A_259 : vector<16xf32>
        %mul3A_286 = arith.mulf %mul3A_285, %get3A_279 : vector<16xf32>
        %add3A_287 = arith.addf %mul3A_286, %get3A_283 : vector<16xf32>
        %mul3A_288 = arith.constant 16 : i32
        %mul3A_289 = arith.muli %scan3A_269, %mul3A_288 : i32
        %swap3A = arith.index_cast %scan3A_170 : i32 to index
        %swap3A_290 = arith.index_cast %mul3A_289 : i32 to index
        %swap3A_291 = tpu.vector_load %arg10[%swap3A, %swap3A_290] {strides = array<i32>} : memref<32x1024xf32, #tpu.memory_space<vmem>>, vector<16xf32>,
        tpu.vector_store %arg10[%swap3A, %swap3A_290], %add3A_287 {strides = array<i32>} : memref<32x1024xf32, #tpu.memory_space<vmem>>, vector<16xf32>,
        %scan3A_292 = arith.constant 0 : i32
        scf.yield %scan3A_292 : i32
      }
      %scan3A_267 = arith.constant 64 : i32
      %scan3A_268 = arith.constant 0 : i32
      scf.yield %scan3A_268 : i32
    }
    %scan3A_20 = arith.constant 32 : i32
    %add3A_21 = arith.constant 0 : i32
    %add3A_22 = arith.addi %mul3A_2, %add3A_21 : i32
    "tpu.region"() ({
      %run_scoped3A = tpu.sem_alloc : memref<!tpu.dma_semaphore, #tpu.memory_space<semaphore_mem>>
      %dma_start3A_170 = arith.constant 0 : i32
      %dma_start3A_171 = tpu.memref_slice %arg9[%add3A_22, %dma_start3A_170] : memref<8192x1024xf32, #tpu.memory_space<hbm>> -> memref<32x1024xf32, #tpu.memory_space<hbm>>
      %dma_start3A_172 = arith.constant 0 : i32
      %dma_start3A_173 = tpu.memref_slice %arg9[%add3A_22, %dma_start3A_172] : memref<8192x1024xf32, #tpu.memory_space<hbm>> -> memref<32x1024xf32, #tpu.memory_space<hbm>>
      tpu.enqueue_dma source(%arg10 : memref<32x1024xf32, #tpu.memory_space<vmem>>) target(%dma_start3A_173 : memref<32x1024xf32, #tpu.memory_space<hbm>>) target_semaphore(%run_scoped3A : memref<!tpu.dma_semaphore, #tpu.memory_space<semaphore_mem>>)
      %dma_wait3A_174 = arith.constant 0 : i32
      %dma_wait3A_175 = tpu.memref_slice %arg9[%add3A_22, %dma_wait3A_174] : memref<8192x1024xf32, #tpu.memory_space<hbm>> -> memref<32x1024xf32, #tpu.memory_space<hbm>>
      %dma_wait3A_176 = arith.constant 0 : i32
      %dma_wait3A_177 = tpu.memref_slice %arg9[%add3A_22, %dma_wait3A_176] : memref<8192x1024xf32, #tpu.memory_space<hbm>> -> memref<32x1024xf32, #tpu.memory_space<hbm>>
      tpu.wait_dma2 semaphore(%run_scoped3A : memref<!tpu.dma_semaphore, #tpu.memory_space<semaphore_mem>>) src(%arg10 : memref<32x1024xf32, #tpu.memory_space<vmem>>) dst(%dma_wait3A_177 : memref<32x1024xf32, #tpu.memory_space<hbm>>)
      tpu.yield
    }) : () -> ()
    %dma_start3A_23 = arith.constant 32 : i32
    %dma_start3A_24 = tpu.memref_slice %arg13[%dma_start3A_23] : memref<256xi32, #tpu.memory_space<vmem>> -> memref<32xi32, #tpu.memory_space<vmem>>
    %dma_start3A_25 = arith.constant 0 : i32
    %dma_start3A_26 = arith.constant 0 : i32
    %dma_start3A_27 = tpu.memref_slice %arg4[%dma_start3A_25, %dma_start3A_26] : memref<30522x1024xf32, #tpu.memory_space<hbm>> -> memref<30522x1024xf32, #tpu.memory_space<hbm>>
    tpu.enqueue_indirect_dma source(%dma_start3A_27 : memref<30522x1024xf32, #tpu.memory_space<hbm>>) target(%arg10 : memref<32x1024xf32, #tpu.memory_space<vmem>>) offsets(%dma_start3A_24 : memref<32xi32, #tpu.memory_space<vmem>>) semaphore(%arg17 : memref<!tpu.dma_semaphore, #tpu.memory_space<semaphore_mem>>)
    %dma_wait3A_28 = arith.constant 32 : i32
    %dma_wait3A_29 = tpu.memref_slice %arg13[%dma_wait3A_28] : memref<256xi32, #tpu.memory_space<vmem>> -> memref<32xi32, #tpu.memory_space<vmem>>
    %dma_wait3A_30 = arith.constant 0 : i32
    %dma_wait3A_31 = arith.constant 0 : i32
    %dma_wait3A_32 = tpu.memref_slice %arg4[%dma_wait3A_30, %dma_wait3A_31] : memref<30522x1024xf32, #tpu.memory_space<hbm>> -> memref<30522x1024xf32, #tpu.memory_space<hbm>>
    tpu.wait_indirect_dma semaphore(%arg17 : memref<!tpu.dma_semaphore, #tpu.memory_space<semaphore_mem>>) src(%dma_wait3A_32 : memref<30522x1024xf32, #tpu.memory_space<hbm>>) dst(%arg10 : memref<32x1024xf32, #tpu.memory_space<vmem>>)
    %add3A_33 = arith.constant 32 : i32
    %add3A_34 = arith.addi %rem3A_3, %add3A_33 : i32
    "tpu.region"() ({
      %run_scoped3A = tpu.sem_alloc : memref<!tpu.dma_semaphore, #tpu.memory_space<semaphore_mem>>
      %dma_start3A_170 = arith.constant 0 : i32
      %dma_start3A_171 = tpu.memref_slice %arg5[%add3A_34, %dma_start3A_170] : memref<2048x1024xf32, #tpu.memory_space<hbm>> -> memref<32x1024xf32, #tpu.memory_space<hbm>>
      %dma_start3A_172 = arith.constant 0 : i32
      %dma_start3A_173 = tpu.memref_slice %arg5[%add3A_34, %dma_start3A_172] : memref<2048x1024xf32, #tpu.memory_space<hbm>> -> memref<32x1024xf32, #tpu.memory_space<hbm>>
      tpu.enqueue_dma source(%dma_start3A_173 : memref<32x1024xf32, #tpu.memory_space<hbm>>) target(%arg11 : memref<32x1024xf32, #tpu.memory_space<vmem>>) target_semaphore(%run_scoped3A : memref<!tpu.dma_semaphore, #tpu.memory_space<semaphore_mem>>)
      %dma_wait3A_174 = arith.constant 0 : i32
      %dma_wait3A_175 = tpu.memref_slice %arg5[%add3A_34, %dma_wait3A_174] : memref<2048x1024xf32, #tpu.memory_space<hbm>> -> memref<32x1024xf32, #tpu.memory_space<hbm>>
      %dma_wait3A_176 = arith.constant 0 : i32
      %dma_wait3A_177 = tpu.memref_slice %arg5[%add3A_34, %dma_wait3A_176] : memref<2048x1024xf32, #tpu.memory_space<hbm>> -> memref<32x1024xf32, #tpu.memory_space<hbm>>
      tpu.wait_dma2 semaphore(%run_scoped3A : memref<!tpu.dma_semaphore, #tpu.memory_space<semaphore_mem>>) src(%dma_wait3A_177 : memref<32x1024xf32, #tpu.memory_space<hbm>>) dst(%arg11 : memref<32x1024xf32, #tpu.memory_space<vmem>>)
      tpu.yield
    }) : () -> ()
    %scan3A_35 = arith.constant 0 : i32
    %scan3A_36 = arith.constant 0 : i32
    %scan3A_37 = arith.constant 32 : i32
    %scan3A_38 = arith.addi %scan3A_36, %scan3A_37 : i32
    %scan3A_39 = arith.constant 1 : i32
    %scan3A_40 = scf.for %scan3A_170 = %scan3A_36 to %scan3A_38 step %scan3A_39 iter_args(%scan3A_171 = %scan3A_35) -> (i32)  : i32 {
      %jit3A = arith.constant 16 : i32
      %div3A = arith.divsi %scan3A_170, %jit3A : i32
      %sign3A = arith.constant 0 : i32
      %sign3A_172 = arith.cmpi sgt, %scan3A_170, %sign3A : i32
      %sign3A_173 = arith.extui %sign3A_172 : i1 to i32
      %sign3A_174 = arith.constant 0 : i32
      %sign3A_175 = arith.cmpi slt, %scan3A_170, %sign3A_174 : i32
      %sign3A_176 = arith.extui %sign3A_175 : i1 to i32
      %sign3A_177 = arith.subi %sign3A_173, %sign3A_176 : i32
      %sign3A_178 = arith.constant 0 : i32
      %sign3A_179 = arith.cmpi sgt, %jit3A, %sign3A_178 : i32
      %sign3A_180 = arith.extui %sign3A_179 : i1 to i32
      %sign3A_181 = arith.constant 0 : i32
      %sign3A_182 = arith.cmpi slt, %jit3A, %sign3A_181 : i32
      %sign3A_183 = arith.extui %sign3A_182 : i1 to i32
      %sign3A_184 = arith.subi %sign3A_180, %sign3A_183 : i32
      %ne3A = arith.cmpi ne, %sign3A_177, %sign3A_184 : i32
      %rem3A_185 = arith.remsi %scan3A_170, %jit3A : i32
      %ne3A_186 = arith.constant 0 : i32
      %ne3A_187 = arith.cmpi ne, %rem3A_185, %ne3A_186 : i32
      %and3A = arith.andi %ne3A, %ne3A_187 : i1
      %sub3A = arith.constant 1 : i32
      %sub3A_188 = arith.subi %div3A, %sub3A : i32
      %select_n3A = arith.select %and3A, %sub3A_188, %div3A : i32
      %mul3A_189 = arith.constant 16 : i32
      %mul3A_190 = arith.muli %select_n3A, %mul3A_189 : i32
      %add3A_191 = arith.constant 32 : i32
      %add3A_192 = arith.addi %add3A_191, %mul3A_190 : i32
      %get3A = arith.index_cast %add3A_192 : i32 to index
      %get3A_193 = tpu.vector_load %arg14[%get3A] {strides = array<i32>} : memref<256xi32, #tpu.memory_space<vmem>>, vector<16xi32>,
      %convert_element_type3A = arith.sitofp %get3A_193 : vector<16xi32> to vector<16xf32>
      %rem3A_194 = arith.constant 16 : i32
      %rem3A_195 = arith.remsi %scan3A_170, %rem3A_194 : i32
      %eq3A = vector.broadcast %rem3A_195 : i32 to vector<16xi32>
      %eq3A_196 = arith.cmpi eq, %iota3A, %eq3A : vector<16xi32>
      %jit3A_197 = arith.constant 0.000000e+00 : f32
      %broadcast_in_dim3A_198 = vector.broadcast %jit3A_197 : f32 to vector<16xf32>
      %select_n3A_199 = arith.select %eq3A_196, %convert_element_type3A, %broadcast_in_dim3A_198 : vector<16xi1>, vector<16xf32>
      %reduce_sum3A = arith.constant true
      %reduce_sum3A_200 = vector.broadcast %reduce_sum3A : i1 to vector<16xi1>
      %reduce_sum3A_201 = tpu.scan <sum>, %select_n3A_199 masked %reduce_sum3A_200 : vector<16xf32>, vector<16xi1> -> vector<16xf32>
      %reduce_sum3A_202 = vector.extract %reduce_sum3A_201[15] : f32 from vector<16xf32>
      %convert_element_type3A_203 = arith.fptosi %reduce_sum3A_202 : f32 to i32
      %scan3A_204 = arith.constant 0 : i32
      %scan3A_205 = arith.constant 64 : i32
      %scan3A_206 = arith.addi %scan3A_204, %scan3A_205 : i32
      %scan3A_207 = arith.constant 1 : i32
      %scan3A_208:2 = scf.for %scan3A_269 = %scan3A_204 to %scan3A_206 step %scan3A_207 iter_args(%scan3A_270 = %broadcast_in_dim3A_4, %scan3A_271 = %broadcast_in_dim3A_4) -> (vector<16xf32>, vector<16xf32>)  : i32 {
        %mul3A_272 = arith.constant 16 : i32
        %mul3A_273 = arith.muli %scan3A_269, %mul3A_272 : i32
        %get3A_274 = arith.index_cast %scan3A_170 : i32 to index
        %get3A_275 = arith.index_cast %mul3A_273 : i32 to index
        %get3A_276 = tpu.vector_load %arg10[%get3A_274, %get3A_275] {strides = array<i32>} : memref<32x1024xf32, #tpu.memory_space<vmem>>, vector<16xf32>,
        %mul3A_277 = arith.constant 16 : i32
        %mul3A_278 = arith.muli %scan3A_269, %mul3A_277 : i32
        %get3A_279 = arith.index_cast %scan3A_170 : i32 to index
        %get3A_280 = arith.index_cast %mul3A_278 : i32 to index
        %get3A_281 = tpu.vector_load %arg11[%get3A_279, %get3A_280] {strides = array<i32>} : memref<32x1024xf32, #tpu.memory_space<vmem>>, vector<16xf32>,
        %add3A_282 = arith.addf %get3A_276, %get3A_281 : vector<16xf32>
        %mul3A_283 = arith.constant 16 : i32
        %mul3A_284 = arith.muli %scan3A_269, %mul3A_283 : i32
        %get3A_285 = arith.index_cast %convert_element_type3A_203 : i32 to index
        %get3A_286 = arith.index_cast %mul3A_284 : i32 to index
        %get3A_287 = tpu.vector_load %arg12[%get3A_285, %get3A_286] {strides = array<i32>} : memref<2x1024xf32, #tpu.memory_space<vmem>>, vector<16xf32>,
        %add3A_288 = arith.addf %add3A_282, %get3A_287 : vector<16xf32>
        %mul3A_289 = arith.constant 16 : i32
        %mul3A_290 = arith.muli %scan3A_269, %mul3A_289 : i32
        %swap3A = arith.index_cast %scan3A_170 : i32 to index
        %swap3A_291 = arith.index_cast %mul3A_290 : i32 to index
        %swap3A_292 = tpu.vector_load %arg10[%swap3A, %swap3A_291] {strides = array<i32>} : memref<32x1024xf32, #tpu.memory_space<vmem>>, vector<16xf32>,
        tpu.vector_store %arg10[%swap3A, %swap3A_291], %add3A_288 {strides = array<i32>} : memref<32x1024xf32, #tpu.memory_space<vmem>>, vector<16xf32>,
        %add3A_293 = arith.addf %scan3A_270, %add3A_288 : vector<16xf32>
        %mul3A_294 = arith.mulf %add3A_288, %add3A_288 : vector<16xf32>
        %add3A_295 = arith.addf %scan3A_271, %mul3A_294 : vector<16xf32>
        scf.yield %add3A_293, %add3A_295 : vector<16xf32>, vector<16xf32>
      }
      %scan3A_209 = arith.constant 64 : i32
      %reduce_sum3A_210 = arith.constant true
      %reduce_sum3A_211 = vector.broadcast %reduce_sum3A_210 : i1 to vector<16xi1>
      %reduce_sum3A_212 = tpu.scan <sum>, %scan3A_208#0 masked %reduce_sum3A_211 : vector<16xf32>, vector<16xi1> -> vector<16xf32>
      %reduce_sum3A_213 = vector.extract %reduce_sum3A_212[15] : f32 from vector<16xf32>
      %reduce_sum3A_214 = arith.constant true
      %reduce_sum3A_215 = vector.broadcast %reduce_sum3A_214 : i1 to vector<16xi1>
      %reduce_sum3A_216 = tpu.scan <sum>, %scan3A_208#1 masked %reduce_sum3A_215 : vector<16xf32>, vector<16xi1> -> vector<16xf32>
      %reduce_sum3A_217 = vector.extract %reduce_sum3A_216[15] : f32 from vector<16xf32>
      %mul3A_218 = arith.constant 9.765625E-4 : f32
      %mul3A_219 = arith.mulf %reduce_sum3A_213, %mul3A_218 : f32
      %mul3A_220 = arith.constant 9.765625E-4 : f32
      %mul3A_221 = arith.mulf %reduce_sum3A_217, %mul3A_220 : f32
      %mul3A_222 = arith.mulf %mul3A_219, %mul3A_219 : f32
      %sub3A_223 = arith.subf %mul3A_221, %mul3A_222 : f32
      %add3A_224 = arith.constant 9.99999996E-13 : f32
      %add3A_225 = arith.addf %sub3A_223, %add3A_224 : f32
      %broadcast_in_dim3A_226 = vector.broadcast %add3A_225 : f32 to vector<16xf32>
      %bitcast_convert_type3A = tpu.bitcast %broadcast_in_dim3A_226 : vector<16xf32> -> vector<16xi32>
      %shift_right_arithmetic3A = arith.constant 1 : i32
      %shift_right_arithmetic3A_227 = vector.broadcast %shift_right_arithmetic3A : i32 to vector<16xi32>
      %shift_right_arithmetic3A_228 = arith.shrsi %bitcast_convert_type3A, %shift_right_arithmetic3A_227 : vector<16xi32>
      %sub3A_229 = arith.constant 1597463007 : i32
      %sub3A_230 = vector.broadcast %sub3A_229 : i32 to vector<16xi32>
      %sub3A_231 = arith.subi %sub3A_230, %shift_right_arithmetic3A_228 : vector<16xi32>
      %bitcast_convert_type3A_232 = tpu.bitcast %sub3A_231 : vector<16xi32> -> vector<16xf32>
      %mul3A_233 = arith.constant 5.000000e-01 : f32
      %mul3A_234 = vector.broadcast %mul3A_233 : f32 to vector<16xf32>
      %mul3A_235 = arith.mulf %mul3A_234, %broadcast_in_dim3A_226 : vector<16xf32>
      %mul3A_236 = arith.mulf %mul3A_235, %bitcast_convert_type3A_232 : vector<16xf32>
      %mul3A_237 = arith.mulf %mul3A_236, %bitcast_convert_type3A_232 : vector<16xf32>
      %sub3A_238 = arith.constant 1.500000e+00 : f32
      %sub3A_239 = vector.broadcast %sub3A_238 : f32 to vector<16xf32>
      %sub3A_240 = arith.subf %sub3A_239, %mul3A_237 : vector<16xf32>
      %mul3A_241 = arith.mulf %bitcast_convert_type3A_232, %sub3A_240 : vector<16xf32>
      %mul3A_242 = arith.constant 5.000000e-01 : f32
      %mul3A_243 = vector.broadcast %mul3A_242 : f32 to vector<16xf32>
      %mul3A_244 = arith.mulf %mul3A_243, %broadcast_in_dim3A_226 : vector<16xf32>
      %mul3A_245 = arith.mulf %mul3A_244, %mul3A_241 : vector<16xf32>
      %mul3A_246 = arith.mulf %mul3A_245, %mul3A_241 : vector<16xf32>
      %sub3A_247 = arith.constant 1.500000e+00 : f32
      %sub3A_248 = vector.broadcast %sub3A_247 : f32 to vector<16xf32>
      %sub3A_249 = arith.subf %sub3A_248, %mul3A_246 : vector<16xf32>
      %mul3A_250 = arith.mulf %mul3A_241, %sub3A_249 : vector<16xf32>
      %mul3A_251 = arith.constant 5.000000e-01 : f32
      %mul3A_252 = vector.broadcast %mul3A_251 : f32 to vector<16xf32>
      %mul3A_253 = arith.mulf %mul3A_252, %broadcast_in_dim3A_226 : vector<16xf32>
      %mul3A_254 = arith.mulf %mul3A_253, %mul3A_250 : vector<16xf32>
      %mul3A_255 = arith.mulf %mul3A_254, %mul3A_250 : vector<16xf32>
      %sub3A_256 = arith.constant 1.500000e+00 : f32
      %sub3A_257 = vector.broadcast %sub3A_256 : f32 to vector<16xf32>
      %sub3A_258 = arith.subf %sub3A_257, %mul3A_255 : vector<16xf32>
      %mul3A_259 = arith.mulf %mul3A_250, %sub3A_258 : vector<16xf32>
      %broadcast_in_dim3A_260 = vector.broadcast %mul3A_219 : f32 to vector<16xf32>
      %scan3A_261 = arith.constant 0 : i32
      %scan3A_262 = arith.constant 0 : i32
      %scan3A_263 = arith.constant 64 : i32
      %scan3A_264 = arith.addi %scan3A_262, %scan3A_263 : i32
      %scan3A_265 = arith.constant 1 : i32
      %scan3A_266 = scf.for %scan3A_269 = %scan3A_262 to %scan3A_264 step %scan3A_265 iter_args(%scan3A_270 = %scan3A_261) -> (i32)  : i32 {
        %mul3A_271 = arith.constant 16 : i32
        %mul3A_272 = arith.muli %scan3A_269, %mul3A_271 : i32
        %get3A_273 = arith.index_cast %scan3A_170 : i32 to index
        %get3A_274 = arith.index_cast %mul3A_272 : i32 to index
        %get3A_275 = tpu.vector_load %arg10[%get3A_273, %get3A_274] {strides = array<i32>} : memref<32x1024xf32, #tpu.memory_space<vmem>>, vector<16xf32>,
        %mul3A_276 = arith.constant 16 : i32
        %mul3A_277 = arith.muli %scan3A_269, %mul3A_276 : i32
        %get3A_278 = arith.index_cast %mul3A_277 : i32 to index
        %get3A_279 = tpu.vector_load %arg15[%get3A_278] {strides = array<i32>} : memref<1024xf32, #tpu.memory_space<vmem>>, vector<16xf32>,
        %mul3A_280 = arith.constant 16 : i32
        %mul3A_281 = arith.muli %scan3A_269, %mul3A_280 : i32
        %get3A_282 = arith.index_cast %mul3A_281 : i32 to index
        %get3A_283 = tpu.vector_load %arg16[%get3A_282] {strides = array<i32>} : memref<1024xf32, #tpu.memory_space<vmem>>, vector<16xf32>,
        %sub3A_284 = arith.subf %get3A_275, %broadcast_in_dim3A_260 : vector<16xf32>
        %mul3A_285 = arith.mulf %sub3A_284, %mul3A_259 : vector<16xf32>
        %mul3A_286 = arith.mulf %mul3A_285, %get3A_279 : vector<16xf32>
        %add3A_287 = arith.addf %mul3A_286, %get3A_283 : vector<16xf32>
        %mul3A_288 = arith.constant 16 : i32
        %mul3A_289 = arith.muli %scan3A_269, %mul3A_288 : i32
        %swap3A = arith.index_cast %scan3A_170 : i32 to index
        %swap3A_290 = arith.index_cast %mul3A_289 : i32 to index
        %swap3A_291 = tpu.vector_load %arg10[%swap3A, %swap3A_290] {strides = array<i32>} : memref<32x1024xf32, #tpu.memory_space<vmem>>, vector<16xf32>,
        tpu.vector_store %arg10[%swap3A, %swap3A_290], %add3A_287 {strides = array<i32>} : memref<32x1024xf32, #tpu.memory_space<vmem>>, vector<16xf32>,
        %scan3A_292 = arith.constant 0 : i32
        scf.yield %scan3A_292 : i32
      }
      %scan3A_267 = arith.constant 64 : i32
      %scan3A_268 = arith.constant 0 : i32
      scf.yield %scan3A_268 : i32
    }
    %scan3A_41 = arith.constant 32 : i32
    %add3A_42 = arith.constant 32 : i32
    %add3A_43 = arith.addi %mul3A_2, %add3A_42 : i32
    "tpu.region"() ({
      %run_scoped3A = tpu.sem_alloc : memref<!tpu.dma_semaphore, #tpu.memory_space<semaphore_mem>>
      %dma_start3A_170 = arith.constant 0 : i32
      %dma_start3A_171 = tpu.memref_slice %arg9[%add3A_43, %dma_start3A_170] : memref<8192x1024xf32, #tpu.memory_space<hbm>> -> memref<32x1024xf32, #tpu.memory_space<hbm>>
      %dma_start3A_172 = arith.constant 0 : i32
      %dma_start3A_173 = tpu.memref_slice %arg9[%add3A_43, %dma_start3A_172] : memref<8192x1024xf32, #tpu.memory_space<hbm>> -> memref<32x1024xf32, #tpu.memory_space<hbm>>
      tpu.enqueue_dma source(%arg10 : memref<32x1024xf32, #tpu.memory_space<vmem>>) target(%dma_start3A_173 : memref<32x1024xf32, #tpu.memory_space<hbm>>) target_semaphore(%run_scoped3A : memref<!tpu.dma_semaphore, #tpu.memory_space<semaphore_mem>>)
      %dma_wait3A_174 = arith.constant 0 : i32
      %dma_wait3A_175 = tpu.memref_slice %arg9[%add3A_43, %dma_wait3A_174] : memref<8192x1024xf32, #tpu.memory_space<hbm>> -> memref<32x1024xf32, #tpu.memory_space<hbm>>
      %dma_wait3A_176 = arith.constant 0 : i32
      %dma_wait3A_177 = tpu.memref_slice %arg9[%add3A_43, %dma_wait3A_176] : memref<8192x1024xf32, #tpu.memory_space<hbm>> -> memref<32x1024xf32, #tpu.memory_space<hbm>>
      tpu.wait_dma2 semaphore(%run_scoped3A : memref<!tpu.dma_semaphore, #tpu.memory_space<semaphore_mem>>) src(%arg10 : memref<32x1024xf32, #tpu.memory_space<vmem>>) dst(%dma_wait3A_177 : memref<32x1024xf32, #tpu.memory_space<hbm>>)
      tpu.yield
    }) : () -> ()
    %dma_start3A_44 = arith.constant 64 : i32
    %dma_start3A_45 = tpu.memref_slice %arg13[%dma_start3A_44] : memref<256xi32, #tpu.memory_space<vmem>> -> memref<32xi32, #tpu.memory_space<vmem>>
    %dma_start3A_46 = arith.constant 0 : i32
    %dma_start3A_47 = arith.constant 0 : i32
    %dma_start3A_48 = tpu.memref_slice %arg4[%dma_start3A_46, %dma_start3A_47] : memref<30522x1024xf32, #tpu.memory_space<hbm>> -> memref<30522x1024xf32, #tpu.memory_space<hbm>>
    tpu.enqueue_indirect_dma source(%dma_start3A_48 : memref<30522x1024xf32, #tpu.memory_space<hbm>>) target(%arg10 : memref<32x1024xf32, #tpu.memory_space<vmem>>) offsets(%dma_start3A_45 : memref<32xi32, #tpu.memory_space<vmem>>) semaphore(%arg17 : memref<!tpu.dma_semaphore, #tpu.memory_space<semaphore_mem>>)
    %dma_wait3A_49 = arith.constant 64 : i32
    %dma_wait3A_50 = tpu.memref_slice %arg13[%dma_wait3A_49] : memref<256xi32, #tpu.memory_space<vmem>> -> memref<32xi32, #tpu.memory_space<vmem>>
    %dma_wait3A_51 = arith.constant 0 : i32
    %dma_wait3A_52 = arith.constant 0 : i32
    %dma_wait3A_53 = tpu.memref_slice %arg4[%dma_wait3A_51, %dma_wait3A_52] : memref<30522x1024xf32, #tpu.memory_space<hbm>> -> memref<30522x1024xf32, #tpu.memory_space<hbm>>
    tpu.wait_indirect_dma semaphore(%arg17 : memref<!tpu.dma_semaphore, #tpu.memory_space<semaphore_mem>>) src(%dma_wait3A_53 : memref<30522x1024xf32, #tpu.memory_space<hbm>>) dst(%arg10 : memref<32x1024xf32, #tpu.memory_space<vmem>>)
    %add3A_54 = arith.constant 64 : i32
    %add3A_55 = arith.addi %rem3A_3, %add3A_54 : i32
    "tpu.region"() ({
      %run_scoped3A = tpu.sem_alloc : memref<!tpu.dma_semaphore, #tpu.memory_space<semaphore_mem>>
      %dma_start3A_170 = arith.constant 0 : i32
      %dma_start3A_171 = tpu.memref_slice %arg5[%add3A_55, %dma_start3A_170] : memref<2048x1024xf32, #tpu.memory_space<hbm>> -> memref<32x1024xf32, #tpu.memory_space<hbm>>
      %dma_start3A_172 = arith.constant 0 : i32
      %dma_start3A_173 = tpu.memref_slice %arg5[%add3A_55, %dma_start3A_172] : memref<2048x1024xf32, #tpu.memory_space<hbm>> -> memref<32x1024xf32, #tpu.memory_space<hbm>>
      tpu.enqueue_dma source(%dma_start3A_173 : memref<32x1024xf32, #tpu.memory_space<hbm>>) target(%arg11 : memref<32x1024xf32, #tpu.memory_space<vmem>>) target_semaphore(%run_scoped3A : memref<!tpu.dma_semaphore, #tpu.memory_space<semaphore_mem>>)
      %dma_wait3A_174 = arith.constant 0 : i32
      %dma_wait3A_175 = tpu.memref_slice %arg5[%add3A_55, %dma_wait3A_174] : memref<2048x1024xf32, #tpu.memory_space<hbm>> -> memref<32x1024xf32, #tpu.memory_space<hbm>>
      %dma_wait3A_176 = arith.constant 0 : i32
      %dma_wait3A_177 = tpu.memref_slice %arg5[%add3A_55, %dma_wait3A_176] : memref<2048x1024xf32, #tpu.memory_space<hbm>> -> memref<32x1024xf32, #tpu.memory_space<hbm>>
      tpu.wait_dma2 semaphore(%run_scoped3A : memref<!tpu.dma_semaphore, #tpu.memory_space<semaphore_mem>>) src(%dma_wait3A_177 : memref<32x1024xf32, #tpu.memory_space<hbm>>) dst(%arg11 : memref<32x1024xf32, #tpu.memory_space<vmem>>)
      tpu.yield
    }) : () -> ()
    %scan3A_56 = arith.constant 0 : i32
    %scan3A_57 = arith.constant 0 : i32
    %scan3A_58 = arith.constant 32 : i32
    %scan3A_59 = arith.addi %scan3A_57, %scan3A_58 : i32
    %scan3A_60 = arith.constant 1 : i32
    %scan3A_61 = scf.for %scan3A_170 = %scan3A_57 to %scan3A_59 step %scan3A_60 iter_args(%scan3A_171 = %scan3A_56) -> (i32)  : i32 {
      %jit3A = arith.constant 16 : i32
      %div3A = arith.divsi %scan3A_170, %jit3A : i32
      %sign3A = arith.constant 0 : i32
      %sign3A_172 = arith.cmpi sgt, %scan3A_170, %sign3A : i32
      %sign3A_173 = arith.extui %sign3A_172 : i1 to i32
      %sign3A_174 = arith.constant 0 : i32
      %sign3A_175 = arith.cmpi slt, %scan3A_170, %sign3A_174 : i32
      %sign3A_176 = arith.extui %sign3A_175 : i1 to i32
      %sign3A_177 = arith.subi %sign3A_173, %sign3A_176 : i32
      %sign3A_178 = arith.constant 0 : i32
      %sign3A_179 = arith.cmpi sgt, %jit3A, %sign3A_178 : i32
      %sign3A_180 = arith.extui %sign3A_179 : i1 to i32
      %sign3A_181 = arith.constant 0 : i32
      %sign3A_182 = arith.cmpi slt, %jit3A, %sign3A_181 : i32
      %sign3A_183 = arith.extui %sign3A_182 : i1 to i32
      %sign3A_184 = arith.subi %sign3A_180, %sign3A_183 : i32
      %ne3A = arith.cmpi ne, %sign3A_177, %sign3A_184 : i32
      %rem3A_185 = arith.remsi %scan3A_170, %jit3A : i32
      %ne3A_186 = arith.constant 0 : i32
      %ne3A_187 = arith.cmpi ne, %rem3A_185, %ne3A_186 : i32
      %and3A = arith.andi %ne3A, %ne3A_187 : i1
      %sub3A = arith.constant 1 : i32
      %sub3A_188 = arith.subi %div3A, %sub3A : i32
      %select_n3A = arith.select %and3A, %sub3A_188, %div3A : i32
      %mul3A_189 = arith.constant 16 : i32
      %mul3A_190 = arith.muli %select_n3A, %mul3A_189 : i32
      %add3A_191 = arith.constant 64 : i32
      %add3A_192 = arith.addi %add3A_191, %mul3A_190 : i32
      %get3A = arith.index_cast %add3A_192 : i32 to index
      %get3A_193 = tpu.vector_load %arg14[%get3A] {strides = array<i32>} : memref<256xi32, #tpu.memory_space<vmem>>, vector<16xi32>,
      %convert_element_type3A = arith.sitofp %get3A_193 : vector<16xi32> to vector<16xf32>
      %rem3A_194 = arith.constant 16 : i32
      %rem3A_195 = arith.remsi %scan3A_170, %rem3A_194 : i32
      %eq3A = vector.broadcast %rem3A_195 : i32 to vector<16xi32>
      %eq3A_196 = arith.cmpi eq, %iota3A, %eq3A : vector<16xi32>
      %jit3A_197 = arith.constant 0.000000e+00 : f32
      %broadcast_in_dim3A_198 = vector.broadcast %jit3A_197 : f32 to vector<16xf32>
      %select_n3A_199 = arith.select %eq3A_196, %convert_element_type3A, %broadcast_in_dim3A_198 : vector<16xi1>, vector<16xf32>
      %reduce_sum3A = arith.constant true
      %reduce_sum3A_200 = vector.broadcast %reduce_sum3A : i1 to vector<16xi1>
      %reduce_sum3A_201 = tpu.scan <sum>, %select_n3A_199 masked %reduce_sum3A_200 : vector<16xf32>, vector<16xi1> -> vector<16xf32>
      %reduce_sum3A_202 = vector.extract %reduce_sum3A_201[15] : f32 from vector<16xf32>
      %convert_element_type3A_203 = arith.fptosi %reduce_sum3A_202 : f32 to i32
      %scan3A_204 = arith.constant 0 : i32
      %scan3A_205 = arith.constant 64 : i32
      %scan3A_206 = arith.addi %scan3A_204, %scan3A_205 : i32
      %scan3A_207 = arith.constant 1 : i32
      %scan3A_208:2 = scf.for %scan3A_269 = %scan3A_204 to %scan3A_206 step %scan3A_207 iter_args(%scan3A_270 = %broadcast_in_dim3A_4, %scan3A_271 = %broadcast_in_dim3A_4) -> (vector<16xf32>, vector<16xf32>)  : i32 {
        %mul3A_272 = arith.constant 16 : i32
        %mul3A_273 = arith.muli %scan3A_269, %mul3A_272 : i32
        %get3A_274 = arith.index_cast %scan3A_170 : i32 to index
        %get3A_275 = arith.index_cast %mul3A_273 : i32 to index
        %get3A_276 = tpu.vector_load %arg10[%get3A_274, %get3A_275] {strides = array<i32>} : memref<32x1024xf32, #tpu.memory_space<vmem>>, vector<16xf32>,
        %mul3A_277 = arith.constant 16 : i32
        %mul3A_278 = arith.muli %scan3A_269, %mul3A_277 : i32
        %get3A_279 = arith.index_cast %scan3A_170 : i32 to index
        %get3A_280 = arith.index_cast %mul3A_278 : i32 to index
        %get3A_281 = tpu.vector_load %arg11[%get3A_279, %get3A_280] {strides = array<i32>} : memref<32x1024xf32, #tpu.memory_space<vmem>>, vector<16xf32>,
        %add3A_282 = arith.addf %get3A_276, %get3A_281 : vector<16xf32>
        %mul3A_283 = arith.constant 16 : i32
        %mul3A_284 = arith.muli %scan3A_269, %mul3A_283 : i32
        %get3A_285 = arith.index_cast %convert_element_type3A_203 : i32 to index
        %get3A_286 = arith.index_cast %mul3A_284 : i32 to index
        %get3A_287 = tpu.vector_load %arg12[%get3A_285, %get3A_286] {strides = array<i32>} : memref<2x1024xf32, #tpu.memory_space<vmem>>, vector<16xf32>,
        %add3A_288 = arith.addf %add3A_282, %get3A_287 : vector<16xf32>
        %mul3A_289 = arith.constant 16 : i32
        %mul3A_290 = arith.muli %scan3A_269, %mul3A_289 : i32
        %swap3A = arith.index_cast %scan3A_170 : i32 to index
        %swap3A_291 = arith.index_cast %mul3A_290 : i32 to index
        %swap3A_292 = tpu.vector_load %arg10[%swap3A, %swap3A_291] {strides = array<i32>} : memref<32x1024xf32, #tpu.memory_space<vmem>>, vector<16xf32>,
        tpu.vector_store %arg10[%swap3A, %swap3A_291], %add3A_288 {strides = array<i32>} : memref<32x1024xf32, #tpu.memory_space<vmem>>, vector<16xf32>,
        %add3A_293 = arith.addf %scan3A_270, %add3A_288 : vector<16xf32>
        %mul3A_294 = arith.mulf %add3A_288, %add3A_288 : vector<16xf32>
        %add3A_295 = arith.addf %scan3A_271, %mul3A_294 : vector<16xf32>
        scf.yield %add3A_293, %add3A_295 : vector<16xf32>, vector<16xf32>
      }
      %scan3A_209 = arith.constant 64 : i32
      %reduce_sum3A_210 = arith.constant true
      %reduce_sum3A_211 = vector.broadcast %reduce_sum3A_210 : i1 to vector<16xi1>
      %reduce_sum3A_212 = tpu.scan <sum>, %scan3A_208#0 masked %reduce_sum3A_211 : vector<16xf32>, vector<16xi1> -> vector<16xf32>
      %reduce_sum3A_213 = vector.extract %reduce_sum3A_212[15] : f32 from vector<16xf32>
      %reduce_sum3A_214 = arith.constant true
      %reduce_sum3A_215 = vector.broadcast %reduce_sum3A_214 : i1 to vector<16xi1>
      %reduce_sum3A_216 = tpu.scan <sum>, %scan3A_208#1 masked %reduce_sum3A_215 : vector<16xf32>, vector<16xi1> -> vector<16xf32>
      %reduce_sum3A_217 = vector.extract %reduce_sum3A_216[15] : f32 from vector<16xf32>
      %mul3A_218 = arith.constant 9.765625E-4 : f32
      %mul3A_219 = arith.mulf %reduce_sum3A_213, %mul3A_218 : f32
      %mul3A_220 = arith.constant 9.765625E-4 : f32
      %mul3A_221 = arith.mulf %reduce_sum3A_217, %mul3A_220 : f32
      %mul3A_222 = arith.mulf %mul3A_219, %mul3A_219 : f32
      %sub3A_223 = arith.subf %mul3A_221, %mul3A_222 : f32
      %add3A_224 = arith.constant 9.99999996E-13 : f32
      %add3A_225 = arith.addf %sub3A_223, %add3A_224 : f32
      %broadcast_in_dim3A_226 = vector.broadcast %add3A_225 : f32 to vector<16xf32>
      %bitcast_convert_type3A = tpu.bitcast %broadcast_in_dim3A_226 : vector<16xf32> -> vector<16xi32>
      %shift_right_arithmetic3A = arith.constant 1 : i32
      %shift_right_arithmetic3A_227 = vector.broadcast %shift_right_arithmetic3A : i32 to vector<16xi32>
      %shift_right_arithmetic3A_228 = arith.shrsi %bitcast_convert_type3A, %shift_right_arithmetic3A_227 : vector<16xi32>
      %sub3A_229 = arith.constant 1597463007 : i32
      %sub3A_230 = vector.broadcast %sub3A_229 : i32 to vector<16xi32>
      %sub3A_231 = arith.subi %sub3A_230, %shift_right_arithmetic3A_228 : vector<16xi32>
      %bitcast_convert_type3A_232 = tpu.bitcast %sub3A_231 : vector<16xi32> -> vector<16xf32>
      %mul3A_233 = arith.constant 5.000000e-01 : f32
      %mul3A_234 = vector.broadcast %mul3A_233 : f32 to vector<16xf32>
      %mul3A_235 = arith.mulf %mul3A_234, %broadcast_in_dim3A_226 : vector<16xf32>
      %mul3A_236 = arith.mulf %mul3A_235, %bitcast_convert_type3A_232 : vector<16xf32>
      %mul3A_237 = arith.mulf %mul3A_236, %bitcast_convert_type3A_232 : vector<16xf32>
      %sub3A_238 = arith.constant 1.500000e+00 : f32
      %sub3A_239 = vector.broadcast %sub3A_238 : f32 to vector<16xf32>
      %sub3A_240 = arith.subf %sub3A_239, %mul3A_237 : vector<16xf32>
      %mul3A_241 = arith.mulf %bitcast_convert_type3A_232, %sub3A_240 : vector<16xf32>
      %mul3A_242 = arith.constant 5.000000e-01 : f32
      %mul3A_243 = vector.broadcast %mul3A_242 : f32 to vector<16xf32>
      %mul3A_244 = arith.mulf %mul3A_243, %broadcast_in_dim3A_226 : vector<16xf32>
      %mul3A_245 = arith.mulf %mul3A_244, %mul3A_241 : vector<16xf32>
      %mul3A_246 = arith.mulf %mul3A_245, %mul3A_241 : vector<16xf32>
      %sub3A_247 = arith.constant 1.500000e+00 : f32
      %sub3A_248 = vector.broadcast %sub3A_247 : f32 to vector<16xf32>
      %sub3A_249 = arith.subf %sub3A_248, %mul3A_246 : vector<16xf32>
      %mul3A_250 = arith.mulf %mul3A_241, %sub3A_249 : vector<16xf32>
      %mul3A_251 = arith.constant 5.000000e-01 : f32
      %mul3A_252 = vector.broadcast %mul3A_251 : f32 to vector<16xf32>
      %mul3A_253 = arith.mulf %mul3A_252, %broadcast_in_dim3A_226 : vector<16xf32>
      %mul3A_254 = arith.mulf %mul3A_253, %mul3A_250 : vector<16xf32>
      %mul3A_255 = arith.mulf %mul3A_254, %mul3A_250 : vector<16xf32>
      %sub3A_256 = arith.constant 1.500000e+00 : f32
      %sub3A_257 = vector.broadcast %sub3A_256 : f32 to vector<16xf32>
      %sub3A_258 = arith.subf %sub3A_257, %mul3A_255 : vector<16xf32>
      %mul3A_259 = arith.mulf %mul3A_250, %sub3A_258 : vector<16xf32>
      %broadcast_in_dim3A_260 = vector.broadcast %mul3A_219 : f32 to vector<16xf32>
      %scan3A_261 = arith.constant 0 : i32
      %scan3A_262 = arith.constant 0 : i32
      %scan3A_263 = arith.constant 64 : i32
      %scan3A_264 = arith.addi %scan3A_262, %scan3A_263 : i32
      %scan3A_265 = arith.constant 1 : i32
      %scan3A_266 = scf.for %scan3A_269 = %scan3A_262 to %scan3A_264 step %scan3A_265 iter_args(%scan3A_270 = %scan3A_261) -> (i32)  : i32 {
        %mul3A_271 = arith.constant 16 : i32
        %mul3A_272 = arith.muli %scan3A_269, %mul3A_271 : i32
        %get3A_273 = arith.index_cast %scan3A_170 : i32 to index
        %get3A_274 = arith.index_cast %mul3A_272 : i32 to index
        %get3A_275 = tpu.vector_load %arg10[%get3A_273, %get3A_274] {strides = array<i32>} : memref<32x1024xf32, #tpu.memory_space<vmem>>, vector<16xf32>,
        %mul3A_276 = arith.constant 16 : i32
        %mul3A_277 = arith.muli %scan3A_269, %mul3A_276 : i32
        %get3A_278 = arith.index_cast %mul3A_277 : i32 to index
        %get3A_279 = tpu.vector_load %arg15[%get3A_278] {strides = array<i32>} : memref<1024xf32, #tpu.memory_space<vmem>>, vector<16xf32>,
        %mul3A_280 = arith.constant 16 : i32
        %mul3A_281 = arith.muli %scan3A_269, %mul3A_280 : i32
        %get3A_282 = arith.index_cast %mul3A_281 : i32 to index
        %get3A_283 = tpu.vector_load %arg16[%get3A_282] {strides = array<i32>} : memref<1024xf32, #tpu.memory_space<vmem>>, vector<16xf32>,
        %sub3A_284 = arith.subf %get3A_275, %broadcast_in_dim3A_260 : vector<16xf32>
        %mul3A_285 = arith.mulf %sub3A_284, %mul3A_259 : vector<16xf32>
        %mul3A_286 = arith.mulf %mul3A_285, %get3A_279 : vector<16xf32>
        %add3A_287 = arith.addf %mul3A_286, %get3A_283 : vector<16xf32>
        %mul3A_288 = arith.constant 16 : i32
        %mul3A_289 = arith.muli %scan3A_269, %mul3A_288 : i32
        %swap3A = arith.index_cast %scan3A_170 : i32 to index
        %swap3A_290 = arith.index_cast %mul3A_289 : i32 to index
        %swap3A_291 = tpu.vector_load %arg10[%swap3A, %swap3A_290] {strides = array<i32>} : memref<32x1024xf32, #tpu.memory_space<vmem>>, vector<16xf32>,
        tpu.vector_store %arg10[%swap3A, %swap3A_290], %add3A_287 {strides = array<i32>} : memref<32x1024xf32, #tpu.memory_space<vmem>>, vector<16xf32>,
        %scan3A_292 = arith.constant 0 : i32
        scf.yield %scan3A_292 : i32
      }
      %scan3A_267 = arith.constant 64 : i32
      %scan3A_268 = arith.constant 0 : i32
      scf.yield %scan3A_268 : i32
    }
    %scan3A_62 = arith.constant 32 : i32
    %add3A_63 = arith.constant 64 : i32
    %add3A_64 = arith.addi %mul3A_2, %add3A_63 : i32
    "tpu.region"() ({
      %run_scoped3A = tpu.sem_alloc : memref<!tpu.dma_semaphore, #tpu.memory_space<semaphore_mem>>
      %dma_start3A_170 = arith.constant 0 : i32
      %dma_start3A_171 = tpu.memref_slice %arg9[%add3A_64, %dma_start3A_170] : memref<8192x1024xf32, #tpu.memory_space<hbm>> -> memref<32x1024xf32, #tpu.memory_space<hbm>>
      %dma_start3A_172 = arith.constant 0 : i32
      %dma_start3A_173 = tpu.memref_slice %arg9[%add3A_64, %dma_start3A_172] : memref<8192x1024xf32, #tpu.memory_space<hbm>> -> memref<32x1024xf32, #tpu.memory_space<hbm>>
      tpu.enqueue_dma source(%arg10 : memref<32x1024xf32, #tpu.memory_space<vmem>>) target(%dma_start3A_173 : memref<32x1024xf32, #tpu.memory_space<hbm>>) target_semaphore(%run_scoped3A : memref<!tpu.dma_semaphore, #tpu.memory_space<semaphore_mem>>)
      %dma_wait3A_174 = arith.constant 0 : i32
      %dma_wait3A_175 = tpu.memref_slice %arg9[%add3A_64, %dma_wait3A_174] : memref<8192x1024xf32, #tpu.memory_space<hbm>> -> memref<32x1024xf32, #tpu.memory_space<hbm>>
      %dma_wait3A_176 = arith.constant 0 : i32
      %dma_wait3A_177 = tpu.memref_slice %arg9[%add3A_64, %dma_wait3A_176] : memref<8192x1024xf32, #tpu.memory_space<hbm>> -> memref<32x1024xf32, #tpu.memory_space<hbm>>
      tpu.wait_dma2 semaphore(%run_scoped3A : memref<!tpu.dma_semaphore, #tpu.memory_space<semaphore_mem>>) src(%arg10 : memref<32x1024xf32, #tpu.memory_space<vmem>>) dst(%dma_wait3A_177 : memref<32x1024xf32, #tpu.memory_space<hbm>>)
      tpu.yield
    }) : () -> ()
    %dma_start3A_65 = arith.constant 96 : i32
    %dma_start3A_66 = tpu.memref_slice %arg13[%dma_start3A_65] : memref<256xi32, #tpu.memory_space<vmem>> -> memref<32xi32, #tpu.memory_space<vmem>>
    %dma_start3A_67 = arith.constant 0 : i32
    %dma_start3A_68 = arith.constant 0 : i32
    %dma_start3A_69 = tpu.memref_slice %arg4[%dma_start3A_67, %dma_start3A_68] : memref<30522x1024xf32, #tpu.memory_space<hbm>> -> memref<30522x1024xf32, #tpu.memory_space<hbm>>
    tpu.enqueue_indirect_dma source(%dma_start3A_69 : memref<30522x1024xf32, #tpu.memory_space<hbm>>) target(%arg10 : memref<32x1024xf32, #tpu.memory_space<vmem>>) offsets(%dma_start3A_66 : memref<32xi32, #tpu.memory_space<vmem>>) semaphore(%arg17 : memref<!tpu.dma_semaphore, #tpu.memory_space<semaphore_mem>>)
    %dma_wait3A_70 = arith.constant 96 : i32
    %dma_wait3A_71 = tpu.memref_slice %arg13[%dma_wait3A_70] : memref<256xi32, #tpu.memory_space<vmem>> -> memref<32xi32, #tpu.memory_space<vmem>>
    %dma_wait3A_72 = arith.constant 0 : i32
    %dma_wait3A_73 = arith.constant 0 : i32
    %dma_wait3A_74 = tpu.memref_slice %arg4[%dma_wait3A_72, %dma_wait3A_73] : memref<30522x1024xf32, #tpu.memory_space<hbm>> -> memref<30522x1024xf32, #tpu.memory_space<hbm>>
    tpu.wait_indirect_dma semaphore(%arg17 : memref<!tpu.dma_semaphore, #tpu.memory_space<semaphore_mem>>) src(%dma_wait3A_74 : memref<30522x1024xf32, #tpu.memory_space<hbm>>) dst(%arg10 : memref<32x1024xf32, #tpu.memory_space<vmem>>)
    %add3A_75 = arith.constant 96 : i32
    %add3A_76 = arith.addi %rem3A_3, %add3A_75 : i32
    "tpu.region"() ({
      %run_scoped3A = tpu.sem_alloc : memref<!tpu.dma_semaphore, #tpu.memory_space<semaphore_mem>>
      %dma_start3A_170 = arith.constant 0 : i32
      %dma_start3A_171 = tpu.memref_slice %arg5[%add3A_76, %dma_start3A_170] : memref<2048x1024xf32, #tpu.memory_space<hbm>> -> memref<32x1024xf32, #tpu.memory_space<hbm>>
      %dma_start3A_172 = arith.constant 0 : i32
      %dma_start3A_173 = tpu.memref_slice %arg5[%add3A_76, %dma_start3A_172] : memref<2048x1024xf32, #tpu.memory_space<hbm>> -> memref<32x1024xf32, #tpu.memory_space<hbm>>
      tpu.enqueue_dma source(%dma_start3A_173 : memref<32x1024xf32, #tpu.memory_space<hbm>>) target(%arg11 : memref<32x1024xf32, #tpu.memory_space<vmem>>) target_semaphore(%run_scoped3A : memref<!tpu.dma_semaphore, #tpu.memory_space<semaphore_mem>>)
      %dma_wait3A_174 = arith.constant 0 : i32
      %dma_wait3A_175 = tpu.memref_slice %arg5[%add3A_76, %dma_wait3A_174] : memref<2048x1024xf32, #tpu.memory_space<hbm>> -> memref<32x1024xf32, #tpu.memory_space<hbm>>
      %dma_wait3A_176 = arith.constant 0 : i32
      %dma_wait3A_177 = tpu.memref_slice %arg5[%add3A_76, %dma_wait3A_176] : memref<2048x1024xf32, #tpu.memory_space<hbm>> -> memref<32x1024xf32, #tpu.memory_space<hbm>>
      tpu.wait_dma2 semaphore(%run_scoped3A : memref<!tpu.dma_semaphore, #tpu.memory_space<semaphore_mem>>) src(%dma_wait3A_177 : memref<32x1024xf32, #tpu.memory_space<hbm>>) dst(%arg11 : memref<32x1024xf32, #tpu.memory_space<vmem>>)
      tpu.yield
    }) : () -> ()
    %scan3A_77 = arith.constant 0 : i32
    %scan3A_78 = arith.constant 0 : i32
    %scan3A_79 = arith.constant 32 : i32
    %scan3A_80 = arith.addi %scan3A_78, %scan3A_79 : i32
    %scan3A_81 = arith.constant 1 : i32
    %scan3A_82 = scf.for %scan3A_170 = %scan3A_78 to %scan3A_80 step %scan3A_81 iter_args(%scan3A_171 = %scan3A_77) -> (i32)  : i32 {
      %jit3A = arith.constant 16 : i32
      %div3A = arith.divsi %scan3A_170, %jit3A : i32
      %sign3A = arith.constant 0 : i32
      %sign3A_172 = arith.cmpi sgt, %scan3A_170, %sign3A : i32
      %sign3A_173 = arith.extui %sign3A_172 : i1 to i32
      %sign3A_174 = arith.constant 0 : i32
      %sign3A_175 = arith.cmpi slt, %scan3A_170, %sign3A_174 : i32
      %sign3A_176 = arith.extui %sign3A_175 : i1 to i32
      %sign3A_177 = arith.subi %sign3A_173, %sign3A_176 : i32
      %sign3A_178 = arith.constant 0 : i32
      %sign3A_179 = arith.cmpi sgt, %jit3A, %sign3A_178 : i32
      %sign3A_180 = arith.extui %sign3A_179 : i1 to i32
      %sign3A_181 = arith.constant 0 : i32
      %sign3A_182 = arith.cmpi slt, %jit3A, %sign3A_181 : i32
      %sign3A_183 = arith.extui %sign3A_182 : i1 to i32
      %sign3A_184 = arith.subi %sign3A_180, %sign3A_183 : i32
      %ne3A = arith.cmpi ne, %sign3A_177, %sign3A_184 : i32
      %rem3A_185 = arith.remsi %scan3A_170, %jit3A : i32
      %ne3A_186 = arith.constant 0 : i32
      %ne3A_187 = arith.cmpi ne, %rem3A_185, %ne3A_186 : i32
      %and3A = arith.andi %ne3A, %ne3A_187 : i1
      %sub3A = arith.constant 1 : i32
      %sub3A_188 = arith.subi %div3A, %sub3A : i32
      %select_n3A = arith.select %and3A, %sub3A_188, %div3A : i32
      %mul3A_189 = arith.constant 16 : i32
      %mul3A_190 = arith.muli %select_n3A, %mul3A_189 : i32
      %add3A_191 = arith.constant 96 : i32
      %add3A_192 = arith.addi %add3A_191, %mul3A_190 : i32
      %get3A = arith.index_cast %add3A_192 : i32 to index
      %get3A_193 = tpu.vector_load %arg14[%get3A] {strides = array<i32>} : memref<256xi32, #tpu.memory_space<vmem>>, vector<16xi32>,
      %convert_element_type3A = arith.sitofp %get3A_193 : vector<16xi32> to vector<16xf32>
      %rem3A_194 = arith.constant 16 : i32
      %rem3A_195 = arith.remsi %scan3A_170, %rem3A_194 : i32
      %eq3A = vector.broadcast %rem3A_195 : i32 to vector<16xi32>
      %eq3A_196 = arith.cmpi eq, %iota3A, %eq3A : vector<16xi32>
      %jit3A_197 = arith.constant 0.000000e+00 : f32
      %broadcast_in_dim3A_198 = vector.broadcast %jit3A_197 : f32 to vector<16xf32>
      %select_n3A_199 = arith.select %eq3A_196, %convert_element_type3A, %broadcast_in_dim3A_198 : vector<16xi1>, vector<16xf32>
      %reduce_sum3A = arith.constant true
      %reduce_sum3A_200 = vector.broadcast %reduce_sum3A : i1 to vector<16xi1>
      %reduce_sum3A_201 = tpu.scan <sum>, %select_n3A_199 masked %reduce_sum3A_200 : vector<16xf32>, vector<16xi1> -> vector<16xf32>
      %reduce_sum3A_202 = vector.extract %reduce_sum3A_201[15] : f32 from vector<16xf32>
      %convert_element_type3A_203 = arith.fptosi %reduce_sum3A_202 : f32 to i32
      %scan3A_204 = arith.constant 0 : i32
      %scan3A_205 = arith.constant 64 : i32
      %scan3A_206 = arith.addi %scan3A_204, %scan3A_205 : i32
      %scan3A_207 = arith.constant 1 : i32
      %scan3A_208:2 = scf.for %scan3A_269 = %scan3A_204 to %scan3A_206 step %scan3A_207 iter_args(%scan3A_270 = %broadcast_in_dim3A_4, %scan3A_271 = %broadcast_in_dim3A_4) -> (vector<16xf32>, vector<16xf32>)  : i32 {
        %mul3A_272 = arith.constant 16 : i32
        %mul3A_273 = arith.muli %scan3A_269, %mul3A_272 : i32
        %get3A_274 = arith.index_cast %scan3A_170 : i32 to index
        %get3A_275 = arith.index_cast %mul3A_273 : i32 to index
        %get3A_276 = tpu.vector_load %arg10[%get3A_274, %get3A_275] {strides = array<i32>} : memref<32x1024xf32, #tpu.memory_space<vmem>>, vector<16xf32>,
        %mul3A_277 = arith.constant 16 : i32
        %mul3A_278 = arith.muli %scan3A_269, %mul3A_277 : i32
        %get3A_279 = arith.index_cast %scan3A_170 : i32 to index
        %get3A_280 = arith.index_cast %mul3A_278 : i32 to index
        %get3A_281 = tpu.vector_load %arg11[%get3A_279, %get3A_280] {strides = array<i32>} : memref<32x1024xf32, #tpu.memory_space<vmem>>, vector<16xf32>,
        %add3A_282 = arith.addf %get3A_276, %get3A_281 : vector<16xf32>
        %mul3A_283 = arith.constant 16 : i32
        %mul3A_284 = arith.muli %scan3A_269, %mul3A_283 : i32
        %get3A_285 = arith.index_cast %convert_element_type3A_203 : i32 to index
        %get3A_286 = arith.index_cast %mul3A_284 : i32 to index
        %get3A_287 = tpu.vector_load %arg12[%get3A_285, %get3A_286] {strides = array<i32>} : memref<2x1024xf32, #tpu.memory_space<vmem>>, vector<16xf32>,
        %add3A_288 = arith.addf %add3A_282, %get3A_287 : vector<16xf32>
        %mul3A_289 = arith.constant 16 : i32
        %mul3A_290 = arith.muli %scan3A_269, %mul3A_289 : i32
        %swap3A = arith.index_cast %scan3A_170 : i32 to index
        %swap3A_291 = arith.index_cast %mul3A_290 : i32 to index
        %swap3A_292 = tpu.vector_load %arg10[%swap3A, %swap3A_291] {strides = array<i32>} : memref<32x1024xf32, #tpu.memory_space<vmem>>, vector<16xf32>,
        tpu.vector_store %arg10[%swap3A, %swap3A_291], %add3A_288 {strides = array<i32>} : memref<32x1024xf32, #tpu.memory_space<vmem>>, vector<16xf32>,
        %add3A_293 = arith.addf %scan3A_270, %add3A_288 : vector<16xf32>
        %mul3A_294 = arith.mulf %add3A_288, %add3A_288 : vector<16xf32>
        %add3A_295 = arith.addf %scan3A_271, %mul3A_294 : vector<16xf32>
        scf.yield %add3A_293, %add3A_295 : vector<16xf32>, vector<16xf32>
      }
      %scan3A_209 = arith.constant 64 : i32
      %reduce_sum3A_210 = arith.constant true
      %reduce_sum3A_211 = vector.broadcast %reduce_sum3A_210 : i1 to vector<16xi1>
      %reduce_sum3A_212 = tpu.scan <sum>, %scan3A_208#0 masked %reduce_sum3A_211 : vector<16xf32>, vector<16xi1> -> vector<16xf32>
      %reduce_sum3A_213 = vector.extract %reduce_sum3A_212[15] : f32 from vector<16xf32>
      %reduce_sum3A_214 = arith.constant true
      %reduce_sum3A_215 = vector.broadcast %reduce_sum3A_214 : i1 to vector<16xi1>
      %reduce_sum3A_216 = tpu.scan <sum>, %scan3A_208#1 masked %reduce_sum3A_215 : vector<16xf32>, vector<16xi1> -> vector<16xf32>
      %reduce_sum3A_217 = vector.extract %reduce_sum3A_216[15] : f32 from vector<16xf32>
      %mul3A_218 = arith.constant 9.765625E-4 : f32
      %mul3A_219 = arith.mulf %reduce_sum3A_213, %mul3A_218 : f32
      %mul3A_220 = arith.constant 9.765625E-4 : f32
      %mul3A_221 = arith.mulf %reduce_sum3A_217, %mul3A_220 : f32
      %mul3A_222 = arith.mulf %mul3A_219, %mul3A_219 : f32
      %sub3A_223 = arith.subf %mul3A_221, %mul3A_222 : f32
      %add3A_224 = arith.constant 9.99999996E-13 : f32
      %add3A_225 = arith.addf %sub3A_223, %add3A_224 : f32
      %broadcast_in_dim3A_226 = vector.broadcast %add3A_225 : f32 to vector<16xf32>
      %bitcast_convert_type3A = tpu.bitcast %broadcast_in_dim3A_226 : vector<16xf32> -> vector<16xi32>
      %shift_right_arithmetic3A = arith.constant 1 : i32
      %shift_right_arithmetic3A_227 = vector.broadcast %shift_right_arithmetic3A : i32 to vector<16xi32>
      %shift_right_arithmetic3A_228 = arith.shrsi %bitcast_convert_type3A, %shift_right_arithmetic3A_227 : vector<16xi32>
      %sub3A_229 = arith.constant 1597463007 : i32
      %sub3A_230 = vector.broadcast %sub3A_229 : i32 to vector<16xi32>
      %sub3A_231 = arith.subi %sub3A_230, %shift_right_arithmetic3A_228 : vector<16xi32>
      %bitcast_convert_type3A_232 = tpu.bitcast %sub3A_231 : vector<16xi32> -> vector<16xf32>
      %mul3A_233 = arith.constant 5.000000e-01 : f32
      %mul3A_234 = vector.broadcast %mul3A_233 : f32 to vector<16xf32>
      %mul3A_235 = arith.mulf %mul3A_234, %broadcast_in_dim3A_226 : vector<16xf32>
      %mul3A_236 = arith.mulf %mul3A_235, %bitcast_convert_type3A_232 : vector<16xf32>
      %mul3A_237 = arith.mulf %mul3A_236, %bitcast_convert_type3A_232 : vector<16xf32>
      %sub3A_238 = arith.constant 1.500000e+00 : f32
      %sub3A_239 = vector.broadcast %sub3A_238 : f32 to vector<16xf32>
      %sub3A_240 = arith.subf %sub3A_239, %mul3A_237 : vector<16xf32>
      %mul3A_241 = arith.mulf %bitcast_convert_type3A_232, %sub3A_240 : vector<16xf32>
      %mul3A_242 = arith.constant 5.000000e-01 : f32
      %mul3A_243 = vector.broadcast %mul3A_242 : f32 to vector<16xf32>
      %mul3A_244 = arith.mulf %mul3A_243, %broadcast_in_dim3A_226 : vector<16xf32>
      %mul3A_245 = arith.mulf %mul3A_244, %mul3A_241 : vector<16xf32>
      %mul3A_246 = arith.mulf %mul3A_245, %mul3A_241 : vector<16xf32>
      %sub3A_247 = arith.constant 1.500000e+00 : f32
      %sub3A_248 = vector.broadcast %sub3A_247 : f32 to vector<16xf32>
      %sub3A_249 = arith.subf %sub3A_248, %mul3A_246 : vector<16xf32>
      %mul3A_250 = arith.mulf %mul3A_241, %sub3A_249 : vector<16xf32>
      %mul3A_251 = arith.constant 5.000000e-01 : f32
      %mul3A_252 = vector.broadcast %mul3A_251 : f32 to vector<16xf32>
      %mul3A_253 = arith.mulf %mul3A_252, %broadcast_in_dim3A_226 : vector<16xf32>
      %mul3A_254 = arith.mulf %mul3A_253, %mul3A_250 : vector<16xf32>
      %mul3A_255 = arith.mulf %mul3A_254, %mul3A_250 : vector<16xf32>
      %sub3A_256 = arith.constant 1.500000e+00 : f32
      %sub3A_257 = vector.broadcast %sub3A_256 : f32 to vector<16xf32>
      %sub3A_258 = arith.subf %sub3A_257, %mul3A_255 : vector<16xf32>
      %mul3A_259 = arith.mulf %mul3A_250, %sub3A_258 : vector<16xf32>
      %broadcast_in_dim3A_260 = vector.broadcast %mul3A_219 : f32 to vector<16xf32>
      %scan3A_261 = arith.constant 0 : i32
      %scan3A_262 = arith.constant 0 : i32
      %scan3A_263 = arith.constant 64 : i32
      %scan3A_264 = arith.addi %scan3A_262, %scan3A_263 : i32
      %scan3A_265 = arith.constant 1 : i32
      %scan3A_266 = scf.for %scan3A_269 = %scan3A_262 to %scan3A_264 step %scan3A_265 iter_args(%scan3A_270 = %scan3A_261) -> (i32)  : i32 {
        %mul3A_271 = arith.constant 16 : i32
        %mul3A_272 = arith.muli %scan3A_269, %mul3A_271 : i32
        %get3A_273 = arith.index_cast %scan3A_170 : i32 to index
        %get3A_274 = arith.index_cast %mul3A_272 : i32 to index
        %get3A_275 = tpu.vector_load %arg10[%get3A_273, %get3A_274] {strides = array<i32>} : memref<32x1024xf32, #tpu.memory_space<vmem>>, vector<16xf32>,
        %mul3A_276 = arith.constant 16 : i32
        %mul3A_277 = arith.muli %scan3A_269, %mul3A_276 : i32
        %get3A_278 = arith.index_cast %mul3A_277 : i32 to index
        %get3A_279 = tpu.vector_load %arg15[%get3A_278] {strides = array<i32>} : memref<1024xf32, #tpu.memory_space<vmem>>, vector<16xf32>,
        %mul3A_280 = arith.constant 16 : i32
        %mul3A_281 = arith.muli %scan3A_269, %mul3A_280 : i32
        %get3A_282 = arith.index_cast %mul3A_281 : i32 to index
        %get3A_283 = tpu.vector_load %arg16[%get3A_282] {strides = array<i32>} : memref<1024xf32, #tpu.memory_space<vmem>>, vector<16xf32>,
        %sub3A_284 = arith.subf %get3A_275, %broadcast_in_dim3A_260 : vector<16xf32>
        %mul3A_285 = arith.mulf %sub3A_284, %mul3A_259 : vector<16xf32>
        %mul3A_286 = arith.mulf %mul3A_285, %get3A_279 : vector<16xf32>
        %add3A_287 = arith.addf %mul3A_286, %get3A_283 : vector<16xf32>
        %mul3A_288 = arith.constant 16 : i32
        %mul3A_289 = arith.muli %scan3A_269, %mul3A_288 : i32
        %swap3A = arith.index_cast %scan3A_170 : i32 to index
        %swap3A_290 = arith.index_cast %mul3A_289 : i32 to index
        %swap3A_291 = tpu.vector_load %arg10[%swap3A, %swap3A_290] {strides = array<i32>} : memref<32x1024xf32, #tpu.memory_space<vmem>>, vector<16xf32>,
        tpu.vector_store %arg10[%swap3A, %swap3A_290], %add3A_287 {strides = array<i32>} : memref<32x1024xf32, #tpu.memory_space<vmem>>, vector<16xf32>,
        %scan3A_292 = arith.constant 0 : i32
        scf.yield %scan3A_292 : i32
      }
      %scan3A_267 = arith.constant 64 : i32
      %scan3A_268 = arith.constant 0 : i32
      scf.yield %scan3A_268 : i32
    }
    %scan3A_83 = arith.constant 32 : i32
    %add3A_84 = arith.constant 96 : i32
    %add3A_85 = arith.addi %mul3A_2, %add3A_84 : i32
    "tpu.region"() ({
      %run_scoped3A = tpu.sem_alloc : memref<!tpu.dma_semaphore, #tpu.memory_space<semaphore_mem>>
      %dma_start3A_170 = arith.constant 0 : i32
      %dma_start3A_171 = tpu.memref_slice %arg9[%add3A_85, %dma_start3A_170] : memref<8192x1024xf32, #tpu.memory_space<hbm>> -> memref<32x1024xf32, #tpu.memory_space<hbm>>
      %dma_start3A_172 = arith.constant 0 : i32
      %dma_start3A_173 = tpu.memref_slice %arg9[%add3A_85, %dma_start3A_172] : memref<8192x1024xf32, #tpu.memory_space<hbm>> -> memref<32x1024xf32, #tpu.memory_space<hbm>>
      tpu.enqueue_dma source(%arg10 : memref<32x1024xf32, #tpu.memory_space<vmem>>) target(%dma_start3A_173 : memref<32x1024xf32, #tpu.memory_space<hbm>>) target_semaphore(%run_scoped3A : memref<!tpu.dma_semaphore, #tpu.memory_space<semaphore_mem>>)
      %dma_wait3A_174 = arith.constant 0 : i32
      %dma_wait3A_175 = tpu.memref_slice %arg9[%add3A_85, %dma_wait3A_174] : memref<8192x1024xf32, #tpu.memory_space<hbm>> -> memref<32x1024xf32, #tpu.memory_space<hbm>>
      %dma_wait3A_176 = arith.constant 0 : i32
      %dma_wait3A_177 = tpu.memref_slice %arg9[%add3A_85, %dma_wait3A_176] : memref<8192x1024xf32, #tpu.memory_space<hbm>> -> memref<32x1024xf32, #tpu.memory_space<hbm>>
      tpu.wait_dma2 semaphore(%run_scoped3A : memref<!tpu.dma_semaphore, #tpu.memory_space<semaphore_mem>>) src(%arg10 : memref<32x1024xf32, #tpu.memory_space<vmem>>) dst(%dma_wait3A_177 : memref<32x1024xf32, #tpu.memory_space<hbm>>)
      tpu.yield
    }) : () -> ()
    %dma_start3A_86 = arith.constant 128 : i32
    %dma_start3A_87 = tpu.memref_slice %arg13[%dma_start3A_86] : memref<256xi32, #tpu.memory_space<vmem>> -> memref<32xi32, #tpu.memory_space<vmem>>
    %dma_start3A_88 = arith.constant 0 : i32
    %dma_start3A_89 = arith.constant 0 : i32
    %dma_start3A_90 = tpu.memref_slice %arg4[%dma_start3A_88, %dma_start3A_89] : memref<30522x1024xf32, #tpu.memory_space<hbm>> -> memref<30522x1024xf32, #tpu.memory_space<hbm>>
    tpu.enqueue_indirect_dma source(%dma_start3A_90 : memref<30522x1024xf32, #tpu.memory_space<hbm>>) target(%arg10 : memref<32x1024xf32, #tpu.memory_space<vmem>>) offsets(%dma_start3A_87 : memref<32xi32, #tpu.memory_space<vmem>>) semaphore(%arg17 : memref<!tpu.dma_semaphore, #tpu.memory_space<semaphore_mem>>)
    %dma_wait3A_91 = arith.constant 128 : i32
    %dma_wait3A_92 = tpu.memref_slice %arg13[%dma_wait3A_91] : memref<256xi32, #tpu.memory_space<vmem>> -> memref<32xi32, #tpu.memory_space<vmem>>
    %dma_wait3A_93 = arith.constant 0 : i32
    %dma_wait3A_94 = arith.constant 0 : i32
    %dma_wait3A_95 = tpu.memref_slice %arg4[%dma_wait3A_93, %dma_wait3A_94] : memref<30522x1024xf32, #tpu.memory_space<hbm>> -> memref<30522x1024xf32, #tpu.memory_space<hbm>>
    tpu.wait_indirect_dma semaphore(%arg17 : memref<!tpu.dma_semaphore, #tpu.memory_space<semaphore_mem>>) src(%dma_wait3A_95 : memref<30522x1024xf32, #tpu.memory_space<hbm>>) dst(%arg10 : memref<32x1024xf32, #tpu.memory_space<vmem>>)
    %add3A_96 = arith.constant 128 : i32
    %add3A_97 = arith.addi %rem3A_3, %add3A_96 : i32
    "tpu.region"() ({
      %run_scoped3A = tpu.sem_alloc : memref<!tpu.dma_semaphore, #tpu.memory_space<semaphore_mem>>
      %dma_start3A_170 = arith.constant 0 : i32
      %dma_start3A_171 = tpu.memref_slice %arg5[%add3A_97, %dma_start3A_170] : memref<2048x1024xf32, #tpu.memory_space<hbm>> -> memref<32x1024xf32, #tpu.memory_space<hbm>>
      %dma_start3A_172 = arith.constant 0 : i32
      %dma_start3A_173 = tpu.memref_slice %arg5[%add3A_97, %dma_start3A_172] : memref<2048x1024xf32, #tpu.memory_space<hbm>> -> memref<32x1024xf32, #tpu.memory_space<hbm>>
      tpu.enqueue_dma source(%dma_start3A_173 : memref<32x1024xf32, #tpu.memory_space<hbm>>) target(%arg11 : memref<32x1024xf32, #tpu.memory_space<vmem>>) target_semaphore(%run_scoped3A : memref<!tpu.dma_semaphore, #tpu.memory_space<semaphore_mem>>)
      %dma_wait3A_174 = arith.constant 0 : i32
      %dma_wait3A_175 = tpu.memref_slice %arg5[%add3A_97, %dma_wait3A_174] : memref<2048x1024xf32, #tpu.memory_space<hbm>> -> memref<32x1024xf32, #tpu.memory_space<hbm>>
      %dma_wait3A_176 = arith.constant 0 : i32
      %dma_wait3A_177 = tpu.memref_slice %arg5[%add3A_97, %dma_wait3A_176] : memref<2048x1024xf32, #tpu.memory_space<hbm>> -> memref<32x1024xf32, #tpu.memory_space<hbm>>
      tpu.wait_dma2 semaphore(%run_scoped3A : memref<!tpu.dma_semaphore, #tpu.memory_space<semaphore_mem>>) src(%dma_wait3A_177 : memref<32x1024xf32, #tpu.memory_space<hbm>>) dst(%arg11 : memref<32x1024xf32, #tpu.memory_space<vmem>>)
      tpu.yield
    }) : () -> ()
    %scan3A_98 = arith.constant 0 : i32
    %scan3A_99 = arith.constant 0 : i32
    %scan3A_100 = arith.constant 32 : i32
    %scan3A_101 = arith.addi %scan3A_99, %scan3A_100 : i32
    %scan3A_102 = arith.constant 1 : i32
    %scan3A_103 = scf.for %scan3A_170 = %scan3A_99 to %scan3A_101 step %scan3A_102 iter_args(%scan3A_171 = %scan3A_98) -> (i32)  : i32 {
      %jit3A = arith.constant 16 : i32
      %div3A = arith.divsi %scan3A_170, %jit3A : i32
      %sign3A = arith.constant 0 : i32
      %sign3A_172 = arith.cmpi sgt, %scan3A_170, %sign3A : i32
      %sign3A_173 = arith.extui %sign3A_172 : i1 to i32
      %sign3A_174 = arith.constant 0 : i32
      %sign3A_175 = arith.cmpi slt, %scan3A_170, %sign3A_174 : i32
      %sign3A_176 = arith.extui %sign3A_175 : i1 to i32
      %sign3A_177 = arith.subi %sign3A_173, %sign3A_176 : i32
      %sign3A_178 = arith.constant 0 : i32
      %sign3A_179 = arith.cmpi sgt, %jit3A, %sign3A_178 : i32
      %sign3A_180 = arith.extui %sign3A_179 : i1 to i32
      %sign3A_181 = arith.constant 0 : i32
      %sign3A_182 = arith.cmpi slt, %jit3A, %sign3A_181 : i32
      %sign3A_183 = arith.extui %sign3A_182 : i1 to i32
      %sign3A_184 = arith.subi %sign3A_180, %sign3A_183 : i32
      %ne3A = arith.cmpi ne, %sign3A_177, %sign3A_184 : i32
      %rem3A_185 = arith.remsi %scan3A_170, %jit3A : i32
      %ne3A_186 = arith.constant 0 : i32
      %ne3A_187 = arith.cmpi ne, %rem3A_185, %ne3A_186 : i32
      %and3A = arith.andi %ne3A, %ne3A_187 : i1
      %sub3A = arith.constant 1 : i32
      %sub3A_188 = arith.subi %div3A, %sub3A : i32
      %select_n3A = arith.select %and3A, %sub3A_188, %div3A : i32
      %mul3A_189 = arith.constant 16 : i32
      %mul3A_190 = arith.muli %select_n3A, %mul3A_189 : i32
      %add3A_191 = arith.constant 128 : i32
      %add3A_192 = arith.addi %add3A_191, %mul3A_190 : i32
      %get3A = arith.index_cast %add3A_192 : i32 to index
      %get3A_193 = tpu.vector_load %arg14[%get3A] {strides = array<i32>} : memref<256xi32, #tpu.memory_space<vmem>>, vector<16xi32>,
      %convert_element_type3A = arith.sitofp %get3A_193 : vector<16xi32> to vector<16xf32>
      %rem3A_194 = arith.constant 16 : i32
      %rem3A_195 = arith.remsi %scan3A_170, %rem3A_194 : i32
      %eq3A = vector.broadcast %rem3A_195 : i32 to vector<16xi32>
      %eq3A_196 = arith.cmpi eq, %iota3A, %eq3A : vector<16xi32>
      %jit3A_197 = arith.constant 0.000000e+00 : f32
      %broadcast_in_dim3A_198 = vector.broadcast %jit3A_197 : f32 to vector<16xf32>
      %select_n3A_199 = arith.select %eq3A_196, %convert_element_type3A, %broadcast_in_dim3A_198 : vector<16xi1>, vector<16xf32>
      %reduce_sum3A = arith.constant true
      %reduce_sum3A_200 = vector.broadcast %reduce_sum3A : i1 to vector<16xi1>
      %reduce_sum3A_201 = tpu.scan <sum>, %select_n3A_199 masked %reduce_sum3A_200 : vector<16xf32>, vector<16xi1> -> vector<16xf32>
      %reduce_sum3A_202 = vector.extract %reduce_sum3A_201[15] : f32 from vector<16xf32>
      %convert_element_type3A_203 = arith.fptosi %reduce_sum3A_202 : f32 to i32
      %scan3A_204 = arith.constant 0 : i32
      %scan3A_205 = arith.constant 64 : i32
      %scan3A_206 = arith.addi %scan3A_204, %scan3A_205 : i32
      %scan3A_207 = arith.constant 1 : i32
      %scan3A_208:2 = scf.for %scan3A_269 = %scan3A_204 to %scan3A_206 step %scan3A_207 iter_args(%scan3A_270 = %broadcast_in_dim3A_4, %scan3A_271 = %broadcast_in_dim3A_4) -> (vector<16xf32>, vector<16xf32>)  : i32 {
        %mul3A_272 = arith.constant 16 : i32
        %mul3A_273 = arith.muli %scan3A_269, %mul3A_272 : i32
        %get3A_274 = arith.index_cast %scan3A_170 : i32 to index
        %get3A_275 = arith.index_cast %mul3A_273 : i32 to index
        %get3A_276 = tpu.vector_load %arg10[%get3A_274, %get3A_275] {strides = array<i32>} : memref<32x1024xf32, #tpu.memory_space<vmem>>, vector<16xf32>,
        %mul3A_277 = arith.constant 16 : i32
        %mul3A_278 = arith.muli %scan3A_269, %mul3A_277 : i32
        %get3A_279 = arith.index_cast %scan3A_170 : i32 to index
        %get3A_280 = arith.index_cast %mul3A_278 : i32 to index
        %get3A_281 = tpu.vector_load %arg11[%get3A_279, %get3A_280] {strides = array<i32>} : memref<32x1024xf32, #tpu.memory_space<vmem>>, vector<16xf32>,
        %add3A_282 = arith.addf %get3A_276, %get3A_281 : vector<16xf32>
        %mul3A_283 = arith.constant 16 : i32
        %mul3A_284 = arith.muli %scan3A_269, %mul3A_283 : i32
        %get3A_285 = arith.index_cast %convert_element_type3A_203 : i32 to index
        %get3A_286 = arith.index_cast %mul3A_284 : i32 to index
        %get3A_287 = tpu.vector_load %arg12[%get3A_285, %get3A_286] {strides = array<i32>} : memref<2x1024xf32, #tpu.memory_space<vmem>>, vector<16xf32>,
        %add3A_288 = arith.addf %add3A_282, %get3A_287 : vector<16xf32>
        %mul3A_289 = arith.constant 16 : i32
        %mul3A_290 = arith.muli %scan3A_269, %mul3A_289 : i32
        %swap3A = arith.index_cast %scan3A_170 : i32 to index
        %swap3A_291 = arith.index_cast %mul3A_290 : i32 to index
        %swap3A_292 = tpu.vector_load %arg10[%swap3A, %swap3A_291] {strides = array<i32>} : memref<32x1024xf32, #tpu.memory_space<vmem>>, vector<16xf32>,
        tpu.vector_store %arg10[%swap3A, %swap3A_291], %add3A_288 {strides = array<i32>} : memref<32x1024xf32, #tpu.memory_space<vmem>>, vector<16xf32>,
        %add3A_293 = arith.addf %scan3A_270, %add3A_288 : vector<16xf32>
        %mul3A_294 = arith.mulf %add3A_288, %add3A_288 : vector<16xf32>
        %add3A_295 = arith.addf %scan3A_271, %mul3A_294 : vector<16xf32>
        scf.yield %add3A_293, %add3A_295 : vector<16xf32>, vector<16xf32>
      }
      %scan3A_209 = arith.constant 64 : i32
      %reduce_sum3A_210 = arith.constant true
      %reduce_sum3A_211 = vector.broadcast %reduce_sum3A_210 : i1 to vector<16xi1>
      %reduce_sum3A_212 = tpu.scan <sum>, %scan3A_208#0 masked %reduce_sum3A_211 : vector<16xf32>, vector<16xi1> -> vector<16xf32>
      %reduce_sum3A_213 = vector.extract %reduce_sum3A_212[15] : f32 from vector<16xf32>
      %reduce_sum3A_214 = arith.constant true
      %reduce_sum3A_215 = vector.broadcast %reduce_sum3A_214 : i1 to vector<16xi1>
      %reduce_sum3A_216 = tpu.scan <sum>, %scan3A_208#1 masked %reduce_sum3A_215 : vector<16xf32>, vector<16xi1> -> vector<16xf32>
      %reduce_sum3A_217 = vector.extract %reduce_sum3A_216[15] : f32 from vector<16xf32>
      %mul3A_218 = arith.constant 9.765625E-4 : f32
      %mul3A_219 = arith.mulf %reduce_sum3A_213, %mul3A_218 : f32
      %mul3A_220 = arith.constant 9.765625E-4 : f32
      %mul3A_221 = arith.mulf %reduce_sum3A_217, %mul3A_220 : f32
      %mul3A_222 = arith.mulf %mul3A_219, %mul3A_219 : f32
      %sub3A_223 = arith.subf %mul3A_221, %mul3A_222 : f32
      %add3A_224 = arith.constant 9.99999996E-13 : f32
      %add3A_225 = arith.addf %sub3A_223, %add3A_224 : f32
      %broadcast_in_dim3A_226 = vector.broadcast %add3A_225 : f32 to vector<16xf32>
      %bitcast_convert_type3A = tpu.bitcast %broadcast_in_dim3A_226 : vector<16xf32> -> vector<16xi32>
      %shift_right_arithmetic3A = arith.constant 1 : i32
      %shift_right_arithmetic3A_227 = vector.broadcast %shift_right_arithmetic3A : i32 to vector<16xi32>
      %shift_right_arithmetic3A_228 = arith.shrsi %bitcast_convert_type3A, %shift_right_arithmetic3A_227 : vector<16xi32>
      %sub3A_229 = arith.constant 1597463007 : i32
      %sub3A_230 = vector.broadcast %sub3A_229 : i32 to vector<16xi32>
      %sub3A_231 = arith.subi %sub3A_230, %shift_right_arithmetic3A_228 : vector<16xi32>
      %bitcast_convert_type3A_232 = tpu.bitcast %sub3A_231 : vector<16xi32> -> vector<16xf32>
      %mul3A_233 = arith.constant 5.000000e-01 : f32
      %mul3A_234 = vector.broadcast %mul3A_233 : f32 to vector<16xf32>
      %mul3A_235 = arith.mulf %mul3A_234, %broadcast_in_dim3A_226 : vector<16xf32>
      %mul3A_236 = arith.mulf %mul3A_235, %bitcast_convert_type3A_232 : vector<16xf32>
      %mul3A_237 = arith.mulf %mul3A_236, %bitcast_convert_type3A_232 : vector<16xf32>
      %sub3A_238 = arith.constant 1.500000e+00 : f32
      %sub3A_239 = vector.broadcast %sub3A_238 : f32 to vector<16xf32>
      %sub3A_240 = arith.subf %sub3A_239, %mul3A_237 : vector<16xf32>
      %mul3A_241 = arith.mulf %bitcast_convert_type3A_232, %sub3A_240 : vector<16xf32>
      %mul3A_242 = arith.constant 5.000000e-01 : f32
      %mul3A_243 = vector.broadcast %mul3A_242 : f32 to vector<16xf32>
      %mul3A_244 = arith.mulf %mul3A_243, %broadcast_in_dim3A_226 : vector<16xf32>
      %mul3A_245 = arith.mulf %mul3A_244, %mul3A_241 : vector<16xf32>
      %mul3A_246 = arith.mulf %mul3A_245, %mul3A_241 : vector<16xf32>
      %sub3A_247 = arith.constant 1.500000e+00 : f32
      %sub3A_248 = vector.broadcast %sub3A_247 : f32 to vector<16xf32>
      %sub3A_249 = arith.subf %sub3A_248, %mul3A_246 : vector<16xf32>
      %mul3A_250 = arith.mulf %mul3A_241, %sub3A_249 : vector<16xf32>
      %mul3A_251 = arith.constant 5.000000e-01 : f32
      %mul3A_252 = vector.broadcast %mul3A_251 : f32 to vector<16xf32>
      %mul3A_253 = arith.mulf %mul3A_252, %broadcast_in_dim3A_226 : vector<16xf32>
      %mul3A_254 = arith.mulf %mul3A_253, %mul3A_250 : vector<16xf32>
      %mul3A_255 = arith.mulf %mul3A_254, %mul3A_250 : vector<16xf32>
      %sub3A_256 = arith.constant 1.500000e+00 : f32
      %sub3A_257 = vector.broadcast %sub3A_256 : f32 to vector<16xf32>
      %sub3A_258 = arith.subf %sub3A_257, %mul3A_255 : vector<16xf32>
      %mul3A_259 = arith.mulf %mul3A_250, %sub3A_258 : vector<16xf32>
      %broadcast_in_dim3A_260 = vector.broadcast %mul3A_219 : f32 to vector<16xf32>
      %scan3A_261 = arith.constant 0 : i32
      %scan3A_262 = arith.constant 0 : i32
      %scan3A_263 = arith.constant 64 : i32
      %scan3A_264 = arith.addi %scan3A_262, %scan3A_263 : i32
      %scan3A_265 = arith.constant 1 : i32
      %scan3A_266 = scf.for %scan3A_269 = %scan3A_262 to %scan3A_264 step %scan3A_265 iter_args(%scan3A_270 = %scan3A_261) -> (i32)  : i32 {
        %mul3A_271 = arith.constant 16 : i32
        %mul3A_272 = arith.muli %scan3A_269, %mul3A_271 : i32
        %get3A_273 = arith.index_cast %scan3A_170 : i32 to index
        %get3A_274 = arith.index_cast %mul3A_272 : i32 to index
        %get3A_275 = tpu.vector_load %arg10[%get3A_273, %get3A_274] {strides = array<i32>} : memref<32x1024xf32, #tpu.memory_space<vmem>>, vector<16xf32>,
        %mul3A_276 = arith.constant 16 : i32
        %mul3A_277 = arith.muli %scan3A_269, %mul3A_276 : i32
        %get3A_278 = arith.index_cast %mul3A_277 : i32 to index
        %get3A_279 = tpu.vector_load %arg15[%get3A_278] {strides = array<i32>} : memref<1024xf32, #tpu.memory_space<vmem>>, vector<16xf32>,
        %mul3A_280 = arith.constant 16 : i32
        %mul3A_281 = arith.muli %scan3A_269, %mul3A_280 : i32
        %get3A_282 = arith.index_cast %mul3A_281 : i32 to index
        %get3A_283 = tpu.vector_load %arg16[%get3A_282] {strides = array<i32>} : memref<1024xf32, #tpu.memory_space<vmem>>, vector<16xf32>,
        %sub3A_284 = arith.subf %get3A_275, %broadcast_in_dim3A_260 : vector<16xf32>
        %mul3A_285 = arith.mulf %sub3A_284, %mul3A_259 : vector<16xf32>
        %mul3A_286 = arith.mulf %mul3A_285, %get3A_279 : vector<16xf32>
        %add3A_287 = arith.addf %mul3A_286, %get3A_283 : vector<16xf32>
        %mul3A_288 = arith.constant 16 : i32
        %mul3A_289 = arith.muli %scan3A_269, %mul3A_288 : i32
        %swap3A = arith.index_cast %scan3A_170 : i32 to index
        %swap3A_290 = arith.index_cast %mul3A_289 : i32 to index
        %swap3A_291 = tpu.vector_load %arg10[%swap3A, %swap3A_290] {strides = array<i32>} : memref<32x1024xf32, #tpu.memory_space<vmem>>, vector<16xf32>,
        tpu.vector_store %arg10[%swap3A, %swap3A_290], %add3A_287 {strides = array<i32>} : memref<32x1024xf32, #tpu.memory_space<vmem>>, vector<16xf32>,
        %scan3A_292 = arith.constant 0 : i32
        scf.yield %scan3A_292 : i32
      }
      %scan3A_267 = arith.constant 64 : i32
      %scan3A_268 = arith.constant 0 : i32
      scf.yield %scan3A_268 : i32
    }
    %scan3A_104 = arith.constant 32 : i32
    %add3A_105 = arith.constant 128 : i32
    %add3A_106 = arith.addi %mul3A_2, %add3A_105 : i32
    "tpu.region"() ({
      %run_scoped3A = tpu.sem_alloc : memref<!tpu.dma_semaphore, #tpu.memory_space<semaphore_mem>>
      %dma_start3A_170 = arith.constant 0 : i32
      %dma_start3A_171 = tpu.memref_slice %arg9[%add3A_106, %dma_start3A_170] : memref<8192x1024xf32, #tpu.memory_space<hbm>> -> memref<32x1024xf32, #tpu.memory_space<hbm>>
      %dma_start3A_172 = arith.constant 0 : i32
      %dma_start3A_173 = tpu.memref_slice %arg9[%add3A_106, %dma_start3A_172] : memref<8192x1024xf32, #tpu.memory_space<hbm>> -> memref<32x1024xf32, #tpu.memory_space<hbm>>
      tpu.enqueue_dma source(%arg10 : memref<32x1024xf32, #tpu.memory_space<vmem>>) target(%dma_start3A_173 : memref<32x1024xf32, #tpu.memory_space<hbm>>) target_semaphore(%run_scoped3A : memref<!tpu.dma_semaphore, #tpu.memory_space<semaphore_mem>>)
      %dma_wait3A_174 = arith.constant 0 : i32
      %dma_wait3A_175 = tpu.memref_slice %arg9[%add3A_106, %dma_wait3A_174] : memref<8192x1024xf32, #tpu.memory_space<hbm>> -> memref<32x1024xf32, #tpu.memory_space<hbm>>
      %dma_wait3A_176 = arith.constant 0 : i32
      %dma_wait3A_177 = tpu.memref_slice %arg9[%add3A_106, %dma_wait3A_176] : memref<8192x1024xf32, #tpu.memory_space<hbm>> -> memref<32x1024xf32, #tpu.memory_space<hbm>>
      tpu.wait_dma2 semaphore(%run_scoped3A : memref<!tpu.dma_semaphore, #tpu.memory_space<semaphore_mem>>) src(%arg10 : memref<32x1024xf32, #tpu.memory_space<vmem>>) dst(%dma_wait3A_177 : memref<32x1024xf32, #tpu.memory_space<hbm>>)
      tpu.yield
    }) : () -> ()
    %dma_start3A_107 = arith.constant 160 : i32
    %dma_start3A_108 = tpu.memref_slice %arg13[%dma_start3A_107] : memref<256xi32, #tpu.memory_space<vmem>> -> memref<32xi32, #tpu.memory_space<vmem>>
    %dma_start3A_109 = arith.constant 0 : i32
    %dma_start3A_110 = arith.constant 0 : i32
    %dma_start3A_111 = tpu.memref_slice %arg4[%dma_start3A_109, %dma_start3A_110] : memref<30522x1024xf32, #tpu.memory_space<hbm>> -> memref<30522x1024xf32, #tpu.memory_space<hbm>>
    tpu.enqueue_indirect_dma source(%dma_start3A_111 : memref<30522x1024xf32, #tpu.memory_space<hbm>>) target(%arg10 : memref<32x1024xf32, #tpu.memory_space<vmem>>) offsets(%dma_start3A_108 : memref<32xi32, #tpu.memory_space<vmem>>) semaphore(%arg17 : memref<!tpu.dma_semaphore, #tpu.memory_space<semaphore_mem>>)
    %dma_wait3A_112 = arith.constant 160 : i32
    %dma_wait3A_113 = tpu.memref_slice %arg13[%dma_wait3A_112] : memref<256xi32, #tpu.memory_space<vmem>> -> memref<32xi32, #tpu.memory_space<vmem>>
    %dma_wait3A_114 = arith.constant 0 : i32
    %dma_wait3A_115 = arith.constant 0 : i32
    %dma_wait3A_116 = tpu.memref_slice %arg4[%dma_wait3A_114, %dma_wait3A_115] : memref<30522x1024xf32, #tpu.memory_space<hbm>> -> memref<30522x1024xf32, #tpu.memory_space<hbm>>
    tpu.wait_indirect_dma semaphore(%arg17 : memref<!tpu.dma_semaphore, #tpu.memory_space<semaphore_mem>>) src(%dma_wait3A_116 : memref<30522x1024xf32, #tpu.memory_space<hbm>>) dst(%arg10 : memref<32x1024xf32, #tpu.memory_space<vmem>>)
    %add3A_117 = arith.constant 160 : i32
    %add3A_118 = arith.addi %rem3A_3, %add3A_117 : i32
    "tpu.region"() ({
      %run_scoped3A = tpu.sem_alloc : memref<!tpu.dma_semaphore, #tpu.memory_space<semaphore_mem>>
      %dma_start3A_170 = arith.constant 0 : i32
      %dma_start3A_171 = tpu.memref_slice %arg5[%add3A_118, %dma_start3A_170] : memref<2048x1024xf32, #tpu.memory_space<hbm>> -> memref<32x1024xf32, #tpu.memory_space<hbm>>
      %dma_start3A_172 = arith.constant 0 : i32
      %dma_start3A_173 = tpu.memref_slice %arg5[%add3A_118, %dma_start3A_172] : memref<2048x1024xf32, #tpu.memory_space<hbm>> -> memref<32x1024xf32, #tpu.memory_space<hbm>>
      tpu.enqueue_dma source(%dma_start3A_173 : memref<32x1024xf32, #tpu.memory_space<hbm>>) target(%arg11 : memref<32x1024xf32, #tpu.memory_space<vmem>>) target_semaphore(%run_scoped3A : memref<!tpu.dma_semaphore, #tpu.memory_space<semaphore_mem>>)
      %dma_wait3A_174 = arith.constant 0 : i32
      %dma_wait3A_175 = tpu.memref_slice %arg5[%add3A_118, %dma_wait3A_174] : memref<2048x1024xf32, #tpu.memory_space<hbm>> -> memref<32x1024xf32, #tpu.memory_space<hbm>>
      %dma_wait3A_176 = arith.constant 0 : i32
      %dma_wait3A_177 = tpu.memref_slice %arg5[%add3A_118, %dma_wait3A_176] : memref<2048x1024xf32, #tpu.memory_space<hbm>> -> memref<32x1024xf32, #tpu.memory_space<hbm>>
      tpu.wait_dma2 semaphore(%run_scoped3A : memref<!tpu.dma_semaphore, #tpu.memory_space<semaphore_mem>>) src(%dma_wait3A_177 : memref<32x1024xf32, #tpu.memory_space<hbm>>) dst(%arg11 : memref<32x1024xf32, #tpu.memory_space<vmem>>)
      tpu.yield
    }) : () -> ()
    %scan3A_119 = arith.constant 0 : i32
    %scan3A_120 = arith.constant 0 : i32
    %scan3A_121 = arith.constant 32 : i32
    %scan3A_122 = arith.addi %scan3A_120, %scan3A_121 : i32
    %scan3A_123 = arith.constant 1 : i32
    %scan3A_124 = scf.for %scan3A_170 = %scan3A_120 to %scan3A_122 step %scan3A_123 iter_args(%scan3A_171 = %scan3A_119) -> (i32)  : i32 {
      %jit3A = arith.constant 16 : i32
      %div3A = arith.divsi %scan3A_170, %jit3A : i32
      %sign3A = arith.constant 0 : i32
      %sign3A_172 = arith.cmpi sgt, %scan3A_170, %sign3A : i32
      %sign3A_173 = arith.extui %sign3A_172 : i1 to i32
      %sign3A_174 = arith.constant 0 : i32
      %sign3A_175 = arith.cmpi slt, %scan3A_170, %sign3A_174 : i32
      %sign3A_176 = arith.extui %sign3A_175 : i1 to i32
      %sign3A_177 = arith.subi %sign3A_173, %sign3A_176 : i32
      %sign3A_178 = arith.constant 0 : i32
      %sign3A_179 = arith.cmpi sgt, %jit3A, %sign3A_178 : i32
      %sign3A_180 = arith.extui %sign3A_179 : i1 to i32
      %sign3A_181 = arith.constant 0 : i32
      %sign3A_182 = arith.cmpi slt, %jit3A, %sign3A_181 : i32
      %sign3A_183 = arith.extui %sign3A_182 : i1 to i32
      %sign3A_184 = arith.subi %sign3A_180, %sign3A_183 : i32
      %ne3A = arith.cmpi ne, %sign3A_177, %sign3A_184 : i32
      %rem3A_185 = arith.remsi %scan3A_170, %jit3A : i32
      %ne3A_186 = arith.constant 0 : i32
      %ne3A_187 = arith.cmpi ne, %rem3A_185, %ne3A_186 : i32
      %and3A = arith.andi %ne3A, %ne3A_187 : i1
      %sub3A = arith.constant 1 : i32
      %sub3A_188 = arith.subi %div3A, %sub3A : i32
      %select_n3A = arith.select %and3A, %sub3A_188, %div3A : i32
      %mul3A_189 = arith.constant 16 : i32
      %mul3A_190 = arith.muli %select_n3A, %mul3A_189 : i32
      %add3A_191 = arith.constant 160 : i32
      %add3A_192 = arith.addi %add3A_191, %mul3A_190 : i32
      %get3A = arith.index_cast %add3A_192 : i32 to index
      %get3A_193 = tpu.vector_load %arg14[%get3A] {strides = array<i32>} : memref<256xi32, #tpu.memory_space<vmem>>, vector<16xi32>,
      %convert_element_type3A = arith.sitofp %get3A_193 : vector<16xi32> to vector<16xf32>
      %rem3A_194 = arith.constant 16 : i32
      %rem3A_195 = arith.remsi %scan3A_170, %rem3A_194 : i32
      %eq3A = vector.broadcast %rem3A_195 : i32 to vector<16xi32>
      %eq3A_196 = arith.cmpi eq, %iota3A, %eq3A : vector<16xi32>
      %jit3A_197 = arith.constant 0.000000e+00 : f32
      %broadcast_in_dim3A_198 = vector.broadcast %jit3A_197 : f32 to vector<16xf32>
      %select_n3A_199 = arith.select %eq3A_196, %convert_element_type3A, %broadcast_in_dim3A_198 : vector<16xi1>, vector<16xf32>
      %reduce_sum3A = arith.constant true
      %reduce_sum3A_200 = vector.broadcast %reduce_sum3A : i1 to vector<16xi1>
      %reduce_sum3A_201 = tpu.scan <sum>, %select_n3A_199 masked %reduce_sum3A_200 : vector<16xf32>, vector<16xi1> -> vector<16xf32>
      %reduce_sum3A_202 = vector.extract %reduce_sum3A_201[15] : f32 from vector<16xf32>
      %convert_element_type3A_203 = arith.fptosi %reduce_sum3A_202 : f32 to i32
      %scan3A_204 = arith.constant 0 : i32
      %scan3A_205 = arith.constant 64 : i32
      %scan3A_206 = arith.addi %scan3A_204, %scan3A_205 : i32
      %scan3A_207 = arith.constant 1 : i32
      %scan3A_208:2 = scf.for %scan3A_269 = %scan3A_204 to %scan3A_206 step %scan3A_207 iter_args(%scan3A_270 = %broadcast_in_dim3A_4, %scan3A_271 = %broadcast_in_dim3A_4) -> (vector<16xf32>, vector<16xf32>)  : i32 {
        %mul3A_272 = arith.constant 16 : i32
        %mul3A_273 = arith.muli %scan3A_269, %mul3A_272 : i32
        %get3A_274 = arith.index_cast %scan3A_170 : i32 to index
        %get3A_275 = arith.index_cast %mul3A_273 : i32 to index
        %get3A_276 = tpu.vector_load %arg10[%get3A_274, %get3A_275] {strides = array<i32>} : memref<32x1024xf32, #tpu.memory_space<vmem>>, vector<16xf32>,
        %mul3A_277 = arith.constant 16 : i32
        %mul3A_278 = arith.muli %scan3A_269, %mul3A_277 : i32
        %get3A_279 = arith.index_cast %scan3A_170 : i32 to index
        %get3A_280 = arith.index_cast %mul3A_278 : i32 to index
        %get3A_281 = tpu.vector_load %arg11[%get3A_279, %get3A_280] {strides = array<i32>} : memref<32x1024xf32, #tpu.memory_space<vmem>>, vector<16xf32>,
        %add3A_282 = arith.addf %get3A_276, %get3A_281 : vector<16xf32>
        %mul3A_283 = arith.constant 16 : i32
        %mul3A_284 = arith.muli %scan3A_269, %mul3A_283 : i32
        %get3A_285 = arith.index_cast %convert_element_type3A_203 : i32 to index
        %get3A_286 = arith.index_cast %mul3A_284 : i32 to index
        %get3A_287 = tpu.vector_load %arg12[%get3A_285, %get3A_286] {strides = array<i32>} : memref<2x1024xf32, #tpu.memory_space<vmem>>, vector<16xf32>,
        %add3A_288 = arith.addf %add3A_282, %get3A_287 : vector<16xf32>
        %mul3A_289 = arith.constant 16 : i32
        %mul3A_290 = arith.muli %scan3A_269, %mul3A_289 : i32
        %swap3A = arith.index_cast %scan3A_170 : i32 to index
        %swap3A_291 = arith.index_cast %mul3A_290 : i32 to index
        %swap3A_292 = tpu.vector_load %arg10[%swap3A, %swap3A_291] {strides = array<i32>} : memref<32x1024xf32, #tpu.memory_space<vmem>>, vector<16xf32>,
        tpu.vector_store %arg10[%swap3A, %swap3A_291], %add3A_288 {strides = array<i32>} : memref<32x1024xf32, #tpu.memory_space<vmem>>, vector<16xf32>,
        %add3A_293 = arith.addf %scan3A_270, %add3A_288 : vector<16xf32>
        %mul3A_294 = arith.mulf %add3A_288, %add3A_288 : vector<16xf32>
        %add3A_295 = arith.addf %scan3A_271, %mul3A_294 : vector<16xf32>
        scf.yield %add3A_293, %add3A_295 : vector<16xf32>, vector<16xf32>
      }
      %scan3A_209 = arith.constant 64 : i32
      %reduce_sum3A_210 = arith.constant true
      %reduce_sum3A_211 = vector.broadcast %reduce_sum3A_210 : i1 to vector<16xi1>
      %reduce_sum3A_212 = tpu.scan <sum>, %scan3A_208#0 masked %reduce_sum3A_211 : vector<16xf32>, vector<16xi1> -> vector<16xf32>
      %reduce_sum3A_213 = vector.extract %reduce_sum3A_212[15] : f32 from vector<16xf32>
      %reduce_sum3A_214 = arith.constant true
      %reduce_sum3A_215 = vector.broadcast %reduce_sum3A_214 : i1 to vector<16xi1>
      %reduce_sum3A_216 = tpu.scan <sum>, %scan3A_208#1 masked %reduce_sum3A_215 : vector<16xf32>, vector<16xi1> -> vector<16xf32>
      %reduce_sum3A_217 = vector.extract %reduce_sum3A_216[15] : f32 from vector<16xf32>
      %mul3A_218 = arith.constant 9.765625E-4 : f32
      %mul3A_219 = arith.mulf %reduce_sum3A_213, %mul3A_218 : f32
      %mul3A_220 = arith.constant 9.765625E-4 : f32
      %mul3A_221 = arith.mulf %reduce_sum3A_217, %mul3A_220 : f32
      %mul3A_222 = arith.mulf %mul3A_219, %mul3A_219 : f32
      %sub3A_223 = arith.subf %mul3A_221, %mul3A_222 : f32
      %add3A_224 = arith.constant 9.99999996E-13 : f32
      %add3A_225 = arith.addf %sub3A_223, %add3A_224 : f32
      %broadcast_in_dim3A_226 = vector.broadcast %add3A_225 : f32 to vector<16xf32>
      %bitcast_convert_type3A = tpu.bitcast %broadcast_in_dim3A_226 : vector<16xf32> -> vector<16xi32>
      %shift_right_arithmetic3A = arith.constant 1 : i32
      %shift_right_arithmetic3A_227 = vector.broadcast %shift_right_arithmetic3A : i32 to vector<16xi32>
      %shift_right_arithmetic3A_228 = arith.shrsi %bitcast_convert_type3A, %shift_right_arithmetic3A_227 : vector<16xi32>
      %sub3A_229 = arith.constant 1597463007 : i32
      %sub3A_230 = vector.broadcast %sub3A_229 : i32 to vector<16xi32>
      %sub3A_231 = arith.subi %sub3A_230, %shift_right_arithmetic3A_228 : vector<16xi32>
      %bitcast_convert_type3A_232 = tpu.bitcast %sub3A_231 : vector<16xi32> -> vector<16xf32>
      %mul3A_233 = arith.constant 5.000000e-01 : f32
      %mul3A_234 = vector.broadcast %mul3A_233 : f32 to vector<16xf32>
      %mul3A_235 = arith.mulf %mul3A_234, %broadcast_in_dim3A_226 : vector<16xf32>
      %mul3A_236 = arith.mulf %mul3A_235, %bitcast_convert_type3A_232 : vector<16xf32>
      %mul3A_237 = arith.mulf %mul3A_236, %bitcast_convert_type3A_232 : vector<16xf32>
      %sub3A_238 = arith.constant 1.500000e+00 : f32
      %sub3A_239 = vector.broadcast %sub3A_238 : f32 to vector<16xf32>
      %sub3A_240 = arith.subf %sub3A_239, %mul3A_237 : vector<16xf32>
      %mul3A_241 = arith.mulf %bitcast_convert_type3A_232, %sub3A_240 : vector<16xf32>
      %mul3A_242 = arith.constant 5.000000e-01 : f32
      %mul3A_243 = vector.broadcast %mul3A_242 : f32 to vector<16xf32>
      %mul3A_244 = arith.mulf %mul3A_243, %broadcast_in_dim3A_226 : vector<16xf32>
      %mul3A_245 = arith.mulf %mul3A_244, %mul3A_241 : vector<16xf32>
      %mul3A_246 = arith.mulf %mul3A_245, %mul3A_241 : vector<16xf32>
      %sub3A_247 = arith.constant 1.500000e+00 : f32
      %sub3A_248 = vector.broadcast %sub3A_247 : f32 to vector<16xf32>
      %sub3A_249 = arith.subf %sub3A_248, %mul3A_246 : vector<16xf32>
      %mul3A_250 = arith.mulf %mul3A_241, %sub3A_249 : vector<16xf32>
      %mul3A_251 = arith.constant 5.000000e-01 : f32
      %mul3A_252 = vector.broadcast %mul3A_251 : f32 to vector<16xf32>
      %mul3A_253 = arith.mulf %mul3A_252, %broadcast_in_dim3A_226 : vector<16xf32>
      %mul3A_254 = arith.mulf %mul3A_253, %mul3A_250 : vector<16xf32>
      %mul3A_255 = arith.mulf %mul3A_254, %mul3A_250 : vector<16xf32>
      %sub3A_256 = arith.constant 1.500000e+00 : f32
      %sub3A_257 = vector.broadcast %sub3A_256 : f32 to vector<16xf32>
      %sub3A_258 = arith.subf %sub3A_257, %mul3A_255 : vector<16xf32>
      %mul3A_259 = arith.mulf %mul3A_250, %sub3A_258 : vector<16xf32>
      %broadcast_in_dim3A_260 = vector.broadcast %mul3A_219 : f32 to vector<16xf32>
      %scan3A_261 = arith.constant 0 : i32
      %scan3A_262 = arith.constant 0 : i32
      %scan3A_263 = arith.constant 64 : i32
      %scan3A_264 = arith.addi %scan3A_262, %scan3A_263 : i32
      %scan3A_265 = arith.constant 1 : i32
      %scan3A_266 = scf.for %scan3A_269 = %scan3A_262 to %scan3A_264 step %scan3A_265 iter_args(%scan3A_270 = %scan3A_261) -> (i32)  : i32 {
        %mul3A_271 = arith.constant 16 : i32
        %mul3A_272 = arith.muli %scan3A_269, %mul3A_271 : i32
        %get3A_273 = arith.index_cast %scan3A_170 : i32 to index
        %get3A_274 = arith.index_cast %mul3A_272 : i32 to index
        %get3A_275 = tpu.vector_load %arg10[%get3A_273, %get3A_274] {strides = array<i32>} : memref<32x1024xf32, #tpu.memory_space<vmem>>, vector<16xf32>,
        %mul3A_276 = arith.constant 16 : i32
        %mul3A_277 = arith.muli %scan3A_269, %mul3A_276 : i32
        %get3A_278 = arith.index_cast %mul3A_277 : i32 to index
        %get3A_279 = tpu.vector_load %arg15[%get3A_278] {strides = array<i32>} : memref<1024xf32, #tpu.memory_space<vmem>>, vector<16xf32>,
        %mul3A_280 = arith.constant 16 : i32
        %mul3A_281 = arith.muli %scan3A_269, %mul3A_280 : i32
        %get3A_282 = arith.index_cast %mul3A_281 : i32 to index
        %get3A_283 = tpu.vector_load %arg16[%get3A_282] {strides = array<i32>} : memref<1024xf32, #tpu.memory_space<vmem>>, vector<16xf32>,
        %sub3A_284 = arith.subf %get3A_275, %broadcast_in_dim3A_260 : vector<16xf32>
        %mul3A_285 = arith.mulf %sub3A_284, %mul3A_259 : vector<16xf32>
        %mul3A_286 = arith.mulf %mul3A_285, %get3A_279 : vector<16xf32>
        %add3A_287 = arith.addf %mul3A_286, %get3A_283 : vector<16xf32>
        %mul3A_288 = arith.constant 16 : i32
        %mul3A_289 = arith.muli %scan3A_269, %mul3A_288 : i32
        %swap3A = arith.index_cast %scan3A_170 : i32 to index
        %swap3A_290 = arith.index_cast %mul3A_289 : i32 to index
        %swap3A_291 = tpu.vector_load %arg10[%swap3A, %swap3A_290] {strides = array<i32>} : memref<32x1024xf32, #tpu.memory_space<vmem>>, vector<16xf32>,
        tpu.vector_store %arg10[%swap3A, %swap3A_290], %add3A_287 {strides = array<i32>} : memref<32x1024xf32, #tpu.memory_space<vmem>>, vector<16xf32>,
        %scan3A_292 = arith.constant 0 : i32
        scf.yield %scan3A_292 : i32
      }
      %scan3A_267 = arith.constant 64 : i32
      %scan3A_268 = arith.constant 0 : i32
      scf.yield %scan3A_268 : i32
    }
    %scan3A_125 = arith.constant 32 : i32
    %add3A_126 = arith.constant 160 : i32
    %add3A_127 = arith.addi %mul3A_2, %add3A_126 : i32
    "tpu.region"() ({
      %run_scoped3A = tpu.sem_alloc : memref<!tpu.dma_semaphore, #tpu.memory_space<semaphore_mem>>
      %dma_start3A_170 = arith.constant 0 : i32
      %dma_start3A_171 = tpu.memref_slice %arg9[%add3A_127, %dma_start3A_170] : memref<8192x1024xf32, #tpu.memory_space<hbm>> -> memref<32x1024xf32, #tpu.memory_space<hbm>>
      %dma_start3A_172 = arith.constant 0 : i32
      %dma_start3A_173 = tpu.memref_slice %arg9[%add3A_127, %dma_start3A_172] : memref<8192x1024xf32, #tpu.memory_space<hbm>> -> memref<32x1024xf32, #tpu.memory_space<hbm>>
      tpu.enqueue_dma source(%arg10 : memref<32x1024xf32, #tpu.memory_space<vmem>>) target(%dma_start3A_173 : memref<32x1024xf32, #tpu.memory_space<hbm>>) target_semaphore(%run_scoped3A : memref<!tpu.dma_semaphore, #tpu.memory_space<semaphore_mem>>)
      %dma_wait3A_174 = arith.constant 0 : i32
      %dma_wait3A_175 = tpu.memref_slice %arg9[%add3A_127, %dma_wait3A_174] : memref<8192x1024xf32, #tpu.memory_space<hbm>> -> memref<32x1024xf32, #tpu.memory_space<hbm>>
      %dma_wait3A_176 = arith.constant 0 : i32
      %dma_wait3A_177 = tpu.memref_slice %arg9[%add3A_127, %dma_wait3A_176] : memref<8192x1024xf32, #tpu.memory_space<hbm>> -> memref<32x1024xf32, #tpu.memory_space<hbm>>
      tpu.wait_dma2 semaphore(%run_scoped3A : memref<!tpu.dma_semaphore, #tpu.memory_space<semaphore_mem>>) src(%arg10 : memref<32x1024xf32, #tpu.memory_space<vmem>>) dst(%dma_wait3A_177 : memref<32x1024xf32, #tpu.memory_space<hbm>>)
      tpu.yield
    }) : () -> ()
    %dma_start3A_128 = arith.constant 192 : i32
    %dma_start3A_129 = tpu.memref_slice %arg13[%dma_start3A_128] : memref<256xi32, #tpu.memory_space<vmem>> -> memref<32xi32, #tpu.memory_space<vmem>>
    %dma_start3A_130 = arith.constant 0 : i32
    %dma_start3A_131 = arith.constant 0 : i32
    %dma_start3A_132 = tpu.memref_slice %arg4[%dma_start3A_130, %dma_start3A_131] : memref<30522x1024xf32, #tpu.memory_space<hbm>> -> memref<30522x1024xf32, #tpu.memory_space<hbm>>
    tpu.enqueue_indirect_dma source(%dma_start3A_132 : memref<30522x1024xf32, #tpu.memory_space<hbm>>) target(%arg10 : memref<32x1024xf32, #tpu.memory_space<vmem>>) offsets(%dma_start3A_129 : memref<32xi32, #tpu.memory_space<vmem>>) semaphore(%arg17 : memref<!tpu.dma_semaphore, #tpu.memory_space<semaphore_mem>>)
    %dma_wait3A_133 = arith.constant 192 : i32
    %dma_wait3A_134 = tpu.memref_slice %arg13[%dma_wait3A_133] : memref<256xi32, #tpu.memory_space<vmem>> -> memref<32xi32, #tpu.memory_space<vmem>>
    %dma_wait3A_135 = arith.constant 0 : i32
    %dma_wait3A_136 = arith.constant 0 : i32
    %dma_wait3A_137 = tpu.memref_slice %arg4[%dma_wait3A_135, %dma_wait3A_136] : memref<30522x1024xf32, #tpu.memory_space<hbm>> -> memref<30522x1024xf32, #tpu.memory_space<hbm>>
    tpu.wait_indirect_dma semaphore(%arg17 : memref<!tpu.dma_semaphore, #tpu.memory_space<semaphore_mem>>) src(%dma_wait3A_137 : memref<30522x1024xf32, #tpu.memory_space<hbm>>) dst(%arg10 : memref<32x1024xf32, #tpu.memory_space<vmem>>)
    %add3A_138 = arith.constant 192 : i32
    %add3A_139 = arith.addi %rem3A_3, %add3A_138 : i32
    "tpu.region"() ({
      %run_scoped3A = tpu.sem_alloc : memref<!tpu.dma_semaphore, #tpu.memory_space<semaphore_mem>>
      %dma_start3A_170 = arith.constant 0 : i32
      %dma_start3A_171 = tpu.memref_slice %arg5[%add3A_139, %dma_start3A_170] : memref<2048x1024xf32, #tpu.memory_space<hbm>> -> memref<32x1024xf32, #tpu.memory_space<hbm>>
      %dma_start3A_172 = arith.constant 0 : i32
      %dma_start3A_173 = tpu.memref_slice %arg5[%add3A_139, %dma_start3A_172] : memref<2048x1024xf32, #tpu.memory_space<hbm>> -> memref<32x1024xf32, #tpu.memory_space<hbm>>
      tpu.enqueue_dma source(%dma_start3A_173 : memref<32x1024xf32, #tpu.memory_space<hbm>>) target(%arg11 : memref<32x1024xf32, #tpu.memory_space<vmem>>) target_semaphore(%run_scoped3A : memref<!tpu.dma_semaphore, #tpu.memory_space<semaphore_mem>>)
      %dma_wait3A_174 = arith.constant 0 : i32
      %dma_wait3A_175 = tpu.memref_slice %arg5[%add3A_139, %dma_wait3A_174] : memref<2048x1024xf32, #tpu.memory_space<hbm>> -> memref<32x1024xf32, #tpu.memory_space<hbm>>
      %dma_wait3A_176 = arith.constant 0 : i32
      %dma_wait3A_177 = tpu.memref_slice %arg5[%add3A_139, %dma_wait3A_176] : memref<2048x1024xf32, #tpu.memory_space<hbm>> -> memref<32x1024xf32, #tpu.memory_space<hbm>>
      tpu.wait_dma2 semaphore(%run_scoped3A : memref<!tpu.dma_semaphore, #tpu.memory_space<semaphore_mem>>) src(%dma_wait3A_177 : memref<32x1024xf32, #tpu.memory_space<hbm>>) dst(%arg11 : memref<32x1024xf32, #tpu.memory_space<vmem>>)
      tpu.yield
    }) : () -> ()
    %scan3A_140 = arith.constant 0 : i32
    %scan3A_141 = arith.constant 0 : i32
    %scan3A_142 = arith.constant 32 : i32
    %scan3A_143 = arith.addi %scan3A_141, %scan3A_142 : i32
    %scan3A_144 = arith.constant 1 : i32
    %scan3A_145 = scf.for %scan3A_170 = %scan3A_141 to %scan3A_143 step %scan3A_144 iter_args(%scan3A_171 = %scan3A_140) -> (i32)  : i32 {
      %jit3A = arith.constant 16 : i32
      %div3A = arith.divsi %scan3A_170, %jit3A : i32
      %sign3A = arith.constant 0 : i32
      %sign3A_172 = arith.cmpi sgt, %scan3A_170, %sign3A : i32
      %sign3A_173 = arith.extui %sign3A_172 : i1 to i32
      %sign3A_174 = arith.constant 0 : i32
      %sign3A_175 = arith.cmpi slt, %scan3A_170, %sign3A_174 : i32
      %sign3A_176 = arith.extui %sign3A_175 : i1 to i32
      %sign3A_177 = arith.subi %sign3A_173, %sign3A_176 : i32
      %sign3A_178 = arith.constant 0 : i32
      %sign3A_179 = arith.cmpi sgt, %jit3A, %sign3A_178 : i32
      %sign3A_180 = arith.extui %sign3A_179 : i1 to i32
      %sign3A_181 = arith.constant 0 : i32
      %sign3A_182 = arith.cmpi slt, %jit3A, %sign3A_181 : i32
      %sign3A_183 = arith.extui %sign3A_182 : i1 to i32
      %sign3A_184 = arith.subi %sign3A_180, %sign3A_183 : i32
      %ne3A = arith.cmpi ne, %sign3A_177, %sign3A_184 : i32
      %rem3A_185 = arith.remsi %scan3A_170, %jit3A : i32
      %ne3A_186 = arith.constant 0 : i32
      %ne3A_187 = arith.cmpi ne, %rem3A_185, %ne3A_186 : i32
      %and3A = arith.andi %ne3A, %ne3A_187 : i1
      %sub3A = arith.constant 1 : i32
      %sub3A_188 = arith.subi %div3A, %sub3A : i32
      %select_n3A = arith.select %and3A, %sub3A_188, %div3A : i32
      %mul3A_189 = arith.constant 16 : i32
      %mul3A_190 = arith.muli %select_n3A, %mul3A_189 : i32
      %add3A_191 = arith.constant 192 : i32
      %add3A_192 = arith.addi %add3A_191, %mul3A_190 : i32
      %get3A = arith.index_cast %add3A_192 : i32 to index
      %get3A_193 = tpu.vector_load %arg14[%get3A] {strides = array<i32>} : memref<256xi32, #tpu.memory_space<vmem>>, vector<16xi32>,
      %convert_element_type3A = arith.sitofp %get3A_193 : vector<16xi32> to vector<16xf32>
      %rem3A_194 = arith.constant 16 : i32
      %rem3A_195 = arith.remsi %scan3A_170, %rem3A_194 : i32
      %eq3A = vector.broadcast %rem3A_195 : i32 to vector<16xi32>
      %eq3A_196 = arith.cmpi eq, %iota3A, %eq3A : vector<16xi32>
      %jit3A_197 = arith.constant 0.000000e+00 : f32
      %broadcast_in_dim3A_198 = vector.broadcast %jit3A_197 : f32 to vector<16xf32>
      %select_n3A_199 = arith.select %eq3A_196, %convert_element_type3A, %broadcast_in_dim3A_198 : vector<16xi1>, vector<16xf32>
      %reduce_sum3A = arith.constant true
      %reduce_sum3A_200 = vector.broadcast %reduce_sum3A : i1 to vector<16xi1>
      %reduce_sum3A_201 = tpu.scan <sum>, %select_n3A_199 masked %reduce_sum3A_200 : vector<16xf32>, vector<16xi1> -> vector<16xf32>
      %reduce_sum3A_202 = vector.extract %reduce_sum3A_201[15] : f32 from vector<16xf32>
      %convert_element_type3A_203 = arith.fptosi %reduce_sum3A_202 : f32 to i32
      %scan3A_204 = arith.constant 0 : i32
      %scan3A_205 = arith.constant 64 : i32
      %scan3A_206 = arith.addi %scan3A_204, %scan3A_205 : i32
      %scan3A_207 = arith.constant 1 : i32
      %scan3A_208:2 = scf.for %scan3A_269 = %scan3A_204 to %scan3A_206 step %scan3A_207 iter_args(%scan3A_270 = %broadcast_in_dim3A_4, %scan3A_271 = %broadcast_in_dim3A_4) -> (vector<16xf32>, vector<16xf32>)  : i32 {
        %mul3A_272 = arith.constant 16 : i32
        %mul3A_273 = arith.muli %scan3A_269, %mul3A_272 : i32
        %get3A_274 = arith.index_cast %scan3A_170 : i32 to index
        %get3A_275 = arith.index_cast %mul3A_273 : i32 to index
        %get3A_276 = tpu.vector_load %arg10[%get3A_274, %get3A_275] {strides = array<i32>} : memref<32x1024xf32, #tpu.memory_space<vmem>>, vector<16xf32>,
        %mul3A_277 = arith.constant 16 : i32
        %mul3A_278 = arith.muli %scan3A_269, %mul3A_277 : i32
        %get3A_279 = arith.index_cast %scan3A_170 : i32 to index
        %get3A_280 = arith.index_cast %mul3A_278 : i32 to index
        %get3A_281 = tpu.vector_load %arg11[%get3A_279, %get3A_280] {strides = array<i32>} : memref<32x1024xf32, #tpu.memory_space<vmem>>, vector<16xf32>,
        %add3A_282 = arith.addf %get3A_276, %get3A_281 : vector<16xf32>
        %mul3A_283 = arith.constant 16 : i32
        %mul3A_284 = arith.muli %scan3A_269, %mul3A_283 : i32
        %get3A_285 = arith.index_cast %convert_element_type3A_203 : i32 to index
        %get3A_286 = arith.index_cast %mul3A_284 : i32 to index
        %get3A_287 = tpu.vector_load %arg12[%get3A_285, %get3A_286] {strides = array<i32>} : memref<2x1024xf32, #tpu.memory_space<vmem>>, vector<16xf32>,
        %add3A_288 = arith.addf %add3A_282, %get3A_287 : vector<16xf32>
        %mul3A_289 = arith.constant 16 : i32
        %mul3A_290 = arith.muli %scan3A_269, %mul3A_289 : i32
        %swap3A = arith.index_cast %scan3A_170 : i32 to index
        %swap3A_291 = arith.index_cast %mul3A_290 : i32 to index
        %swap3A_292 = tpu.vector_load %arg10[%swap3A, %swap3A_291] {strides = array<i32>} : memref<32x1024xf32, #tpu.memory_space<vmem>>, vector<16xf32>,
        tpu.vector_store %arg10[%swap3A, %swap3A_291], %add3A_288 {strides = array<i32>} : memref<32x1024xf32, #tpu.memory_space<vmem>>, vector<16xf32>,
        %add3A_293 = arith.addf %scan3A_270, %add3A_288 : vector<16xf32>
        %mul3A_294 = arith.mulf %add3A_288, %add3A_288 : vector<16xf32>
        %add3A_295 = arith.addf %scan3A_271, %mul3A_294 : vector<16xf32>
        scf.yield %add3A_293, %add3A_295 : vector<16xf32>, vector<16xf32>
      }
      %scan3A_209 = arith.constant 64 : i32
      %reduce_sum3A_210 = arith.constant true
      %reduce_sum3A_211 = vector.broadcast %reduce_sum3A_210 : i1 to vector<16xi1>
      %reduce_sum3A_212 = tpu.scan <sum>, %scan3A_208#0 masked %reduce_sum3A_211 : vector<16xf32>, vector<16xi1> -> vector<16xf32>
      %reduce_sum3A_213 = vector.extract %reduce_sum3A_212[15] : f32 from vector<16xf32>
      %reduce_sum3A_214 = arith.constant true
      %reduce_sum3A_215 = vector.broadcast %reduce_sum3A_214 : i1 to vector<16xi1>
      %reduce_sum3A_216 = tpu.scan <sum>, %scan3A_208#1 masked %reduce_sum3A_215 : vector<16xf32>, vector<16xi1> -> vector<16xf32>
      %reduce_sum3A_217 = vector.extract %reduce_sum3A_216[15] : f32 from vector<16xf32>
      %mul3A_218 = arith.constant 9.765625E-4 : f32
      %mul3A_219 = arith.mulf %reduce_sum3A_213, %mul3A_218 : f32
      %mul3A_220 = arith.constant 9.765625E-4 : f32
      %mul3A_221 = arith.mulf %reduce_sum3A_217, %mul3A_220 : f32
      %mul3A_222 = arith.mulf %mul3A_219, %mul3A_219 : f32
      %sub3A_223 = arith.subf %mul3A_221, %mul3A_222 : f32
      %add3A_224 = arith.constant 9.99999996E-13 : f32
      %add3A_225 = arith.addf %sub3A_223, %add3A_224 : f32
      %broadcast_in_dim3A_226 = vector.broadcast %add3A_225 : f32 to vector<16xf32>
      %bitcast_convert_type3A = tpu.bitcast %broadcast_in_dim3A_226 : vector<16xf32> -> vector<16xi32>
      %shift_right_arithmetic3A = arith.constant 1 : i32
      %shift_right_arithmetic3A_227 = vector.broadcast %shift_right_arithmetic3A : i32 to vector<16xi32>
      %shift_right_arithmetic3A_228 = arith.shrsi %bitcast_convert_type3A, %shift_right_arithmetic3A_227 : vector<16xi32>
      %sub3A_229 = arith.constant 1597463007 : i32
      %sub3A_230 = vector.broadcast %sub3A_229 : i32 to vector<16xi32>
      %sub3A_231 = arith.subi %sub3A_230, %shift_right_arithmetic3A_228 : vector<16xi32>
      %bitcast_convert_type3A_232 = tpu.bitcast %sub3A_231 : vector<16xi32> -> vector<16xf32>
      %mul3A_233 = arith.constant 5.000000e-01 : f32
      %mul3A_234 = vector.broadcast %mul3A_233 : f32 to vector<16xf32>
      %mul3A_235 = arith.mulf %mul3A_234, %broadcast_in_dim3A_226 : vector<16xf32>
      %mul3A_236 = arith.mulf %mul3A_235, %bitcast_convert_type3A_232 : vector<16xf32>
      %mul3A_237 = arith.mulf %mul3A_236, %bitcast_convert_type3A_232 : vector<16xf32>
      %sub3A_238 = arith.constant 1.500000e+00 : f32
      %sub3A_239 = vector.broadcast %sub3A_238 : f32 to vector<16xf32>
      %sub3A_240 = arith.subf %sub3A_239, %mul3A_237 : vector<16xf32>
      %mul3A_241 = arith.mulf %bitcast_convert_type3A_232, %sub3A_240 : vector<16xf32>
      %mul3A_242 = arith.constant 5.000000e-01 : f32
      %mul3A_243 = vector.broadcast %mul3A_242 : f32 to vector<16xf32>
      %mul3A_244 = arith.mulf %mul3A_243, %broadcast_in_dim3A_226 : vector<16xf32>
      %mul3A_245 = arith.mulf %mul3A_244, %mul3A_241 : vector<16xf32>
      %mul3A_246 = arith.mulf %mul3A_245, %mul3A_241 : vector<16xf32>
      %sub3A_247 = arith.constant 1.500000e+00 : f32
      %sub3A_248 = vector.broadcast %sub3A_247 : f32 to vector<16xf32>
      %sub3A_249 = arith.subf %sub3A_248, %mul3A_246 : vector<16xf32>
      %mul3A_250 = arith.mulf %mul3A_241, %sub3A_249 : vector<16xf32>
      %mul3A_251 = arith.constant 5.000000e-01 : f32
      %mul3A_252 = vector.broadcast %mul3A_251 : f32 to vector<16xf32>
      %mul3A_253 = arith.mulf %mul3A_252, %broadcast_in_dim3A_226 : vector<16xf32>
      %mul3A_254 = arith.mulf %mul3A_253, %mul3A_250 : vector<16xf32>
      %mul3A_255 = arith.mulf %mul3A_254, %mul3A_250 : vector<16xf32>
      %sub3A_256 = arith.constant 1.500000e+00 : f32
      %sub3A_257 = vector.broadcast %sub3A_256 : f32 to vector<16xf32>
      %sub3A_258 = arith.subf %sub3A_257, %mul3A_255 : vector<16xf32>
      %mul3A_259 = arith.mulf %mul3A_250, %sub3A_258 : vector<16xf32>
      %broadcast_in_dim3A_260 = vector.broadcast %mul3A_219 : f32 to vector<16xf32>
      %scan3A_261 = arith.constant 0 : i32
      %scan3A_262 = arith.constant 0 : i32
      %scan3A_263 = arith.constant 64 : i32
      %scan3A_264 = arith.addi %scan3A_262, %scan3A_263 : i32
      %scan3A_265 = arith.constant 1 : i32
      %scan3A_266 = scf.for %scan3A_269 = %scan3A_262 to %scan3A_264 step %scan3A_265 iter_args(%scan3A_270 = %scan3A_261) -> (i32)  : i32 {
        %mul3A_271 = arith.constant 16 : i32
        %mul3A_272 = arith.muli %scan3A_269, %mul3A_271 : i32
        %get3A_273 = arith.index_cast %scan3A_170 : i32 to index
        %get3A_274 = arith.index_cast %mul3A_272 : i32 to index
        %get3A_275 = tpu.vector_load %arg10[%get3A_273, %get3A_274] {strides = array<i32>} : memref<32x1024xf32, #tpu.memory_space<vmem>>, vector<16xf32>,
        %mul3A_276 = arith.constant 16 : i32
        %mul3A_277 = arith.muli %scan3A_269, %mul3A_276 : i32
        %get3A_278 = arith.index_cast %mul3A_277 : i32 to index
        %get3A_279 = tpu.vector_load %arg15[%get3A_278] {strides = array<i32>} : memref<1024xf32, #tpu.memory_space<vmem>>, vector<16xf32>,
        %mul3A_280 = arith.constant 16 : i32
        %mul3A_281 = arith.muli %scan3A_269, %mul3A_280 : i32
        %get3A_282 = arith.index_cast %mul3A_281 : i32 to index
        %get3A_283 = tpu.vector_load %arg16[%get3A_282] {strides = array<i32>} : memref<1024xf32, #tpu.memory_space<vmem>>, vector<16xf32>,
        %sub3A_284 = arith.subf %get3A_275, %broadcast_in_dim3A_260 : vector<16xf32>
        %mul3A_285 = arith.mulf %sub3A_284, %mul3A_259 : vector<16xf32>
        %mul3A_286 = arith.mulf %mul3A_285, %get3A_279 : vector<16xf32>
        %add3A_287 = arith.addf %mul3A_286, %get3A_283 : vector<16xf32>
        %mul3A_288 = arith.constant 16 : i32
        %mul3A_289 = arith.muli %scan3A_269, %mul3A_288 : i32
        %swap3A = arith.index_cast %scan3A_170 : i32 to index
        %swap3A_290 = arith.index_cast %mul3A_289 : i32 to index
        %swap3A_291 = tpu.vector_load %arg10[%swap3A, %swap3A_290] {strides = array<i32>} : memref<32x1024xf32, #tpu.memory_space<vmem>>, vector<16xf32>,
        tpu.vector_store %arg10[%swap3A, %swap3A_290], %add3A_287 {strides = array<i32>} : memref<32x1024xf32, #tpu.memory_space<vmem>>, vector<16xf32>,
        %scan3A_292 = arith.constant 0 : i32
        scf.yield %scan3A_292 : i32
      }
      %scan3A_267 = arith.constant 64 : i32
      %scan3A_268 = arith.constant 0 : i32
      scf.yield %scan3A_268 : i32
    }
    %scan3A_146 = arith.constant 32 : i32
    %add3A_147 = arith.constant 192 : i32
    %add3A_148 = arith.addi %mul3A_2, %add3A_147 : i32
    "tpu.region"() ({
      %run_scoped3A = tpu.sem_alloc : memref<!tpu.dma_semaphore, #tpu.memory_space<semaphore_mem>>
      %dma_start3A_170 = arith.constant 0 : i32
      %dma_start3A_171 = tpu.memref_slice %arg9[%add3A_148, %dma_start3A_170] : memref<8192x1024xf32, #tpu.memory_space<hbm>> -> memref<32x1024xf32, #tpu.memory_space<hbm>>
      %dma_start3A_172 = arith.constant 0 : i32
      %dma_start3A_173 = tpu.memref_slice %arg9[%add3A_148, %dma_start3A_172] : memref<8192x1024xf32, #tpu.memory_space<hbm>> -> memref<32x1024xf32, #tpu.memory_space<hbm>>
      tpu.enqueue_dma source(%arg10 : memref<32x1024xf32, #tpu.memory_space<vmem>>) target(%dma_start3A_173 : memref<32x1024xf32, #tpu.memory_space<hbm>>) target_semaphore(%run_scoped3A : memref<!tpu.dma_semaphore, #tpu.memory_space<semaphore_mem>>)
      %dma_wait3A_174 = arith.constant 0 : i32
      %dma_wait3A_175 = tpu.memref_slice %arg9[%add3A_148, %dma_wait3A_174] : memref<8192x1024xf32, #tpu.memory_space<hbm>> -> memref<32x1024xf32, #tpu.memory_space<hbm>>
      %dma_wait3A_176 = arith.constant 0 : i32
      %dma_wait3A_177 = tpu.memref_slice %arg9[%add3A_148, %dma_wait3A_176] : memref<8192x1024xf32, #tpu.memory_space<hbm>> -> memref<32x1024xf32, #tpu.memory_space<hbm>>
      tpu.wait_dma2 semaphore(%run_scoped3A : memref<!tpu.dma_semaphore, #tpu.memory_space<semaphore_mem>>) src(%arg10 : memref<32x1024xf32, #tpu.memory_space<vmem>>) dst(%dma_wait3A_177 : memref<32x1024xf32, #tpu.memory_space<hbm>>)
      tpu.yield
    }) : () -> ()
    %dma_start3A_149 = arith.constant 224 : i32
    %dma_start3A_150 = tpu.memref_slice %arg13[%dma_start3A_149] : memref<256xi32, #tpu.memory_space<vmem>> -> memref<32xi32, #tpu.memory_space<vmem>>
    %dma_start3A_151 = arith.constant 0 : i32
    %dma_start3A_152 = arith.constant 0 : i32
    %dma_start3A_153 = tpu.memref_slice %arg4[%dma_start3A_151, %dma_start3A_152] : memref<30522x1024xf32, #tpu.memory_space<hbm>> -> memref<30522x1024xf32, #tpu.memory_space<hbm>>
    tpu.enqueue_indirect_dma source(%dma_start3A_153 : memref<30522x1024xf32, #tpu.memory_space<hbm>>) target(%arg10 : memref<32x1024xf32, #tpu.memory_space<vmem>>) offsets(%dma_start3A_150 : memref<32xi32, #tpu.memory_space<vmem>>) semaphore(%arg17 : memref<!tpu.dma_semaphore, #tpu.memory_space<semaphore_mem>>)
    %dma_wait3A_154 = arith.constant 224 : i32
    %dma_wait3A_155 = tpu.memref_slice %arg13[%dma_wait3A_154] : memref<256xi32, #tpu.memory_space<vmem>> -> memref<32xi32, #tpu.memory_space<vmem>>
    %dma_wait3A_156 = arith.constant 0 : i32
    %dma_wait3A_157 = arith.constant 0 : i32
    %dma_wait3A_158 = tpu.memref_slice %arg4[%dma_wait3A_156, %dma_wait3A_157] : memref<30522x1024xf32, #tpu.memory_space<hbm>> -> memref<30522x1024xf32, #tpu.memory_space<hbm>>
    tpu.wait_indirect_dma semaphore(%arg17 : memref<!tpu.dma_semaphore, #tpu.memory_space<semaphore_mem>>) src(%dma_wait3A_158 : memref<30522x1024xf32, #tpu.memory_space<hbm>>) dst(%arg10 : memref<32x1024xf32, #tpu.memory_space<vmem>>)
    %add3A_159 = arith.constant 224 : i32
    %add3A_160 = arith.addi %rem3A_3, %add3A_159 : i32
    "tpu.region"() ({
      %run_scoped3A = tpu.sem_alloc : memref<!tpu.dma_semaphore, #tpu.memory_space<semaphore_mem>>
      %dma_start3A_170 = arith.constant 0 : i32
      %dma_start3A_171 = tpu.memref_slice %arg5[%add3A_160, %dma_start3A_170] : memref<2048x1024xf32, #tpu.memory_space<hbm>> -> memref<32x1024xf32, #tpu.memory_space<hbm>>
      %dma_start3A_172 = arith.constant 0 : i32
      %dma_start3A_173 = tpu.memref_slice %arg5[%add3A_160, %dma_start3A_172] : memref<2048x1024xf32, #tpu.memory_space<hbm>> -> memref<32x1024xf32, #tpu.memory_space<hbm>>
      tpu.enqueue_dma source(%dma_start3A_173 : memref<32x1024xf32, #tpu.memory_space<hbm>>) target(%arg11 : memref<32x1024xf32, #tpu.memory_space<vmem>>) target_semaphore(%run_scoped3A : memref<!tpu.dma_semaphore, #tpu.memory_space<semaphore_mem>>)
      %dma_wait3A_174 = arith.constant 0 : i32
      %dma_wait3A_175 = tpu.memref_slice %arg5[%add3A_160, %dma_wait3A_174] : memref<2048x1024xf32, #tpu.memory_space<hbm>> -> memref<32x1024xf32, #tpu.memory_space<hbm>>
      %dma_wait3A_176 = arith.constant 0 : i32
      %dma_wait3A_177 = tpu.memref_slice %arg5[%add3A_160, %dma_wait3A_176] : memref<2048x1024xf32, #tpu.memory_space<hbm>> -> memref<32x1024xf32, #tpu.memory_space<hbm>>
      tpu.wait_dma2 semaphore(%run_scoped3A : memref<!tpu.dma_semaphore, #tpu.memory_space<semaphore_mem>>) src(%dma_wait3A_177 : memref<32x1024xf32, #tpu.memory_space<hbm>>) dst(%arg11 : memref<32x1024xf32, #tpu.memory_space<vmem>>)
      tpu.yield
    }) : () -> ()
    %scan3A_161 = arith.constant 0 : i32
    %scan3A_162 = arith.constant 0 : i32
    %scan3A_163 = arith.constant 32 : i32
    %scan3A_164 = arith.addi %scan3A_162, %scan3A_163 : i32
    %scan3A_165 = arith.constant 1 : i32
    %scan3A_166 = scf.for %scan3A_170 = %scan3A_162 to %scan3A_164 step %scan3A_165 iter_args(%scan3A_171 = %scan3A_161) -> (i32)  : i32 {
      %jit3A = arith.constant 16 : i32
      %div3A = arith.divsi %scan3A_170, %jit3A : i32
      %sign3A = arith.constant 0 : i32
      %sign3A_172 = arith.cmpi sgt, %scan3A_170, %sign3A : i32
      %sign3A_173 = arith.extui %sign3A_172 : i1 to i32
      %sign3A_174 = arith.constant 0 : i32
      %sign3A_175 = arith.cmpi slt, %scan3A_170, %sign3A_174 : i32
      %sign3A_176 = arith.extui %sign3A_175 : i1 to i32
      %sign3A_177 = arith.subi %sign3A_173, %sign3A_176 : i32
      %sign3A_178 = arith.constant 0 : i32
      %sign3A_179 = arith.cmpi sgt, %jit3A, %sign3A_178 : i32
      %sign3A_180 = arith.extui %sign3A_179 : i1 to i32
      %sign3A_181 = arith.constant 0 : i32
      %sign3A_182 = arith.cmpi slt, %jit3A, %sign3A_181 : i32
      %sign3A_183 = arith.extui %sign3A_182 : i1 to i32
      %sign3A_184 = arith.subi %sign3A_180, %sign3A_183 : i32
      %ne3A = arith.cmpi ne, %sign3A_177, %sign3A_184 : i32
      %rem3A_185 = arith.remsi %scan3A_170, %jit3A : i32
      %ne3A_186 = arith.constant 0 : i32
      %ne3A_187 = arith.cmpi ne, %rem3A_185, %ne3A_186 : i32
      %and3A = arith.andi %ne3A, %ne3A_187 : i1
      %sub3A = arith.constant 1 : i32
      %sub3A_188 = arith.subi %div3A, %sub3A : i32
      %select_n3A = arith.select %and3A, %sub3A_188, %div3A : i32
      %mul3A_189 = arith.constant 16 : i32
      %mul3A_190 = arith.muli %select_n3A, %mul3A_189 : i32
      %add3A_191 = arith.constant 224 : i32
      %add3A_192 = arith.addi %add3A_191, %mul3A_190 : i32
      %get3A = arith.index_cast %add3A_192 : i32 to index
      %get3A_193 = tpu.vector_load %arg14[%get3A] {strides = array<i32>} : memref<256xi32, #tpu.memory_space<vmem>>, vector<16xi32>,
      %convert_element_type3A = arith.sitofp %get3A_193 : vector<16xi32> to vector<16xf32>
      %rem3A_194 = arith.constant 16 : i32
      %rem3A_195 = arith.remsi %scan3A_170, %rem3A_194 : i32
      %eq3A = vector.broadcast %rem3A_195 : i32 to vector<16xi32>
      %eq3A_196 = arith.cmpi eq, %iota3A, %eq3A : vector<16xi32>
      %jit3A_197 = arith.constant 0.000000e+00 : f32
      %broadcast_in_dim3A_198 = vector.broadcast %jit3A_197 : f32 to vector<16xf32>
      %select_n3A_199 = arith.select %eq3A_196, %convert_element_type3A, %broadcast_in_dim3A_198 : vector<16xi1>, vector<16xf32>
      %reduce_sum3A = arith.constant true
      %reduce_sum3A_200 = vector.broadcast %reduce_sum3A : i1 to vector<16xi1>
      %reduce_sum3A_201 = tpu.scan <sum>, %select_n3A_199 masked %reduce_sum3A_200 : vector<16xf32>, vector<16xi1> -> vector<16xf32>
      %reduce_sum3A_202 = vector.extract %reduce_sum3A_201[15] : f32 from vector<16xf32>
      %convert_element_type3A_203 = arith.fptosi %reduce_sum3A_202 : f32 to i32
      %scan3A_204 = arith.constant 0 : i32
      %scan3A_205 = arith.constant 64 : i32
      %scan3A_206 = arith.addi %scan3A_204, %scan3A_205 : i32
      %scan3A_207 = arith.constant 1 : i32
      %scan3A_208:2 = scf.for %scan3A_269 = %scan3A_204 to %scan3A_206 step %scan3A_207 iter_args(%scan3A_270 = %broadcast_in_dim3A_4, %scan3A_271 = %broadcast_in_dim3A_4) -> (vector<16xf32>, vector<16xf32>)  : i32 {
        %mul3A_272 = arith.constant 16 : i32
        %mul3A_273 = arith.muli %scan3A_269, %mul3A_272 : i32
        %get3A_274 = arith.index_cast %scan3A_170 : i32 to index
        %get3A_275 = arith.index_cast %mul3A_273 : i32 to index
        %get3A_276 = tpu.vector_load %arg10[%get3A_274, %get3A_275] {strides = array<i32>} : memref<32x1024xf32, #tpu.memory_space<vmem>>, vector<16xf32>,
        %mul3A_277 = arith.constant 16 : i32
        %mul3A_278 = arith.muli %scan3A_269, %mul3A_277 : i32
        %get3A_279 = arith.index_cast %scan3A_170 : i32 to index
        %get3A_280 = arith.index_cast %mul3A_278 : i32 to index
        %get3A_281 = tpu.vector_load %arg11[%get3A_279, %get3A_280] {strides = array<i32>} : memref<32x1024xf32, #tpu.memory_space<vmem>>, vector<16xf32>,
        %add3A_282 = arith.addf %get3A_276, %get3A_281 : vector<16xf32>
        %mul3A_283 = arith.constant 16 : i32
        %mul3A_284 = arith.muli %scan3A_269, %mul3A_283 : i32
        %get3A_285 = arith.index_cast %convert_element_type3A_203 : i32 to index
        %get3A_286 = arith.index_cast %mul3A_284 : i32 to index
        %get3A_287 = tpu.vector_load %arg12[%get3A_285, %get3A_286] {strides = array<i32>} : memref<2x1024xf32, #tpu.memory_space<vmem>>, vector<16xf32>,
        %add3A_288 = arith.addf %add3A_282, %get3A_287 : vector<16xf32>
        %mul3A_289 = arith.constant 16 : i32
        %mul3A_290 = arith.muli %scan3A_269, %mul3A_289 : i32
        %swap3A = arith.index_cast %scan3A_170 : i32 to index
        %swap3A_291 = arith.index_cast %mul3A_290 : i32 to index
        %swap3A_292 = tpu.vector_load %arg10[%swap3A, %swap3A_291] {strides = array<i32>} : memref<32x1024xf32, #tpu.memory_space<vmem>>, vector<16xf32>,
        tpu.vector_store %arg10[%swap3A, %swap3A_291], %add3A_288 {strides = array<i32>} : memref<32x1024xf32, #tpu.memory_space<vmem>>, vector<16xf32>,
        %add3A_293 = arith.addf %scan3A_270, %add3A_288 : vector<16xf32>
        %mul3A_294 = arith.mulf %add3A_288, %add3A_288 : vector<16xf32>
        %add3A_295 = arith.addf %scan3A_271, %mul3A_294 : vector<16xf32>
        scf.yield %add3A_293, %add3A_295 : vector<16xf32>, vector<16xf32>
      }
      %scan3A_209 = arith.constant 64 : i32
      %reduce_sum3A_210 = arith.constant true
      %reduce_sum3A_211 = vector.broadcast %reduce_sum3A_210 : i1 to vector<16xi1>
      %reduce_sum3A_212 = tpu.scan <sum>, %scan3A_208#0 masked %reduce_sum3A_211 : vector<16xf32>, vector<16xi1> -> vector<16xf32>
      %reduce_sum3A_213 = vector.extract %reduce_sum3A_212[15] : f32 from vector<16xf32>
      %reduce_sum3A_214 = arith.constant true
      %reduce_sum3A_215 = vector.broadcast %reduce_sum3A_214 : i1 to vector<16xi1>
      %reduce_sum3A_216 = tpu.scan <sum>, %scan3A_208#1 masked %reduce_sum3A_215 : vector<16xf32>, vector<16xi1> -> vector<16xf32>
      %reduce_sum3A_217 = vector.extract %reduce_sum3A_216[15] : f32 from vector<16xf32>
      %mul3A_218 = arith.constant 9.765625E-4 : f32
      %mul3A_219 = arith.mulf %reduce_sum3A_213, %mul3A_218 : f32
      %mul3A_220 = arith.constant 9.765625E-4 : f32
      %mul3A_221 = arith.mulf %reduce_sum3A_217, %mul3A_220 : f32
      %mul3A_222 = arith.mulf %mul3A_219, %mul3A_219 : f32
      %sub3A_223 = arith.subf %mul3A_221, %mul3A_222 : f32
      %add3A_224 = arith.constant 9.99999996E-13 : f32
      %add3A_225 = arith.addf %sub3A_223, %add3A_224 : f32
      %broadcast_in_dim3A_226 = vector.broadcast %add3A_225 : f32 to vector<16xf32>
      %bitcast_convert_type3A = tpu.bitcast %broadcast_in_dim3A_226 : vector<16xf32> -> vector<16xi32>
      %shift_right_arithmetic3A = arith.constant 1 : i32
      %shift_right_arithmetic3A_227 = vector.broadcast %shift_right_arithmetic3A : i32 to vector<16xi32>
      %shift_right_arithmetic3A_228 = arith.shrsi %bitcast_convert_type3A, %shift_right_arithmetic3A_227 : vector<16xi32>
      %sub3A_229 = arith.constant 1597463007 : i32
      %sub3A_230 = vector.broadcast %sub3A_229 : i32 to vector<16xi32>
      %sub3A_231 = arith.subi %sub3A_230, %shift_right_arithmetic3A_228 : vector<16xi32>
      %bitcast_convert_type3A_232 = tpu.bitcast %sub3A_231 : vector<16xi32> -> vector<16xf32>
      %mul3A_233 = arith.constant 5.000000e-01 : f32
      %mul3A_234 = vector.broadcast %mul3A_233 : f32 to vector<16xf32>
      %mul3A_235 = arith.mulf %mul3A_234, %broadcast_in_dim3A_226 : vector<16xf32>
      %mul3A_236 = arith.mulf %mul3A_235, %bitcast_convert_type3A_232 : vector<16xf32>
      %mul3A_237 = arith.mulf %mul3A_236, %bitcast_convert_type3A_232 : vector<16xf32>
      %sub3A_238 = arith.constant 1.500000e+00 : f32
      %sub3A_239 = vector.broadcast %sub3A_238 : f32 to vector<16xf32>
      %sub3A_240 = arith.subf %sub3A_239, %mul3A_237 : vector<16xf32>
      %mul3A_241 = arith.mulf %bitcast_convert_type3A_232, %sub3A_240 : vector<16xf32>
      %mul3A_242 = arith.constant 5.000000e-01 : f32
      %mul3A_243 = vector.broadcast %mul3A_242 : f32 to vector<16xf32>
      %mul3A_244 = arith.mulf %mul3A_243, %broadcast_in_dim3A_226 : vector<16xf32>
      %mul3A_245 = arith.mulf %mul3A_244, %mul3A_241 : vector<16xf32>
      %mul3A_246 = arith.mulf %mul3A_245, %mul3A_241 : vector<16xf32>
      %sub3A_247 = arith.constant 1.500000e+00 : f32
      %sub3A_248 = vector.broadcast %sub3A_247 : f32 to vector<16xf32>
      %sub3A_249 = arith.subf %sub3A_248, %mul3A_246 : vector<16xf32>
      %mul3A_250 = arith.mulf %mul3A_241, %sub3A_249 : vector<16xf32>
      %mul3A_251 = arith.constant 5.000000e-01 : f32
      %mul3A_252 = vector.broadcast %mul3A_251 : f32 to vector<16xf32>
      %mul3A_253 = arith.mulf %mul3A_252, %broadcast_in_dim3A_226 : vector<16xf32>
      %mul3A_254 = arith.mulf %mul3A_253, %mul3A_250 : vector<16xf32>
      %mul3A_255 = arith.mulf %mul3A_254, %mul3A_250 : vector<16xf32>
      %sub3A_256 = arith.constant 1.500000e+00 : f32
      %sub3A_257 = vector.broadcast %sub3A_256 : f32 to vector<16xf32>
      %sub3A_258 = arith.subf %sub3A_257, %mul3A_255 : vector<16xf32>
      %mul3A_259 = arith.mulf %mul3A_250, %sub3A_258 : vector<16xf32>
      %broadcast_in_dim3A_260 = vector.broadcast %mul3A_219 : f32 to vector<16xf32>
      %scan3A_261 = arith.constant 0 : i32
      %scan3A_262 = arith.constant 0 : i32
      %scan3A_263 = arith.constant 64 : i32
      %scan3A_264 = arith.addi %scan3A_262, %scan3A_263 : i32
      %scan3A_265 = arith.constant 1 : i32
      %scan3A_266 = scf.for %scan3A_269 = %scan3A_262 to %scan3A_264 step %scan3A_265 iter_args(%scan3A_270 = %scan3A_261) -> (i32)  : i32 {
        %mul3A_271 = arith.constant 16 : i32
        %mul3A_272 = arith.muli %scan3A_269, %mul3A_271 : i32
        %get3A_273 = arith.index_cast %scan3A_170 : i32 to index
        %get3A_274 = arith.index_cast %mul3A_272 : i32 to index
        %get3A_275 = tpu.vector_load %arg10[%get3A_273, %get3A_274] {strides = array<i32>} : memref<32x1024xf32, #tpu.memory_space<vmem>>, vector<16xf32>,
        %mul3A_276 = arith.constant 16 : i32
        %mul3A_277 = arith.muli %scan3A_269, %mul3A_276 : i32
        %get3A_278 = arith.index_cast %mul3A_277 : i32 to index
        %get3A_279 = tpu.vector_load %arg15[%get3A_278] {strides = array<i32>} : memref<1024xf32, #tpu.memory_space<vmem>>, vector<16xf32>,
        %mul3A_280 = arith.constant 16 : i32
        %mul3A_281 = arith.muli %scan3A_269, %mul3A_280 : i32
        %get3A_282 = arith.index_cast %mul3A_281 : i32 to index
        %get3A_283 = tpu.vector_load %arg16[%get3A_282] {strides = array<i32>} : memref<1024xf32, #tpu.memory_space<vmem>>, vector<16xf32>,
        %sub3A_284 = arith.subf %get3A_275, %broadcast_in_dim3A_260 : vector<16xf32>
        %mul3A_285 = arith.mulf %sub3A_284, %mul3A_259 : vector<16xf32>
        %mul3A_286 = arith.mulf %mul3A_285, %get3A_279 : vector<16xf32>
        %add3A_287 = arith.addf %mul3A_286, %get3A_283 : vector<16xf32>
        %mul3A_288 = arith.constant 16 : i32
        %mul3A_289 = arith.muli %scan3A_269, %mul3A_288 : i32
        %swap3A = arith.index_cast %scan3A_170 : i32 to index
        %swap3A_290 = arith.index_cast %mul3A_289 : i32 to index
        %swap3A_291 = tpu.vector_load %arg10[%swap3A, %swap3A_290] {strides = array<i32>} : memref<32x1024xf32, #tpu.memory_space<vmem>>, vector<16xf32>,
        tpu.vector_store %arg10[%swap3A, %swap3A_290], %add3A_287 {strides = array<i32>} : memref<32x1024xf32, #tpu.memory_space<vmem>>, vector<16xf32>,
        %scan3A_292 = arith.constant 0 : i32
        scf.yield %scan3A_292 : i32
      }
      %scan3A_267 = arith.constant 64 : i32
      %scan3A_268 = arith.constant 0 : i32
      scf.yield %scan3A_268 : i32
    }
    %scan3A_167 = arith.constant 32 : i32
    %add3A_168 = arith.constant 224 : i32
    %add3A_169 = arith.addi %mul3A_2, %add3A_168 : i32
    "tpu.region"() ({
      %run_scoped3A = tpu.sem_alloc : memref<!tpu.dma_semaphore, #tpu.memory_space<semaphore_mem>>
      %dma_start3A_170 = arith.constant 0 : i32
      %dma_start3A_171 = tpu.memref_slice %arg9[%add3A_169, %dma_start3A_170] : memref<8192x1024xf32, #tpu.memory_space<hbm>> -> memref<32x1024xf32, #tpu.memory_space<hbm>>
      %dma_start3A_172 = arith.constant 0 : i32
      %dma_start3A_173 = tpu.memref_slice %arg9[%add3A_169, %dma_start3A_172] : memref<8192x1024xf32, #tpu.memory_space<hbm>> -> memref<32x1024xf32, #tpu.memory_space<hbm>>
      tpu.enqueue_dma source(%arg10 : memref<32x1024xf32, #tpu.memory_space<vmem>>) target(%dma_start3A_173 : memref<32x1024xf32, #tpu.memory_space<hbm>>) target_semaphore(%run_scoped3A : memref<!tpu.dma_semaphore, #tpu.memory_space<semaphore_mem>>)
      %dma_wait3A_174 = arith.constant 0 : i32
      %dma_wait3A_175 = tpu.memref_slice %arg9[%add3A_169, %dma_wait3A_174] : memref<8192x1024xf32, #tpu.memory_space<hbm>> -> memref<32x1024xf32, #tpu.memory_space<hbm>>
      %dma_wait3A_176 = arith.constant 0 : i32
      %dma_wait3A_177 = tpu.memref_slice %arg9[%add3A_169, %dma_wait3A_176] : memref<8192x1024xf32, #tpu.memory_space<hbm>> -> memref<32x1024xf32, #tpu.memory_space<hbm>>
      tpu.wait_dma2 semaphore(%run_scoped3A : memref<!tpu.dma_semaphore, #tpu.memory_space<semaphore_mem>>) src(%arg10 : memref<32x1024xf32, #tpu.memory_space<vmem>>) dst(%dma_wait3A_177 : memref<32x1024xf32, #tpu.memory_space<hbm>>)
      tpu.yield
    }) : () -> ()
    return
  }
}

</mosaic_0001>

<sc_bundles>
// kernel: kernel.3.cloned.1.call-start
scs
__scs_entry_jumppad:
0x0: {  	(pc) =	sbr.rel $0x88, $3  }
0x1: {  	(tag) =	ssettag $0x0;
	lr =	simm.s32 $0x1  }
0x2: {  	[smem:$0x3F9A] =	sst lr;
	_ =	strace $0xD0000000  }
0x3: {  	_ = 	snop  }
0x4: {  	_ = 	snop  }
0x5: {  	_ = 	snop  }
0x6: {  	_ = 	snop  }
0x7: {  	_ = 	snop  }
__scs_overlays_trampoline_lowered:
0x8: {  	[smem:$0x3FA9] =	sst s0  }
0x9: {  	[smem:$0x3FAA] =	sst s1  }
0xa: {  	[smem:$0x3FAB] =	sst s2  }
0xb: {  	[smem:$0x3FAC] =	sst s3  }
0xc: {  	[smem:$0x3FAD] =	sst s4  }
0xd: {  	[smem:$0x3FAE] =	sst s5  }
0xe: {  	[smem:$0x3FAF] =	sst s6  }
0xf: {  	[smem:$0x3FB0] =	sst s7  }
0x10: {  	[smem:$0x3FB1] =	sst s8  }
0x11: {  	[smem:$0x3FB2] =	sst s9;
	s0 =	simm.s32 @!p0 $0x0  }
0x12: {  	s1 =	sld [smem:$0x3F98];
	s0 =	simm.s32 @p0 $0x1  }
0x13: {  	[smem:$0x3FB3] =	sst s0;
	s0 =	simm.s32 @!p1 $0x0  }
0x14: {  	s2 =	sld [smem:$0x3F97];
	s0 =	simm.s32 @p1 $0x1  }
0x15: {  	[smem:$0x3FB4] =	sst s0;
	s0 =	simm.s32 @!p2 $0x0  }
0x16: {  	s3 =	sld [smem:$0x3FDB];
	s0 =	simm.s32 @p2 $0x1  }
0x17: {  	s4 =	simm.s32 $0x1BF5;
	[smem:$0x3FB6] =	sst s0  }
0x18: {  	s0 =	sld [smem:$0x3F99];
	_ =	swait.ge [sflag:s4], $0x0  }
0x19: {  	s7 =	sld [smem:$0x3F9A]  }
0x1a: {  	s8 =	sadd.s32 $0xFFFFE003, lr  }
0x1b: {  	s9 =	sadd.s32 $0xFFFFFEF7, lr;
	s5 =	simm.s32 $0xFFFFFFFF;
	p2 =	slt.u32 s8, $0xFFFFF086  }
0x1c: {  	p1 =	slt.u32 s9, $0xF7A;
	s5 =	simm.s32 @!p2 $0x0  }
0x1d: {  	s5 =	simm.s32 @p1 $0x1;
	p0 =	seq.s32 s7, s2  }
0x1e: {  	s7 =	smul.u32 @!p0 $0xF7A, s2;
	p2 =	seq.s32 @!p0 s5, $0x0  }
0x1f: {  	s9 =	smul.u32 $0xF7A, s1;
	s8 =	simm.s32 @!p0 $0x1BF5;
	p2 =	por !p2, p0  }
0x20: {  	[sflag:s8] =	ssyncset.s32 @!p0 $0xFFFFF086;
	s6 =	sadd.s32 @!p0 s3, s7;
	s7 =	simm.s32 @!p0 $0x108  }
0x21: {  	s3 =	sadd.s32 s3, s9;
	s6 =	sadd.s32 @!p0 $0x88, s6;
	s7 =	simm.s32 @p2 $0x1082  }
0x22: {  	[simem:s7], [sflag:s8] =	dma.local @!p0 [hbm:s6], $0xF7A  }
0x23: {  	s9 =	sor.u32 $0xD0000000, s2;
	s6 =	simm.s32 $0x108;
	_ =	swait.ge @!p0 [sflag:s8], $0x0  }
0x24: {  	s3 =	sadd.s32 $0x88, s3;
	s6 =	simm.s32 @!p1 $0x1082;
	[sflag:s4] =	ssyncset.s32 $0xFFFFF086  }
0x25: {  	[simem:s6], [sflag:s4] =	dma.local [hbm:s3], $0xF7A  }
0x26: {  	[smem:$0x3F9A] =	sst s1;
	(tag) =	ssettag s2;
	_ =	strace s9  }
0x27: {  	s1 =	sld [smem:$0x3FAA]  }
0x28: {  	s2 =	sld [smem:$0x3FAB]  }
0x29: {  	s4 =	sld [smem:$0x3FAD]  }
0x2a: {  	p0 =	seq.s32 s5, $0x0;
	s5 =	sld [smem:$0x3FAE]  }
0x2b: {  	s6 =	sld [smem:$0x3FAF]  }
0x2c: {  	s7 =	sld [smem:$0x3FB0]  }
0x2d: {  	s3 =	simm.s32 $0x108;
	s8 =	sld [smem:$0x3FB1]  }
0x2e: {  	s3 =	simm.s32 @!p0 $0x1082;
	s9 =	sld [smem:$0x3FB2]  }
0x2f: {  	lr =	sadd.s32 s0, s3;
	s0 =	sld [smem:$0x3FA9]  }
0x30: {  	s3 =	sld [smem:$0x3FAC]  }
0x31: {  	[smem:$0x3FB5] =	sst s10  }
0x32: {  	s10 =	sld [smem:$0x3FB3];
	_ =	sdelay $0x3  }
0x33: {  	p0 =	seq.s32 s10, $0x1;
	s10 =	sld [smem:$0x3FB5];
	_ =	sdelay $0x3  }
0x34: {  	[smem:$0x3FB5] =	sst s10  }
0x35: {  	s10 =	sld [smem:$0x3FB4];
	_ =	sdelay $0x3  }
0x36: {  	p1 =	seq.s32 s10, $0x1;
	s10 =	sld [smem:$0x3FB5];
	_ =	sdelay $0x3  }
0x37: {  	[smem:$0x3FB5] =	sst s10  }
0x38: {  	s10 =	sld [smem:$0x3FB6]  }
0x39: {  	_ = 	snop;
	(pc) =	sbr.ind lr, $3  }
0x3a: {  	_ = 	snop  }
0x3b: {  	_ = 	snop  }
0x3c: {  	p2 =	seq.s32 s10, $0x1;
	s10 =	sld [smem:$0x3FB5]  }
0x3d: {  	_ =	shalt  }
0x3e: {  	_ =	shalt  }
0x3f: {  	_ =	shalt  }
0x40: {  	_ =	shalt  }
0x41: {  	_ =	shalt  }
0x42: {  	_ =	shalt  }
0x43: {  	_ =	shalt  }
0x44: {  	_ =	shalt  }
0x45: {  	_ =	shalt  }
0x46: {  	_ =	shalt  }
0x47: {  	_ =	shalt  }
0x48: {  	_ =	shalt  }
0x49: {  	_ =	shalt  }
0x4a: {  	_ =	shalt  }
0x4b: {  	_ =	shalt  }
0x4c: {  	_ =	shalt  }
0x4d: {  	_ =	shalt  }
0x4e: {  	_ =	shalt  }
0x4f: {  	_ =	shalt  }
0x50: {  	_ =	shalt  }
0x51: {  	_ =	shalt  }
0x52: {  	_ =	shalt  }
0x53: {  	_ =	shalt  }
0x54: {  	_ =	shalt  }
0x55: {  	_ =	shalt  }
0x56: {  	_ =	shalt  }
0x57: {  	_ =	shalt  }
0x58: {  	_ =	shalt  }
0x59: {  	_ =	shalt  }
0x5a: {  	_ =	shalt  }
0x5b: {  	_ =	shalt  }
0x5c: {  	_ =	shalt  }
0x5d: {  	_ =	shalt  }
0x5e: {  	_ =	shalt  }
0x5f: {  	_ =	shalt  }
0x60: {  	_ =	shalt  }
0x61: {  	_ =	shalt  }
0x62: {  	_ =	shalt  }
0x63: {  	_ =	shalt  }
0x64: {  	_ =	shalt  }
0x65: {  	_ =	shalt  }
0x66: {  	_ =	shalt  }
0x67: {  	_ =	shalt  }
0x68: {  	_ =	shalt  }
0x69: {  	_ =	shalt  }
0x6a: {  	_ =	shalt  }
0x6b: {  	_ =	shalt  }
0x6c: {  	_ =	shalt  }
0x6d: {  	_ =	shalt  }
0x6e: {  	_ =	shalt  }
0x6f: {  	_ =	shalt  }
0x70: {  	_ =	shalt  }
0x71: {  	_ =	shalt  }
0x72: {  	_ =	shalt  }
0x73: {  	_ =	shalt  }
0x74: {  	_ =	shalt  }
0x75: {  	_ =	shalt  }
0x76: {  	_ =	shalt  }
0x77: {  	_ =	shalt  }
0x78: {  	_ =	shalt  }
0x79: {  	_ =	shalt  }
0x7a: {  	_ =	shalt  }
0x7b: {  	_ =	shalt  }
0x7c: {  	_ =	shalt  }
0x7d: {  	_ =	shalt  }
0x7e: {  	_ =	shalt  }
0x7f: {  	_ =	shalt  }
0x80: {  	_ =	shalt  }
0x81: {  	_ =	shalt  }
0x82: {  	_ =	shalt  }
0x83: {  	_ =	shalt  }
0x84: {  	_ =	shalt  }
0x85: {  	_ =	shalt  }
0x86: {  	_ =	shalt  }
0x87: {  	_ =	shalt  }
.Lfunc_end0:
.L_simem_size_0:
called_computation_lowered:
.L_overlay_start_0:
0x88: {  	s2 =	sld [smem:$0x3FD9]  }
0x89: {  	s3 =	sld [smem:$0x3FFE];
	_ =	sdelay $0x1  }
0x8a: {  	s1 =	srdreg.scid  }
0x8b: {  	s0 =	sand.u32 $0x1, s1  }
0x8c: {  	s17 =	sshll.u32 s0, $0xA;
	s2 =	sadd.s32 s3, s2  }
0x8d: {  	s2 =	sadd.s32 s2, s17  }
0x8e: {  	[smem:$0x3FC1] =	sst s2  }
0x8f: {  	_ = 	snop  }
0x90: {  	s2 =	sld [smem:$0x3FC7]  }
0x91: {  	s18 =	sld [smem:$0x3FC6]  }
0x92: {  	s4 =	sld [smem:$0x3FC5]  }
0x93: {  	s5 =	sld [smem:$0x3FC4]  }
0x94: {  	s6 =	sld [smem:$0x3FC3]  }
0x95: {  	s7 =	sld [smem:$0x3FD0];
	(tm) =	ssettm $0x1  }
0x96: {  	s8 =	sld [smem:$0x3FFB];
	_ =	sdelay $0x3  }
0x97: {  	_ =	strace s8  }
0x98: {  	s8 =	sld [smem:$0x3FFC];
	_ =	sdelay $0x3  }
0x99: {  	_ =	strace s8  }
0x9a: {  	s8 =	sld [smem:$0x3FFD];
	_ =	sdelay $0x3  }
0x9b: {  	_ =	strace s8  }
0x9c: {  	_ =	strace $0x8FFFFFFF  }
0x9d: {  	s19 =	sld [smem:$0x3FDB];
	_ =	sdelay $0x1  }
0x9e: {  	s9 =	simm.s32 $_scs_section_size  }
0x9f: {  	s10 =	simm.s32 $_size__tile_overlayer_lowered;
	s11 =	simm.s32 $_tile_overlayer_lowered  }
0xa0: {  	s22 =	simm.s32 $0x1BFF;
	s21 =	sshll.u32 s11, $0x1;
	s8 =	sadd.s32 s9, s19  }
0xa1: {  	s12 =	simm.s32 $0x0;
	s20 =	sshll.u32 s10, $0x1;
	s10 =	sadd.s32 s21, s8  }
0xa2: {  	[timem:s12], [sflag:s22] =	dma.local [hbm:s10], s20  }
0xa3: {  	_ =	swait.ge [sflag:s22], s20  }
0xa4: {  	s9 =	ssub.s32 $0x0, s20;
	[sflag:s22] =	ssyncset.done $0x0  }
0xa5: {  	[sflag:s22] =	ssyncadd.s32 s9;
	_ =	sdelay $0x1  }
0xa6: {  	s23 =	simm.s32 $0x1B8B  }
0xa7: {  	_ =	swait.ge [sflag:s23], $0x1  }
0xa8: {  	[sflag:s23] =	ssyncset.done $0x0  }
0xa9: {  	s25 =	simm.s32 $0x1B8E;
	s24 =	sld [smem:$0x3FFE];
	[sflag:s23] =	ssyncadd.s32 $0xFFFFFFFF  }
0xaa: {  	s26 =	simm.s32 $execute0_lowered;
	[smem:$0x3FD2] =	sst s25  }
0xab: {  	s10 =	sshll.u32 s26, $0x1;
	_ =	strace $0x80000046;
	[dreg:$0x1] =	wrdreg $0xFFFFFFFF  }
0xac: {  	s28 =	simm.s32 $_size_execute0_lowered;
	s8 =	sadd.s32 s8, s10;
	[dreg:$0x0] =	wrdreg $0x0  }
0xad: {  	s10 =	sshll.u32 s28, $0x1;
	[dreg:$0x2] =	wrdreg s8  }
0xae: {  	[dreg:$0x3] =	wrdreg s10  }
0xaf: {  	[dreg:$0x4] =	wrdreg $0xC0  }
0xb0: {  	_ =	task [dreg:s12], $0x5FFFF  }
0xb1: {  	[dreg:$0x1] =	wrdreg $0xFFFFFFFF  }
0xb2: {  	[dreg:$0x0] =	wrdreg $0x60  }
0xb3: {  	[dreg:$0x2] =	wrdreg s24  }
0xb4: {  	[dreg:$0x3] =	wrdreg s2  }
0xb5: {  	[dreg:$0x4] =	wrdreg s18  }
0xb6: {  	[dreg:$0x5] =	wrdreg s4  }
0xb7: {  	[dreg:$0x6] =	wrdreg s5  }
0xb8: {  	[dreg:$0x7] =	wrdreg s6  }
0xb9: {  	[dreg:$0x8] =	wrdreg s7  }
0xba: {  	[dreg:$0x9] =	wrdreg $0x9  }
0xbb: {  	_ =	task.clear_ibuf [dreg:s12], $0xAFFFF;
	_ =	strace $0x90000046  }
0xbc: {  	s29 =	simm.s32 $0x9;
	_ =	strace $0x80000048  }
0xbd: {  	_ =	swait.ge [sflag:s29], $0x1  }
0xbe: {  	[sflag:s29] =	ssyncadd.s32 $0xFFFFFFFF  }
0xbf: {  	_ =	strace $0x90000048  }
0xc0: {  	_ =	sfence  }
0xc1: {  	s30 =	sld [smem:$0x0];
	_ =	sdelay $0x2  }
0xc2: {  	s31 =	sshll.u32 s1, $0xD;
	s1 =	sshrl.u32 s1, $0x2  }
0xc3: {  	s3 =	sand.u32 $0x4000, s31;
	s1 =	sadd.s32 s1, s30  }
0xc4: {  	s0 =	sor.u32 s3, s0;
	s1 =	sshll.u32 s1, $0x11  }
0xc5: {  	s0 =	sor.u32 s1, s0  }
0xc6: {  	s0 =	sadd.s32 $0x8F2B, s0  }
0xc7: {  	[sflag:s0] =	ssyncadd.remote.s32 $0x1  }
0xc8: {  	_ =	sfence.sel $0xFFFF  }
0xc9: {  	[dreg:$0x0] =	wrdreg $0xFFFFFFFF;
	(pc) =	sbr.abs _section_cstart, $3  }
0xca: {  	[dreg:$0x1] =	wrdreg $0xFFFFFFFF  }
0xcb: {  	_ =	task.clear_ibuf [dreg:s12], $0x2FFFF;
	_ =	strace $0x9FFFFFFF  }
0xcc: {  	(tm) =	ssettm $0x7FFFFFFF  }
0xcd: {  	_ =	shalt  }
tec
execute0_lowered:
.L_overlay_start_1:
0x0: {  	(tag) =	ssettag $0x1  }
0x1: {  	s1 =	rddreg [dreg:$0x0]  }
0x2: {  	s0 =	rddreg [dreg:$0x1]  }
0x3: {  	s2 =	rddreg [dreg:$0x2];
	s3 =	srdreg.scid  }
0x4: {  	s4 =	rddreg [dreg:$0x6];
	s5 =	stileid.u32;
	s3 =	sand.u32 $0x1, s3  }
0x5: {  	s5 =	sshll.u32 s5, $0x9;
	s7 =	sshll.u32 s3, $0x8;
	s3 =	ssub.s32 $0x2, s3  }
0x6: {  	s6 =	simm.s32 $0x0;
	s5 =	sor.u32 s7, s5;
	s8 =	sshrl.u32 s3, $0x1  }
0x7: {  	[smem:$0x7FF] =	sst s6;
	s7 =	sshrl.u32 s5, $0x3;
	s3 =	ssub.s32 s3, s8  }
0x8: {  	_ =	strace $0x80000047;
	s1 =	sadd.s32 s7, s1;
	s3 =	smax.u32 s3, $0x1  }
0x9: {  	s17 =	sshll.u32 s5, $0x7;
	s7 =	sadd.s32 $0x400, s1;
	[dreg:$0x17] =	wrdreg s3  }
0xa: {  	s5 =	sand.u32 $0x38000, s17;
	s1 =	sadd.s32 $0x800, s1;
	[dreg:$0x8] =	wrdreg s7  }
0xb: {  	s2 =	sadd.s32 s2, s5;
	[dreg:$0x9] =	wrdreg s1  }
0xc: {  	s18 =	sadd.s32 $0x1000, s2;
	[dreg:$0xa] =	wrdreg s2  }
0xd: {  	s20 =	sadd.s32 $0x2000, s2;
	[dreg:$0xc] =	wrdreg s18  }
0xe: {  	s22 =	sadd.s32 $0x3000, s2;
	[dreg:$0xe] =	wrdreg s20  }
0xf: {  	s31 =	simm.s32 $0x2;
	s24 =	sadd.s32 $0x4000, s2;
	[dreg:$0x10] =	wrdreg s22  }
0x10: {  	s14 =	simm.s32 $0x4800;
	s26 =	sadd.s32 $0x5000, s2;
	[dreg:$0x12] =	wrdreg s24  }
0x11: {  	s15 =	simm.s32 $0x5000;
	s29 =	sadd.s32 $0x6000, s2;
	[dreg:$0x14] =	wrdreg s26  }
0x12: {  	s16 =	simm.s32 $0x5800;
	s2 =	sadd.s32 $0x7000, s2;
	[dreg:$0x16] =	wrdreg s29  }
0x13: {  	s9 =	sadd.s32 $0x100, s0;
	s1 =	sadd.s32 s4, s17;
	[dreg:$0x19] =	wrdreg s2  }
0x14: {  	s10 =	sadd.s32 $0x200, s0;
	s19 =	sadd.s32 $0x1000, s1;
	[dreg:$0xb] =	wrdreg s1  }
0x15: {  	s11 =	sadd.s32 $0x300, s0;
	s21 =	sadd.s32 $0x2000, s1;
	[dreg:$0xd] =	wrdreg s19  }
0x16: {  	s8 =	simm.s32 $0x4000;
	s23 =	sadd.s32 $0x3000, s1;
	[dreg:$0xf] =	wrdreg s21  }
0x17: {  	s4 =	simm.s32 $0x3000;
	s25 =	sadd.s32 $0x4000, s1;
	[dreg:$0x11] =	wrdreg s23  }
0x18: {  	s7 =	simm.s32 $0x3800;
	s28 =	sadd.s32 $0x5000, s1;
	[dreg:$0x13] =	wrdreg s25  }
0x19: {  	s17 =	simm.s32 $0x6000;
	s30 =	sadd.s32 $0x6000, s1;
	[dreg:$0x15] =	wrdreg s28  }
0x1a: {  	v0 =	vlaneseq.u32;
	s1 =	sadd.s32 $0x7000, s1;
	s18 =	simm.s32 $0x6800;
	[dreg:$0x18] =	wrdreg s30  }
0x1b: {  	vm0 =	vmmov $0xffff;
	v2 =	vshrl.u32 v0, $0x3;
	s20 =	simm.s32 $0x7800;
	s22 =	simm.s32 $0x8000;
	[dreg:$0x1a] =	wrdreg s1  }
0x1c: {  	v1 =	vand.u32 $0x7, v0;
	v3 =	vor.u32 $0x8, v0;
	v2 =	vmul.u32 $0x8, v2;
	s19 =	simm.s32 $0x7000;
	s21 =	simm.s32 $0x1;
	s23 =	simm.s32 $0x0  }
.LBB2_1:
0x1d: {  	s1 =	rddreg [dreg:$0x8];
	s2 =	simm.s32 $0x10800  }
0x1e: {  	[tilespmem:s2], [sflag:$0x2] =	stream.linear.gather [hbm4b:s1+s6], $0x100, $0x38;
	[tilespmem:$0x11200] =	vst v63  }
0x1f: {  	_ =	swait.ge [sflag:s31], $0x100  }
0x20: {  	[sflag:s31] =	ssyncset.done $0x0  }
0x21: {  	s28 =	simm.s32 $0x10900;
	s26 =	rddreg [dreg:$0x9];
	[sflag:s31] =	ssyncadd.s32 $0xFFFFFF00  }
0x22: {  	[tilespmem:s28], [sflag:$0x2] =	stream.linear.gather [hbm4b:s26+s6], $0x100, $0x38;
	[tilespmem:$0x11200] =	vst v63  }
0x23: {  	_ =	swait.ge [sflag:s31], $0x100  }
0x24: {  	[sflag:s31] =	ssyncset.done $0x0  }
0x25: {  	[sflag:s31] =	ssyncadd.s32 $0xFFFFFF00  }
0x26: {  	s30 =	simm.s32 $0x10000;
	s29 =	rddreg [dreg:$0x3]  }
0x27: {  	[tilespmem:s30], [sflag:$0x2] =	stream.linear.gather [hbm4b:s29+s6], $0x800, $0x38;
	[tilespmem:$0x11200] =	vst v63  }
0x28: {  	_ =	swait.ge [sflag:s31], $0x800  }
0x29: {  	[sflag:s31] =	ssyncset.done $0x0  }
0x2a: {  	[sflag:s31] =	ssyncadd.s32 $0xFFFFF800  }
0x2b: {  	s5 =	simm.s32 $0x10A00;
	s3 =	rddreg [dreg:$0x4]  }
0x2c: {  	[tilespmem:s5], [sflag:$0x2] =	stream.linear.gather [hbm4b:s3+s6], $0x400, $0x38;
	[tilespmem:$0x11200] =	vst v63  }
0x2d: {  	_ =	swait.ge [sflag:s31], $0x400  }
0x2e: {  	[sflag:s31] =	ssyncset.done $0x0  }
0x2f: {  	[sflag:s31] =	ssyncadd.s32 $0xFFFFFC00  }
0x30: {  	s13 =	simm.s32 $0x10E00;
	s12 =	rddreg [dreg:$0x5]  }
0x31: {  	[tilespmem:s13], [sflag:$0x2] =	stream.linear.gather [hbm4b:s12+s6], $0x400, $0x38;
	[tilespmem:$0x11200] =	vst v63  }
0x32: {  	_ =	swait.ge [sflag:s31], $0x400  }
0x33: {  	[sflag:s31] =	ssyncset.done $0x0  }
0x34: {  	[sflag:s31] =	ssyncadd.s32 $0xFFFFFC00  }
0x35: {  	v4 =	vld [tilespmem:$0x10800];
	_ =	sdelay $0x4  }
0x36: {  	v5 =	vshll.u32 v4, $0x3  }
0x37: {  	v4 =	vand.u32 $0x7, v4;
	v5 =	vand.u32 $0xFFFFFFC0, v5  }
0x38: {  	v4 =	vor.u32 v4, v5  }
0x39: {  	v5 =	vperm.xlane v4, v1;
	_ =	sdelay $0x1  }
0x3a: {  	v5 =	vadd.s32 v2, v5;
	_ =	sdelay $0x4  }
0x3b: {  	[tilespmem:s6], [sflag:$0x1] =	stream.indirect_vreg.gather [hbm4b:s0+s6], $0x80, v5, vm0, $0xb8;
	[tilespmem:$0x11200] =	vst v63  }
0x3c: {  	s24 =	simm.s32 $0x800;
	v4 =	vperm.xlane v4, v3  }
0x3d: {  	[tilespmem:s24], [sflag:$0x1] =	stream.indirect_vreg.gather [hbm4b:s9+s6], $0x80, v5, vm0, $0xb8;
	[tilespmem:$0x11200] =	vst v63  }
0x3e: {  	s25 =	simm.s32 $0x1000;
	v4 =	vadd.s32 v2, v4  }
0x3f: {  	[tilespmem:s25], [sflag:$0x1] =	stream.indirect_vreg.gather [hbm4b:s10+s6], $0x80, v5, vm0, $0xb8;
	[tilespmem:$0x11200] =	vst v63  }
0x40: {  	s26 =	simm.s32 $0x1800  }
0x41: {  	[tilespmem:s26], [sflag:$0x1] =	stream.indirect_vreg.gather [hbm4b:s11+s6], $0x80, v5, vm0, $0xb8;
	[tilespmem:$0x11200] =	vst v63  }
0x42: {  	s28 =	simm.s32 $0x2000  }
0x43: {  	[tilespmem:s28], [sflag:$0x1] =	stream.indirect_vreg.gather [hbm4b:s0+s6], $0x80, v4, vm0, $0xb8;
	[tilespmem:$0x11200] =	vst v63  }
0x44: {  	s29 =	simm.s32 $0x2800  }
0x45: {  	[tilespmem:s29], [sflag:$0x1] =	stream.indirect_vreg.gather [hbm4b:s9+s6], $0x80, v4, vm0, $0xb8;
	[tilespmem:$0x11200] =	vst v63  }
0x46: {  	_ = 	snop  }
0x47: {  	[tilespmem:s4], [sflag:$0x1] =	stream.indirect_vreg.gather [hbm4b:s10+s6], $0x80, v4, vm0, $0xb8;
	[tilespmem:$0x11200] =	vst v63  }
0x48: {  	_ = 	snop  }
0x49: {  	[tilespmem:s7], [sflag:$0x1] =	stream.indirect_vreg.gather [hbm4b:s11+s6], $0x80, v4, vm0, $0xb8;
	[tilespmem:$0x11200] =	vst v63  }
0x4a: {  	v4 =	vld [tilespmem:$0x10810];
	_ =	sdelay $0x4  }
0x4b: {  	v5 =	vshll.u32 v4, $0x3  }
0x4c: {  	v4 =	vand.u32 $0x7, v4;
	v5 =	vand.u32 $0xFFFFFFC0, v5  }
0x4d: {  	v4 =	vor.u32 v4, v5  }
0x4e: {  	v5 =	vperm.xlane v4, v1;
	_ =	sdelay $0x1  }
0x4f: {  	v5 =	vadd.s32 v2, v5;
	_ =	sdelay $0x4  }
0x50: {  	[tilespmem:s8], [sflag:$0x1] =	stream.indirect_vreg.gather [hbm4b:s0+s6], $0x80, v5, vm0, $0xb8;
	[tilespmem:$0x11200] =	vst v63  }
0x51: {  	v4 =	vperm.xlane v4, v3  }
0x52: {  	[tilespmem:s14], [sflag:$0x1] =	stream.indirect_vreg.gather [hbm4b:s9+s6], $0x80, v5, vm0, $0xb8;
	[tilespmem:$0x11200] =	vst v63  }
0x53: {  	v4 =	vadd.s32 v2, v4  }
0x54: {  	[tilespmem:s15], [sflag:$0x1] =	stream.indirect_vreg.gather [hbm4b:s10+s6], $0x80, v5, vm0, $0xb8;
	[tilespmem:$0x11200] =	vst v63  }
0x55: {  	_ = 	snop  }
0x56: {  	[tilespmem:s16], [sflag:$0x1] =	stream.indirect_vreg.gather [hbm4b:s11+s6], $0x80, v5, vm0, $0xb8;
	[tilespmem:$0x11200] =	vst v63  }
0x57: {  	_ = 	snop  }
0x58: {  	[tilespmem:s17], [sflag:$0x1] =	stream.indirect_vreg.gather [hbm4b:s0+s6], $0x80, v4, vm0, $0xb8;
	[tilespmem:$0x11200] =	vst v63  }
0x59: {  	_ = 	snop  }
0x5a: {  	[tilespmem:s18], [sflag:$0x1] =	stream.indirect_vreg.gather [hbm4b:s9+s6], $0x80, v4, vm0, $0xb8;
	[tilespmem:$0x11200] =	vst v63  }
0x5b: {  	_ = 	snop  }
0x5c: {  	[tilespmem:s19], [sflag:$0x1] =	stream.indirect_vreg.gather [hbm4b:s10+s6], $0x80, v4, vm0, $0xb8;
	[tilespmem:$0x11200] =	vst v63  }
0x5d: {  	_ = 	snop  }
0x5e: {  	[tilespmem:s20], [sflag:$0x1] =	stream.indirect_vreg.gather [hbm4b:s11+s6], $0x80, v4, vm0, $0xb8;
	[tilespmem:$0x11200] =	vst v63  }
0x5f: {  	_ =	swait.ge [sflag:s21], $0x8000  }
0x60: {  	[sflag:s21] =	ssyncset.done $0x0  }
0x61: {  	s30 =	rddreg [dreg:$0xa];
	[sflag:s21] =	ssyncadd.s32 $0xFFFF8000  }
0x62: {  	[tilespmem:s22], [sflag:$0x2] =	stream.linear.gather [hbm4b:s30+s6], $0x8000, $0x38;
	[tilespmem:$0x11200] =	vst v63  }
0x63: {  	_ =	swait.ge [sflag:s31], $0x8000  }
0x64: {  	[sflag:s31] =	ssyncset.done $0x0  }
0x65: {  	s24 =	simm.s32 $0x0;
	[sflag:s31] =	ssyncadd.s32 $0xFFFF8000  }
.LBB2_2:
0x66: {  	s2 =	sand.u32 $0x10, s24  }
0x67: {  	v4 =	vld [tilespmem:s2+$0x10900];
	_ =	sdelay $0x3  }
0x68: {  	s25 =	sand.u32 $0xF, s24  }
0x69: {  	v5 =	vmov s25;
	v4 =	vcvt.s32.f32 v4  }
0x6a: {  	vm1 =	veq.s32 v5, v0  }
0x6b: {  	v4 =	vnsel vm1, $0x0, v4  }
0x6c: {  	(xrf2) =	vadd.scan.msk.f32 $0xffff, v4;
	_ =	sdelay $0x9  }
0x6d: {  	v4, _, _ =	vpop (xrf2)  }
0x6e: {  	(v2sf) =	vpush v4, $0xF;
	_ =	sdelay $0xe  }
0x6f: {  	s26 =	spop (v2sf)  }
0x70: {  	s5 =	sshll.u32 s24, $0x7;
	s2 =	scvt.f32.s32 s26  }
0x71: {  	s12 =	simm.s32 $0x0;
	s25 =	sand.u32 $0x380, s5;
	s26 =	sand.u32 $0x18, s24  }
0x72: {  	s13 =	sadd.s32 $0x0, s26;
	s30 =	sshll.u32 s2, $0xA;
	s2 =	sshll.u32 s2, $0x7  }
0x73: {  	s1 =	sshll.u32 s13, $0xA;
	s5 =	sand.u32 $0xFFFFF800, s30;
	s2 =	sand.u32 $0x80, s2  }
0x74: {  	s3 =	sand.u32 $0x70, s12;
	s2 =	sor.u32 s2, s5;
	s5 =	sor.u32 s25, s1  }
0x75: {  	s30 =	simm.s32 $0x0;
	s29 =	sor.u32 s3, s5  }
0x76: {  	s30 =	sand.u32 $0x3FFFFF00, s30;
	s28 =	sadd.s32 $0x10000, s2;
	v6 =	vld [tilespmem:s29+$0x8000]  }
0x77: {  	s2 =	sadd.s32 s30, s28;
	v8 =	vld [tilespmem:s29+$0x0]  }
0x78: {  	s2 =	sadd.s32 s3, s2  }
0x79: {  	v7 =	vld [tilespmem:s2+$0x0]  }
0x7a: {  	v5 =	vimm.f32 $0.0e+00;
	v4 =	vimm.f32 $0.0e+00;
	s13 =	simm.s32 $0x2;
	s5 =	simm.s32 $0x1  }
.LBB2_3:
0x7b: {  	p0 =	sne.s32 s13, $0x3F;
	s2 =	sshrl.u32 s5, $0x3  }
0x7c: {  	s2 =	sadd.s32 s26, s2;
	v6 =	vadd.f32 v6, v8  }
0x7d: {  	s12 =	sadd.s32 $0x10, s12;
	s2 =	sshll.u32 s2, $0xA  }
0x7e: {  	s30 =	sand.u32 $0x70, s12;
	s2 =	sor.u32 s25, s2;
	v7 =	vadd.f32 v7, v6  }
0x7f: {  	s3 =	sshll.u32 s5, $0x5;
	s5 =	smov.u32 s13;
	s2 =	sor.u32 s30, s2  }
.Ltmp0:
0x80: {  	s3 =	sand.u32 $0x3FFFFF00, s3;
	v6 =	vld [tilespmem:s2+$0x8000];
	[tilespmem:s29+$0x0] =	vst v7;
	v4 =	vadd.f32 v7, v4;
	v7 =	vmul.f32 v7, v7;
	s29 =	smov.u32 s2;
	(pc) =	sbr.rel @p0 .LBB2_3-.Ltmp0, $4  }
0x81: {  	s2 =	sadd.s32 s3, s28;
	v8 =	vld [tilespmem:s29+$0x0]  }
0x82: {  	s2 =	sadd.s32 s30, s2;
	v5 =	vadd.f32 v7, v5  }
0x83: {  	v7 =	vld [tilespmem:s2+$0x0]  }
0x84: {  	s13 =	sadd.s32 $0x1, s13  }
0x85: {  	s2 =	sshrl.u32 s5, $0x3  }
0x86: {  	s2 =	sadd.s32 s26, s2;
	v6 =	vadd.f32 v6, v8  }
0x87: {  	s3 =	sadd.s32 $0x10, s12;
	s2 =	sshll.u32 s2, $0xA  }
0x88: {  	s3 =	sand.u32 $0x70, s3;
	s2 =	sor.u32 s25, s2;
	v6 =	vadd.f32 v7, v6  }
0x89: {  	s1 =	sshll.u32 s5, $0x5;
	s2 =	sor.u32 s3, s2  }
0x8a: {  	s5 =	sand.u32 $0x3FFFFF00, s1;
	v7 =	vld [tilespmem:s2+$0x8000];
	[tilespmem:s29+$0x0] =	vst v6  }
0x8b: {  	s5 =	sadd.s32 s5, s28;
	v8 =	vld [tilespmem:s2+$0x0]  }
0x8c: {  	s3 =	sadd.s32 s3, s5  }
0x8d: {  	v9 =	vld [tilespmem:s3+$0x0];
	_ =	sdelay $0x2  }
0x8e: {  	v7 =	vadd.f32 v7, v8;
	_ =	sdelay $0x1  }
0x8f: {  	v8 =	vmul.f32 v6, v6;
	v7 =	vadd.f32 v9, v7  }
0x90: {  	v4 =	vadd.f32 v6, v4  }
0x91: {  	v5 =	vadd.f32 v8, v5;
	v6 =	vmul.f32 v7, v7  }
0x92: {  	v4 =	vadd.f32 v7, v4  }
0x93: {  	v5 =	vadd.f32 v6, v5  }
0x94: {  	(xrf2) =	vadd.scan.msk.f32 $0xffff, v4  }
0x95: {  	(xrf2) =	vadd.scan.msk.f32 $0xffff, v5;
	_ =	sdelay $0x8  }
0x96: {  	v4, _, _ =	vpop (xrf2)  }
0x97: {  	(v2sf) =	vpush v4, $0xF;
	v4, _, _ =	vpop (xrf2)  }
0x98: {  	(v2sf) =	vpush v4, $0xF;
	_ =	sdelay $0xd  }
0x99: {  	s12 =	spop (v2sf)  }
0x9a: {  	s3 =	smul.f32 $9.765625000e-04, s12;
	s13 =	spop (v2sf)  }
0x9b: {  	s5 =	smul.f32 $9.765625000e-04, s13  }
0x9c: {  	s1 =	smul.f32 s3, s3;
	_ =	sdelay $0x1  }
0x9d: {  	s5 =	ssub.f32 s5, s1;
	_ =	sdelay $0x1  }
0x9e: {  	s5 =	sadd.f32 $9.999999960e-13, s5;
	_ =	sdelay $0x1  }
0x9f: {  	v4 =	vmov s5  }
0xa0: {  	v5 =	vshra.s32 v4, $0x1;
	v4 =	vmul.f32 $5.000000000e-01, v4  }
0xa1: {  	v5 =	vsub.s32 $0x5F3759DF, v5  }
0xa2: {  	v6 =	vmul.f32 v5, v4;
	_ =	sdelay $0x1  }
0xa3: {  	v6 =	vmul.f32 v5, v6;
	_ =	sdelay $0x1  }
0xa4: {  	v6 =	vsub.f32 $1.500000000e+00, v6;
	_ =	sdelay $0x1  }
0xa5: {  	v5 =	vmul.f32 v5, v6;
	_ =	sdelay $0x1  }
0xa6: {  	v6 =	vmul.f32 v5, v4;
	_ =	sdelay $0x1  }
0xa7: {  	v6 =	vmul.f32 v6, v5  }
0xa8: {  	s12 =	sadd.s32 $0x0, s26  }
0xa9: {  	s5 =	sshll.u32 s12, $0xA;
	v6 =	vsub.f32 $1.500000000e+00, v6  }
0xaa: {  	s28 =	simm.s32 $0x0;
	s5 =	sand.u32 $0x3FFFFC00, s5  }
0xab: {  	s13 =	sand.u32 $0x70, s28;
	s5 =	sor.u32 s5, s25;
	v6 =	vmul.f32 v6, v5  }
0xac: {  	[tilespmem:s2+$0x0] =	vst v7;
	s29 =	sadd.s32 s13, s5  }
0xad: {  	v7 =	vld [tilespmem:s29+$0x0];
	v4 =	vmul.f32 v6, v4;
	_ =	sdelay $0x1  }
0xae: {  	v4 =	vmul.f32 v4, v6;
	_ =	sdelay $0x1  }
0xaf: {  	s13 =	simm.s32 $0x10A00;
	v5 =	vmov s3;
	v4 =	vsub.f32 $1.500000000e+00, v4  }
0xb0: {  	v8 =	vsub.f32 v7, v5;
	v7 =	vld [tilespmem:s13+$0x0]  }
0xb1: {  	s12 =	simm.s32 $0x10E00;
	v4 =	vmul.f32 v4, v6  }
0xb2: {  	v6 =	vld [tilespmem:s12+$0x0]  }
0xb3: {  	v8 =	vmul.f32 v8, v4  }
0xb4: {  	s30 =	simm.s32 $0x0;
	s5 =	simm.s32 $0x2  }
.LBB2_5:
0xb5: {  	p0 =	sne.s32 s5, $0x3F;
	s2 =	sadd.s32 s26, s30;
	v7 =	vmul.f32 v8, v7  }
0xb6: {  	s2 =	sshll.u32 s2, $0xA  }
0xb7: {  	s28 =	sadd.s32 $0x10, s28;
	s2 =	sand.u32 $0x3FFFFC00, s2;
	v6 =	vadd.f32 v7, v6  }
0xb8: {  	s3 =	sand.u32 $0x70, s28;
	s2 =	sor.u32 s2, s25  }
0xb9: {  	[tilespmem:s29+$0x0] =	vst v6;
	s29 =	sadd.s32 s3, s2  }
0xba: {  	v6 =	vld [tilespmem:s29+$0x0];
	_ =	sdelay $0x2  }
0xbb: {  	s13 =	sadd.s32 $0x10, s13  }
.Ltmp1:
0xbc: {  	v7 =	vld [tilespmem:s13+$0x0];
	(pc) =	sbr.rel @p0 .LBB2_5-.Ltmp1, $4  }
0xbd: {  	s12 =	sadd.s32 $0x10, s12;
	v8 =	vsub.f32 v6, v5  }
0xbe: {  	v6 =	vld [tilespmem:s12+$0x0]  }
0xbf: {  	v8 =	vmul.f32 v8, v4  }
0xc0: {  	s30 =	sshrl.u32 s5, $0x3;
	s5 =	sadd.s32 $0x1, s5  }
0xc1: {  	s2 =	sadd.s32 s26, s30;
	v7 =	vmul.f32 v8, v7  }
0xc2: {  	s2 =	sshll.u32 s2, $0xA  }
0xc3: {  	s3 =	sadd.s32 $0x10, s28;
	s2 =	sand.u32 $0x3FFFFC00, s2;
	v6 =	vadd.f32 v7, v6  }
0xc4: {  	s3 =	sand.u32 $0x70, s3;
	s2 =	sor.u32 s2, s25  }
0xc5: {  	s2 =	sadd.s32 s3, s2;
	[tilespmem:s29+$0x0] =	vst v6  }
0xc6: {  	v6 =	vld [tilespmem:s2+$0x0];
	_ =	sdelay $0x2  }
0xc7: {  	s29 =	sadd.s32 $0x10, s13  }
0xc8: {  	v62 =	vld [tilespmem:s29+$0x0]  }
0xc9: {  	s30 =	sadd.s32 $0x10, s12;
	v5 =	vsub.f32 v6, v5  }
0xca: {  	v63 =	vld [tilespmem:s30+$0x0]  }
0xcb: {  	s24 =	sadd.s32 $0x1, s24;
	v4 =	vmul.f32 v5, v4  }
0xcc: {  	p0 =	sne.s32 s24, $0x20  }
.Ltmp2:
0xcd: {  	v4 =	vmul.f32 v4, v62;
	(pc) =	sbr.rel @p0 .LBB2_2-.Ltmp2, $3  }
0xce: {  	_ = 	snop  }
0xcf: {  	v4 =	vadd.f32 v4, v63;
	_ =	sdelay $0x1  }
0xd0: {  	[tilespmem:s2+$0x0] =	vst v4  }
0xd1: {  	s24 =	simm.s32 $0x0;
	s1 =	rddreg [dreg:$0xb]  }
0xd2: {  	[hbm4b:s1+s24] =	stream.linear.scatter [tilespmem:s24], [sflag:$0x2], $0x8000, $0x38;
	[tilespmem:$0x11200] =	vst v63  }
0xd3: {  	_ =	swait.ge [sflag:s31], $0x8000  }
0xd4: {  	[sflag:s31] =	ssyncset.done $0x0  }
0xd5: {  	[sflag:s31] =	ssyncadd.s32 $0xFFFF8000  }
0xd6: {  	v4 =	vld [tilespmem:$0x10820];
	_ =	sdelay $0x4  }
0xd7: {  	v5 =	vshll.u32 v4, $0x3  }
0xd8: {  	v4 =	vand.u32 $0x7, v4;
	v5 =	vand.u32 $0xFFFFFFC0, v5  }
0xd9: {  	v4 =	vor.u32 v4, v5  }
0xda: {  	v5 =	vperm.xlane v4, v1;
	_ =	sdelay $0x1  }
0xdb: {  	v5 =	vadd.s32 v2, v5;
	_ =	sdelay $0x4  }
0xdc: {  	[tilespmem:s24], [sflag:$0x1] =	stream.indirect_vreg.gather [hbm4b:s0+s24], $0x80, v5, vm0, $0xb8;
	[tilespmem:$0x11200] =	vst v63  }
0xdd: {  	s13 =	simm.s32 $0x800;
	v4 =	vperm.xlane v4, v3  }
0xde: {  	[tilespmem:s13], [sflag:$0x1] =	stream.indirect_vreg.gather [hbm4b:s9+s24], $0x80, v5, vm0, $0xb8;
	[tilespmem:$0x11200] =	vst v63  }
0xdf: {  	s25 =	simm.s32 $0x1000;
	v4 =	vadd.s32 v2, v4  }
0xe0: {  	[tilespmem:s25], [sflag:$0x1] =	stream.indirect_vreg.gather [hbm4b:s10+s24], $0x80, v5, vm0, $0xb8;
	[tilespmem:$0x11200] =	vst v63  }
0xe1: {  	s26 =	simm.s32 $0x1800  }
0xe2: {  	[tilespmem:s26], [sflag:$0x1] =	stream.indirect_vreg.gather [hbm4b:s11+s24], $0x80, v5, vm0, $0xb8;
	[tilespmem:$0x11200] =	vst v63  }
0xe3: {  	s28 =	simm.s32 $0x2000  }
0xe4: {  	[tilespmem:s28], [sflag:$0x1] =	stream.indirect_vreg.gather [hbm4b:s0+s24], $0x80, v4, vm0, $0xb8;
	[tilespmem:$0x11200] =	vst v63  }
0xe5: {  	s29 =	simm.s32 $0x2800  }
0xe6: {  	[tilespmem:s29], [sflag:$0x1] =	stream.indirect_vreg.gather [hbm4b:s9+s24], $0x80, v4, vm0, $0xb8;
	[tilespmem:$0x11200] =	vst v63  }
0xe7: {  	_ = 	snop  }
0xe8: {  	[tilespmem:s4], [sflag:$0x1] =	stream.indirect_vreg.gather [hbm4b:s10+s24], $0x80, v4, vm0, $0xb8;
	[tilespmem:$0x11200] =	vst v63  }
0xe9: {  	_ = 	snop  }
0xea: {  	[tilespmem:s7], [sflag:$0x1] =	stream.indirect_vreg.gather [hbm4b:s11+s24], $0x80, v4, vm0, $0xb8;
	[tilespmem:$0x11200] =	vst v63  }
0xeb: {  	v4 =	vld [tilespmem:$0x10830];
	_ =	sdelay $0x4  }
0xec: {  	v5 =	vshll.u32 v4, $0x3  }
0xed: {  	v4 =	vand.u32 $0x7, v4;
	v5 =	vand.u32 $0xFFFFFFC0, v5  }
0xee: {  	v4 =	vor.u32 v4, v5  }
0xef: {  	v5 =	vperm.xlane v4, v1;
	_ =	sdelay $0x1  }
0xf0: {  	v5 =	vadd.s32 v2, v5;
	_ =	sdelay $0x4  }
0xf1: {  	[tilespmem:s8], [sflag:$0x1] =	stream.indirect_vreg.gather [hbm4b:s0+s24], $0x80, v5, vm0, $0xb8;
	[tilespmem:$0x11200] =	vst v63  }
0xf2: {  	v4 =	vperm.xlane v4, v3  }
0xf3: {  	[tilespmem:s14], [sflag:$0x1] =	stream.indirect_vreg.gather [hbm4b:s9+s24], $0x80, v5, vm0, $0xb8;
	[tilespmem:$0x11200] =	vst v63  }
0xf4: {  	v4 =	vadd.s32 v2, v4  }
0xf5: {  	[tilespmem:s15], [sflag:$0x1] =	stream.indirect_vreg.gather [hbm4b:s10+s24], $0x80, v5, vm0, $0xb8;
	[tilespmem:$0x11200] =	vst v63  }
0xf6: {  	_ = 	snop  }
0xf7: {  	[tilespmem:s16], [sflag:$0x1] =	stream.indirect_vreg.gather [hbm4b:s11+s24], $0x80, v5, vm0, $0xb8;
	[tilespmem:$0x11200] =	vst v63  }
0xf8: {  	_ = 	snop  }
0xf9: {  	[tilespmem:s17], [sflag:$0x1] =	stream.indirect_vreg.gather [hbm4b:s0+s24], $0x80, v4, vm0, $0xb8;
	[tilespmem:$0x11200] =	vst v63  }
0xfa: {  	_ = 	snop  }
0xfb: {  	[tilespmem:s18], [sflag:$0x1] =	stream.indirect_vreg.gather [hbm4b:s9+s24], $0x80, v4, vm0, $0xb8;
	[tilespmem:$0x11200] =	vst v63  }
0xfc: {  	_ = 	snop  }
0xfd: {  	[tilespmem:s19], [sflag:$0x1] =	stream.indirect_vreg.gather [hbm4b:s10+s24], $0x80, v4, vm0, $0xb8;
	[tilespmem:$0x11200] =	vst v63  }
0xfe: {  	_ = 	snop  }
0xff: {  	[tilespmem:s20], [sflag:$0x1] =	stream.indirect_vreg.gather [hbm4b:s11+s24], $0x80, v4, vm0, $0xb8;
	[tilespmem:$0x11200] =	vst v63  }
0x100: {  	_ =	swait.ge [sflag:s21], $0x8000  }
0x101: {  	[sflag:s21] =	ssyncset.done $0x0  }
0x102: {  	s30 =	rddreg [dreg:$0xc];
	[sflag:s21] =	ssyncadd.s32 $0xFFFF8000  }
0x103: {  	[tilespmem:s22], [sflag:$0x2] =	stream.linear.gather [hbm4b:s30+s24], $0x8000, $0x38;
	[tilespmem:$0x11200] =	vst v63  }
0x104: {  	_ =	swait.ge [sflag:s31], $0x8000  }
0x105: {  	[sflag:s31] =	ssyncset.done $0x0  }
0x106: {  	s25 =	simm.s32 $0x0;
	[sflag:s31] =	ssyncadd.s32 $0xFFFF8000  }
.LBB2_8:
0x107: {  	s2 =	sand.u32 $0x10, s25  }
0x108: {  	v4 =	vld [tilespmem:s2+$0x10920];
	_ =	sdelay $0x3  }
0x109: {  	s5 =	sand.u32 $0xF, s25  }
0x10a: {  	v5 =	vmov s5;
	v4 =	vcvt.s32.f32 v4  }
0x10b: {  	vm1 =	veq.s32 v5, v0  }
0x10c: {  	v4 =	vnsel vm1, $0x0, v4  }
0x10d: {  	(xrf2) =	vadd.scan.msk.f32 $0xffff, v4;
	_ =	sdelay $0x9  }
0x10e: {  	v4, _, _ =	vpop (xrf2)  }
0x10f: {  	(v2sf) =	vpush v4, $0xF;
	_ =	sdelay $0xe  }
0x110: {  	s12 =	spop (v2sf)  }
0x111: {  	s26 =	sand.u32 $0x18, s25;
	s3 =	sshll.u32 s25, $0x7;
	s2 =	scvt.f32.s32 s12  }
0x112: {  	s1 =	sand.u32 $0x70, s24;
	s28 =	sand.u32 $0x380, s3;
	s12 =	sadd.s32 $0x0, s26  }
0x113: {  	s13 =	sshll.u32 s12, $0xA;
	s5 =	sshll.u32 s2, $0xA;
	s2 =	sshll.u32 s2, $0x7  }
0x114: {  	s3 =	sor.u32 s28, s13;
	s5 =	sand.u32 $0xFFFFF800, s5;
	s2 =	sand.u32 $0x80, s2  }
0x115: {  	s13 =	simm.s32 $0x0;
	s12 =	sor.u32 s1, s3;
	s2 =	sor.u32 s2, s5  }
0x116: {  	s13 =	sand.u32 $0x3FFFFF00, s13;
	v6 =	vld [tilespmem:s12+$0x8000];
	s29 =	sadd.s32 $0x10000, s2  }
0x117: {  	v8 =	vld [tilespmem:s12+$0x0];
	s2 =	sadd.s32 s13, s29  }
0x118: {  	s2 =	sadd.s32 s1, s2  }
0x119: {  	v7 =	vld [tilespmem:s2+$0x0]  }
0x11a: {  	s30 =	simm.s32 $0x2;
	v5 =	vimm.f32 $0.0e+00;
	v4 =	vimm.f32 $0.0e+00;
	s5 =	simm.s32 $0x1;
	s13 =	simm.s32 $0x0  }
.LBB2_9:
0x11b: {  	p0 =	sne.s32 s30, $0x3F;
	s2 =	sshrl.u32 s5, $0x3  }
0x11c: {  	s2 =	sadd.s32 s26, s2;
	v6 =	vadd.f32 v6, v8  }
0x11d: {  	s13 =	sadd.s32 $0x10, s13;
	s2 =	sshll.u32 s2, $0xA  }
0x11e: {  	s3 =	sand.u32 $0x70, s13;
	s2 =	sor.u32 s28, s2;
	v7 =	vadd.f32 v7, v6  }
0x11f: {  	s1 =	sshll.u32 s5, $0x5;
	s5 =	smov.u32 s30;
	s2 =	sor.u32 s3, s2  }
.Ltmp3:
0x120: {  	s1 =	sand.u32 $0x3FFFFF00, s1;
	v6 =	vld [tilespmem:s2+$0x8000];
	[tilespmem:s12+$0x0] =	vst v7;
	v4 =	vadd.f32 v7, v4;
	v7 =	vmul.f32 v7, v7;
	s12 =	smov.u32 s2;
	(pc) =	sbr.rel @p0 .LBB2_9-.Ltmp3, $4  }
0x121: {  	s1 =	sadd.s32 s1, s29;
	v8 =	vld [tilespmem:s12+$0x0]  }
0x122: {  	s1 =	sadd.s32 s3, s1;
	v5 =	vadd.f32 v7, v5  }
0x123: {  	v7 =	vld [tilespmem:s1+$0x0]  }
0x124: {  	s30 =	sadd.s32 $0x1, s30  }
0x125: {  	s1 =	sshrl.u32 s5, $0x3  }
0x126: {  	s1 =	sadd.s32 s26, s1;
	v6 =	vadd.f32 v6, v8  }
0x127: {  	s2 =	sadd.s32 $0x10, s13;
	s1 =	sshll.u32 s1, $0xA  }
0x128: {  	s2 =	sand.u32 $0x70, s2;
	s1 =	sor.u32 s28, s1;
	v6 =	vadd.f32 v7, v6  }
0x129: {  	s3 =	sshll.u32 s5, $0x5;
	s1 =	sor.u32 s2, s1  }
0x12a: {  	s3 =	sand.u32 $0x3FFFFF00, s3;
	v7 =	vld [tilespmem:s1+$0x8000];
	[tilespmem:s12+$0x0] =	vst v6  }
0x12b: {  	s3 =	sadd.s32 s3, s29;
	v8 =	vld [tilespmem:s1+$0x0]  }
0x12c: {  	s2 =	sadd.s32 s2, s3  }
0x12d: {  	v9 =	vld [tilespmem:s2+$0x0];
	_ =	sdelay $0x2  }
0x12e: {  	v7 =	vadd.f32 v7, v8;
	_ =	sdelay $0x1  }
0x12f: {  	v8 =	vmul.f32 v6, v6;
	v7 =	vadd.f32 v9, v7  }
0x130: {  	v4 =	vadd.f32 v6, v4  }
0x131: {  	v5 =	vadd.f32 v8, v5;
	v6 =	vmul.f32 v7, v7  }
0x132: {  	v4 =	vadd.f32 v7, v4  }
0x133: {  	v5 =	vadd.f32 v6, v5  }
0x134: {  	(xrf2) =	vadd.scan.msk.f32 $0xffff, v4  }
0x135: {  	(xrf2) =	vadd.scan.msk.f32 $0xffff, v5;
	_ =	sdelay $0x8  }
0x136: {  	v4, _, _ =	vpop (xrf2)  }
0x137: {  	(v2sf) =	vpush v4, $0xF;
	v4, _, _ =	vpop (xrf2)  }
0x138: {  	(v2sf) =	vpush v4, $0xF;
	_ =	sdelay $0xd  }
0x139: {  	s5 =	spop (v2sf)  }
0x13a: {  	s2 =	smul.f32 $9.765625000e-04, s5;
	s12 =	spop (v2sf)  }
0x13b: {  	s3 =	smul.f32 $9.765625000e-04, s12  }
0x13c: {  	s13 =	smul.f32 s2, s2;
	_ =	sdelay $0x1  }
0x13d: {  	s3 =	ssub.f32 s3, s13;
	_ =	sdelay $0x1  }
0x13e: {  	s3 =	sadd.f32 $9.999999960e-13, s3;
	_ =	sdelay $0x1  }
0x13f: {  	v4 =	vmov s3  }
0x140: {  	v5 =	vshra.s32 v4, $0x1;
	v4 =	vmul.f32 $5.000000000e-01, v4  }
0x141: {  	v5 =	vsub.s32 $0x5F3759DF, v5  }
0x142: {  	v6 =	vmul.f32 v5, v4;
	_ =	sdelay $0x1  }
0x143: {  	v6 =	vmul.f32 v5, v6;
	_ =	sdelay $0x1  }
0x144: {  	v6 =	vsub.f32 $1.500000000e+00, v6;
	_ =	sdelay $0x1  }
0x145: {  	v5 =	vmul.f32 v5, v6;
	_ =	sdelay $0x1  }
0x146: {  	v6 =	vmul.f32 v5, v4;
	_ =	sdelay $0x1  }
0x147: {  	v6 =	vmul.f32 v6, v5  }
0x148: {  	s12 =	sadd.s32 $0x0, s26  }
0x149: {  	s3 =	sshll.u32 s12, $0xA;
	v6 =	vsub.f32 $1.500000000e+00, v6  }
0x14a: {  	s29 =	simm.s32 $0x0;
	s3 =	sand.u32 $0x3FFFFC00, s3  }
0x14b: {  	s13 =	sand.u32 $0x70, s29;
	s3 =	sor.u32 s3, s28;
	v6 =	vmul.f32 v6, v5  }
0x14c: {  	[tilespmem:s1+$0x0] =	vst v7;
	s12 =	sadd.s32 s13, s3  }
0x14d: {  	v7 =	vld [tilespmem:s12+$0x0];
	v4 =	vmul.f32 v6, v4;
	_ =	sdelay $0x1  }
0x14e: {  	v4 =	vmul.f32 v4, v6;
	_ =	sdelay $0x1  }
0x14f: {  	s5 =	simm.s32 $0x10A00;
	v5 =	vmov s2;
	v4 =	vsub.f32 $1.500000000e+00, v4  }
0x150: {  	v8 =	vsub.f32 v7, v5;
	v7 =	vld [tilespmem:s5+$0x0]  }
0x151: {  	s13 =	simm.s32 $0x10E00;
	v4 =	vmul.f32 v4, v6  }
0x152: {  	v6 =	vld [tilespmem:s13+$0x0]  }
0x153: {  	v8 =	vmul.f32 v8, v4  }
0x154: {  	s30 =	simm.s32 $0x2;
	s2 =	simm.s32 $0x0  }
.LBB2_11:
0x155: {  	p0 =	sne.s32 s30, $0x3F;
	s1 =	sadd.s32 s26, s2;
	v7 =	vmul.f32 v8, v7  }
0x156: {  	s1 =	sshll.u32 s1, $0xA  }
0x157: {  	s29 =	sadd.s32 $0x10, s29;
	s1 =	sand.u32 $0x3FFFFC00, s1;
	v6 =	vadd.f32 v7, v6  }
0x158: {  	s2 =	sand.u32 $0x70, s29;
	s1 =	sor.u32 s1, s28  }
0x159: {  	[tilespmem:s12+$0x0] =	vst v6;
	s12 =	sadd.s32 s2, s1  }
0x15a: {  	v6 =	vld [tilespmem:s12+$0x0];
	_ =	sdelay $0x2  }
0x15b: {  	s5 =	sadd.s32 $0x10, s5  }
.Ltmp4:
0x15c: {  	v7 =	vld [tilespmem:s5+$0x0];
	(pc) =	sbr.rel @p0 .LBB2_11-.Ltmp4, $4  }
0x15d: {  	s13 =	sadd.s32 $0x10, s13;
	v8 =	vsub.f32 v6, v5  }
0x15e: {  	v6 =	vld [tilespmem:s13+$0x0]  }
0x15f: {  	v8 =	vmul.f32 v8, v4  }
0x160: {  	s2 =	sshrl.u32 s30, $0x3;
	s30 =	sadd.s32 $0x1, s30  }
0x161: {  	s1 =	sadd.s32 s26, s2;
	v7 =	vmul.f32 v8, v7  }
0x162: {  	s1 =	sshll.u32 s1, $0xA  }
0x163: {  	s26 =	sadd.s32 $0x10, s29;
	s1 =	sand.u32 $0x3FFFFC00, s1;
	v6 =	vadd.f32 v7, v6  }
0x164: {  	s2 =	sand.u32 $0x70, s26;
	s1 =	sor.u32 s1, s28  }
0x165: {  	s1 =	sadd.s32 s2, s1;
	[tilespmem:s12+$0x0] =	vst v6  }
0x166: {  	v6 =	vld [tilespmem:s1+$0x0];
	_ =	sdelay $0x2  }
0x167: {  	s29 =	sadd.s32 $0x10, s5  }
0x168: {  	v62 =	vld [tilespmem:s29+$0x0]  }
0x169: {  	s30 =	sadd.s32 $0x10, s13;
	v5 =	vsub.f32 v6, v5  }
0x16a: {  	v63 =	vld [tilespmem:s30+$0x0]  }
0x16b: {  	s25 =	sadd.s32 $0x1, s25;
	v4 =	vmul.f32 v5, v4  }
0x16c: {  	p0 =	sne.s32 s25, $0x20  }
.Ltmp5:
0x16d: {  	v4 =	vmul.f32 v4, v62;
	(pc) =	sbr.rel @p0 .LBB2_8-.Ltmp5, $3  }
0x16e: {  	_ = 	snop  }
0x16f: {  	v4 =	vadd.f32 v4, v63;
	_ =	sdelay $0x1  }
0x170: {  	[tilespmem:s1+$0x0] =	vst v4  }
0x171: {  	s24 =	simm.s32 $0x0;
	s1 =	rddreg [dreg:$0xd]  }
0x172: {  	[hbm4b:s1+s24] =	stream.linear.scatter [tilespmem:s24], [sflag:$0x2], $0x8000, $0x38;
	[tilespmem:$0x11200] =	vst v63  }
0x173: {  	_ =	swait.ge [sflag:s31], $0x8000  }
0x174: {  	[sflag:s31] =	ssyncset.done $0x0  }
0x175: {  	[sflag:s31] =	ssyncadd.s32 $0xFFFF8000  }
0x176: {  	v4 =	vld [tilespmem:$0x10840];
	_ =	sdelay $0x4  }
0x177: {  	v5 =	vshll.u32 v4, $0x3  }
0x178: {  	v4 =	vand.u32 $0x7, v4;
	v5 =	vand.u32 $0xFFFFFFC0, v5  }
0x179: {  	v4 =	vor.u32 v4, v5  }
0x17a: {  	v5 =	vperm.xlane v4, v1;
	_ =	sdelay $0x1  }
0x17b: {  	v5 =	vadd.s32 v2, v5;
	_ =	sdelay $0x4  }
0x17c: {  	[tilespmem:s24], [sflag:$0x1] =	stream.indirect_vreg.gather [hbm4b:s0+s24], $0x80, v5, vm0, $0xb8;
	[tilespmem:$0x11200] =	vst v63  }
0x17d: {  	s13 =	simm.s32 $0x800;
	v4 =	vperm.xlane v4, v3  }
0x17e: {  	[tilespmem:s13], [sflag:$0x1] =	stream.indirect_vreg.gather [hbm4b:s9+s24], $0x80, v5, vm0, $0xb8;
	[tilespmem:$0x11200] =	vst v63  }
0x17f: {  	s25 =	simm.s32 $0x1000;
	v4 =	vadd.s32 v2, v4  }
0x180: {  	[tilespmem:s25], [sflag:$0x1] =	stream.indirect_vreg.gather [hbm4b:s10+s24], $0x80, v5, vm0, $0xb8;
	[tilespmem:$0x11200] =	vst v63  }
0x181: {  	s26 =	simm.s32 $0x1800  }
0x182: {  	[tilespmem:s26], [sflag:$0x1] =	stream.indirect_vreg.gather [hbm4b:s11+s24], $0x80, v5, vm0, $0xb8;
	[tilespmem:$0x11200] =	vst v63  }
0x183: {  	s28 =	simm.s32 $0x2000  }
0x184: {  	[tilespmem:s28], [sflag:$0x1] =	stream.indirect_vreg.gather [hbm4b:s0+s24], $0x80, v4, vm0, $0xb8;
	[tilespmem:$0x11200] =	vst v63  }
0x185: {  	s29 =	simm.s32 $0x2800  }
0x186: {  	[tilespmem:s29], [sflag:$0x1] =	stream.indirect_vreg.gather [hbm4b:s9+s24], $0x80, v4, vm0, $0xb8;
	[tilespmem:$0x11200] =	vst v63  }
0x187: {  	_ = 	snop  }
0x188: {  	[tilespmem:s4], [sflag:$0x1] =	stream.indirect_vreg.gather [hbm4b:s10+s24], $0x80, v4, vm0, $0xb8;
	[tilespmem:$0x11200] =	vst v63  }
0x189: {  	_ = 	snop  }
0x18a: {  	[tilespmem:s7], [sflag:$0x1] =	stream.indirect_vreg.gather [hbm4b:s11+s24], $0x80, v4, vm0, $0xb8;
	[tilespmem:$0x11200] =	vst v63  }
0x18b: {  	v4 =	vld [tilespmem:$0x10850];
	_ =	sdelay $0x4  }
0x18c: {  	v5 =	vshll.u32 v4, $0x3  }
0x18d: {  	v4 =	vand.u32 $0x7, v4;
	v5 =	vand.u32 $0xFFFFFFC0, v5  }
0x18e: {  	v4 =	vor.u32 v4, v5  }
0x18f: {  	v5 =	vperm.xlane v4, v1;
	_ =	sdelay $0x1  }
0x190: {  	v5 =	vadd.s32 v2, v5;
	_ =	sdelay $0x4  }
0x191: {  	[tilespmem:s8], [sflag:$0x1] =	stream.indirect_vreg.gather [hbm4b:s0+s24], $0x80, v5, vm0, $0xb8;
	[tilespmem:$0x11200] =	vst v63  }
0x192: {  	v4 =	vperm.xlane v4, v3  }
0x193: {  	[tilespmem:s14], [sflag:$0x1] =	stream.indirect_vreg.gather [hbm4b:s9+s24], $0x80, v5, vm0, $0xb8;
	[tilespmem:$0x11200] =	vst v63  }
0x194: {  	v4 =	vadd.s32 v2, v4  }
0x195: {  	[tilespmem:s15], [sflag:$0x1] =	stream.indirect_vreg.gather [hbm4b:s10+s24], $0x80, v5, vm0, $0xb8;
	[tilespmem:$0x11200] =	vst v63  }
0x196: {  	_ = 	snop  }
0x197: {  	[tilespmem:s16], [sflag:$0x1] =	stream.indirect_vreg.gather [hbm4b:s11+s24], $0x80, v5, vm0, $0xb8;
	[tilespmem:$0x11200] =	vst v63  }
0x198: {  	_ = 	snop  }
0x199: {  	[tilespmem:s17], [sflag:$0x1] =	stream.indirect_vreg.gather [hbm4b:s0+s24], $0x80, v4, vm0, $0xb8;
	[tilespmem:$0x11200] =	vst v63  }
0x19a: {  	_ = 	snop  }
0x19b: {  	[tilespmem:s18], [sflag:$0x1] =	stream.indirect_vreg.gather [hbm4b:s9+s24], $0x80, v4, vm0, $0xb8;
	[tilespmem:$0x11200] =	vst v63  }
0x19c: {  	_ = 	snop  }
0x19d: {  	[tilespmem:s19], [sflag:$0x1] =	stream.indirect_vreg.gather [hbm4b:s10+s24], $0x80, v4, vm0, $0xb8;
	[tilespmem:$0x11200] =	vst v63  }
0x19e: {  	_ = 	snop  }
0x19f: {  	[tilespmem:s20], [sflag:$0x1] =	stream.indirect_vreg.gather [hbm4b:s11+s24], $0x80, v4, vm0, $0xb8;
	[tilespmem:$0x11200] =	vst v63  }
0x1a0: {  	_ =	swait.ge [sflag:s21], $0x8000  }
0x1a1: {  	[sflag:s21] =	ssyncset.done $0x0  }
0x1a2: {  	s30 =	rddreg [dreg:$0xe];
	[sflag:s21] =	ssyncadd.s32 $0xFFFF8000  }
0x1a3: {  	[tilespmem:s22], [sflag:$0x2] =	stream.linear.gather [hbm4b:s30+s24], $0x8000, $0x38;
	[tilespmem:$0x11200] =	vst v63  }
0x1a4: {  	_ =	swait.ge [sflag:s31], $0x8000  }
0x1a5: {  	[sflag:s31] =	ssyncset.done $0x0  }
0x1a6: {  	s25 =	simm.s32 $0x0;
	[sflag:s31] =	ssyncadd.s32 $0xFFFF8000  }
.LBB2_14:
0x1a7: {  	s1 =	sand.u32 $0x10, s25  }
0x1a8: {  	v4 =	vld [tilespmem:s1+$0x10940];
	_ =	sdelay $0x3  }
0x1a9: {  	s3 =	sand.u32 $0xF, s25  }
0x1aa: {  	v5 =	vmov s3;
	v4 =	vcvt.s32.f32 v4  }
0x1ab: {  	vm1 =	veq.s32 v5, v0  }
0x1ac: {  	v4 =	vnsel vm1, $0x0, v4  }
0x1ad: {  	(xrf2) =	vadd.scan.msk.f32 $0xffff, v4;
	_ =	sdelay $0x9  }
0x1ae: {  	v4, _, _ =	vpop (xrf2)  }
0x1af: {  	(v2sf) =	vpush v4, $0xF;
	_ =	sdelay $0xe  }
0x1b0: {  	s5 =	spop (v2sf)  }
0x1b1: {  	s2 =	sshll.u32 s25, $0x7;
	s1 =	scvt.f32.s32 s5  }
0x1b2: {  	s26 =	sand.u32 $0x18, s25;
	s28 =	sand.u32 $0x380, s2  }
0x1b3: {  	s5 =	sadd.s32 $0x0, s26;
	s3 =	sshll.u32 s1, $0xA;
	s1 =	sshll.u32 s1, $0x7  }
0x1b4: {  	s12 =	sshll.u32 s5, $0xA;
	s3 =	sand.u32 $0xFFFFF800, s3;
	s1 =	sand.u32 $0x80, s1  }
0x1b5: {  	s2 =	sor.u32 s28, s12;
	s1 =	sor.u32 s1, s3;
	s3 =	sand.u32 $0x70, s24  }
0x1b6: {  	s13 =	simm.s32 $0x0;
	s12 =	sor.u32 s3, s2  }
0x1b7: {  	s13 =	sand.u32 $0x3FFFFF00, s13;
	s29 =	sadd.s32 $0x10000, s1;
	v6 =	vld [tilespmem:s12+$0x8000]  }
0x1b8: {  	s1 =	sadd.s32 s13, s29;
	v8 =	vld [tilespmem:s12+$0x0]  }
0x1b9: {  	s1 =	sadd.s32 s3, s1  }
0x1ba: {  	v7 =	vld [tilespmem:s1+$0x0]  }
0x1bb: {  	s30 =	simm.s32 $0x2;
	v5 =	vimm.f32 $0.0e+00;
	v4 =	vimm.f32 $0.0e+00;
	s5 =	simm.s32 $0x1;
	s13 =	simm.s32 $0x0  }
.LBB2_15:
0x1bc: {  	p0 =	sne.s32 s30, $0x3F;
	s1 =	sshrl.u32 s5, $0x3  }
0x1bd: {  	s1 =	sadd.s32 s26, s1;
	v6 =	vadd.f32 v6, v8  }
0x1be: {  	s13 =	sadd.s32 $0x10, s13;
	s1 =	sshll.u32 s1, $0xA  }
0x1bf: {  	s2 =	sand.u32 $0x70, s13;
	s1 =	sor.u32 s28, s1;
	v7 =	vadd.f32 v7, v6  }
0x1c0: {  	s3 =	sshll.u32 s5, $0x5;
	s5 =	smov.u32 s30;
	s1 =	sor.u32 s2, s1  }
.Ltmp6:
0x1c1: {  	s3 =	sand.u32 $0x3FFFFF00, s3;
	v6 =	vld [tilespmem:s1+$0x8000];
	[tilespmem:s12+$0x0] =	vst v7;
	v4 =	vadd.f32 v7, v4;
	v7 =	vmul.f32 v7, v7;
	s12 =	smov.u32 s1;
	(pc) =	sbr.rel @p0 .LBB2_15-.Ltmp6, $4  }
0x1c2: {  	s1 =	sadd.s32 s3, s29;
	v8 =	vld [tilespmem:s12+$0x0]  }
0x1c3: {  	s1 =	sadd.s32 s2, s1;
	v5 =	vadd.f32 v7, v5  }
0x1c4: {  	v7 =	vld [tilespmem:s1+$0x0]  }
0x1c5: {  	s30 =	sadd.s32 $0x1, s30  }
0x1c6: {  	s1 =	sshrl.u32 s5, $0x3  }
0x1c7: {  	s1 =	sadd.s32 s26, s1;
	v6 =	vadd.f32 v6, v8  }
0x1c8: {  	s2 =	sadd.s32 $0x10, s13;
	s1 =	sshll.u32 s1, $0xA  }
0x1c9: {  	s2 =	sand.u32 $0x70, s2;
	s1 =	sor.u32 s28, s1;
	v6 =	vadd.f32 v7, v6  }
0x1ca: {  	s3 =	sshll.u32 s5, $0x5;
	s1 =	sor.u32 s2, s1  }
0x1cb: {  	s3 =	sand.u32 $0x3FFFFF00, s3;
	v7 =	vld [tilespmem:s1+$0x8000];
	[tilespmem:s12+$0x0] =	vst v6  }
0x1cc: {  	s3 =	sadd.s32 s3, s29;
	v8 =	vld [tilespmem:s1+$0x0]  }
0x1cd: {  	s2 =	sadd.s32 s2, s3  }
0x1ce: {  	v9 =	vld [tilespmem:s2+$0x0];
	_ =	sdelay $0x2  }
0x1cf: {  	v7 =	vadd.f32 v7, v8;
	_ =	sdelay $0x1  }
0x1d0: {  	v8 =	vmul.f32 v6, v6;
	v7 =	vadd.f32 v9, v7  }
0x1d1: {  	v4 =	vadd.f32 v6, v4  }
0x1d2: {  	v5 =	vadd.f32 v8, v5;
	v6 =	vmul.f32 v7, v7  }
0x1d3: {  	v4 =	vadd.f32 v7, v4  }
0x1d4: {  	v5 =	vadd.f32 v6, v5  }
0x1d5: {  	(xrf2) =	vadd.scan.msk.f32 $0xffff, v4  }
0x1d6: {  	(xrf2) =	vadd.scan.msk.f32 $0xffff, v5;
	_ =	sdelay $0x8  }
0x1d7: {  	v4, _, _ =	vpop (xrf2)  }
0x1d8: {  	(v2sf) =	vpush v4, $0xF;
	v4, _, _ =	vpop (xrf2)  }
0x1d9: {  	(v2sf) =	vpush v4, $0xF;
	_ =	sdelay $0xd  }
0x1da: {  	s5 =	spop (v2sf)  }
0x1db: {  	s2 =	smul.f32 $9.765625000e-04, s5;
	s12 =	spop (v2sf)  }
0x1dc: {  	s3 =	smul.f32 $9.765625000e-04, s12  }
0x1dd: {  	s13 =	smul.f32 s2, s2;
	_ =	sdelay $0x1  }
0x1de: {  	s3 =	ssub.f32 s3, s13;
	_ =	sdelay $0x1  }
0x1df: {  	s3 =	sadd.f32 $9.999999960e-13, s3;
	_ =	sdelay $0x1  }
0x1e0: {  	v4 =	vmov s3  }
0x1e1: {  	v5 =	vshra.s32 v4, $0x1;
	v4 =	vmul.f32 $5.000000000e-01, v4  }
0x1e2: {  	v5 =	vsub.s32 $0x5F3759DF, v5  }
0x1e3: {  	v6 =	vmul.f32 v5, v4;
	_ =	sdelay $0x1  }
0x1e4: {  	v6 =	vmul.f32 v5, v6;
	_ =	sdelay $0x1  }
0x1e5: {  	v6 =	vsub.f32 $1.500000000e+00, v6;
	_ =	sdelay $0x1  }
0x1e6: {  	v5 =	vmul.f32 v5, v6;
	_ =	sdelay $0x1  }
0x1e7: {  	v6 =	vmul.f32 v5, v4;
	_ =	sdelay $0x1  }
0x1e8: {  	v6 =	vmul.f32 v6, v5  }
0x1e9: {  	s12 =	sadd.s32 $0x0, s26  }
0x1ea: {  	s3 =	sshll.u32 s12, $0xA;
	v6 =	vsub.f32 $1.500000000e+00, v6  }
0x1eb: {  	s29 =	simm.s32 $0x0;
	s3 =	sand.u32 $0x3FFFFC00, s3  }
0x1ec: {  	s13 =	sand.u32 $0x70, s29;
	s3 =	sor.u32 s3, s28;
	v6 =	vmul.f32 v6, v5  }
0x1ed: {  	[tilespmem:s1+$0x0] =	vst v7;
	s12 =	sadd.s32 s13, s3  }
0x1ee: {  	v7 =	vld [tilespmem:s12+$0x0];
	v4 =	vmul.f32 v6, v4;
	_ =	sdelay $0x1  }
0x1ef: {  	v4 =	vmul.f32 v4, v6;
	_ =	sdelay $0x1  }
0x1f0: {  	s5 =	simm.s32 $0x10A00;
	v5 =	vmov s2;
	v4 =	vsub.f32 $1.500000000e+00, v4  }
0x1f1: {  	v8 =	vsub.f32 v7, v5;
	v7 =	vld [tilespmem:s5+$0x0]  }
0x1f2: {  	s13 =	simm.s32 $0x10E00;
	v4 =	vmul.f32 v4, v6  }
0x1f3: {  	v6 =	vld [tilespmem:s13+$0x0]  }
0x1f4: {  	v8 =	vmul.f32 v8, v4  }
0x1f5: {  	s30 =	simm.s32 $0x2;
	s2 =	simm.s32 $0x0  }
.LBB2_17:
0x1f6: {  	p0 =	sne.s32 s30, $0x3F;
	s1 =	sadd.s32 s26, s2;
	v7 =	vmul.f32 v8, v7  }
0x1f7: {  	s1 =	sshll.u32 s1, $0xA  }
0x1f8: {  	s29 =	sadd.s32 $0x10, s29;
	s1 =	sand.u32 $0x3FFFFC00, s1;
	v6 =	vadd.f32 v7, v6  }
0x1f9: {  	s2 =	sand.u32 $0x70, s29;
	s1 =	sor.u32 s1, s28  }
0x1fa: {  	[tilespmem:s12+$0x0] =	vst v6;
	s12 =	sadd.s32 s2, s1  }
0x1fb: {  	v6 =	vld [tilespmem:s12+$0x0];
	_ =	sdelay $0x2  }
0x1fc: {  	s5 =	sadd.s32 $0x10, s5  }
.Ltmp7:
0x1fd: {  	v7 =	vld [tilespmem:s5+$0x0];
	(pc) =	sbr.rel @p0 .LBB2_17-.Ltmp7, $4  }
0x1fe: {  	s13 =	sadd.s32 $0x10, s13;
	v8 =	vsub.f32 v6, v5  }
0x1ff: {  	v6 =	vld [tilespmem:s13+$0x0]  }
0x200: {  	v8 =	vmul.f32 v8, v4  }
0x201: {  	s2 =	sshrl.u32 s30, $0x3;
	s30 =	sadd.s32 $0x1, s30  }
0x202: {  	s1 =	sadd.s32 s26, s2;
	v7 =	vmul.f32 v8, v7  }
0x203: {  	s1 =	sshll.u32 s1, $0xA  }
0x204: {  	s26 =	sadd.s32 $0x10, s29;
	s1 =	sand.u32 $0x3FFFFC00, s1;
	v6 =	vadd.f32 v7, v6  }
0x205: {  	s2 =	sand.u32 $0x70, s26;
	s1 =	sor.u32 s1, s28  }
0x206: {  	s1 =	sadd.s32 s2, s1;
	[tilespmem:s12+$0x0] =	vst v6  }
0x207: {  	v6 =	vld [tilespmem:s1+$0x0];
	_ =	sdelay $0x2  }
0x208: {  	s29 =	sadd.s32 $0x10, s5  }
0x209: {  	v62 =	vld [tilespmem:s29+$0x0]  }
0x20a: {  	s30 =	sadd.s32 $0x10, s13;
	v5 =	vsub.f32 v6, v5  }
0x20b: {  	v63 =	vld [tilespmem:s30+$0x0]  }
0x20c: {  	s25 =	sadd.s32 $0x1, s25;
	v4 =	vmul.f32 v5, v4  }
0x20d: {  	p0 =	sne.s32 s25, $0x20  }
.Ltmp8:
0x20e: {  	v4 =	vmul.f32 v4, v62;
	(pc) =	sbr.rel @p0 .LBB2_14-.Ltmp8, $3  }
0x20f: {  	_ = 	snop  }
0x210: {  	v4 =	vadd.f32 v4, v63;
	_ =	sdelay $0x1  }
0x211: {  	[tilespmem:s1+$0x0] =	vst v4  }
0x212: {  	s24 =	simm.s32 $0x0;
	s1 =	rddreg [dreg:$0xf]  }
0x213: {  	[hbm4b:s1+s24] =	stream.linear.scatter [tilespmem:s24], [sflag:$0x2], $0x8000, $0x38;
	[tilespmem:$0x11200] =	vst v63  }
0x214: {  	_ =	swait.ge [sflag:s31], $0x8000  }
0x215: {  	[sflag:s31] =	ssyncset.done $0x0  }
0x216: {  	[sflag:s31] =	ssyncadd.s32 $0xFFFF8000  }
0x217: {  	v4 =	vld [tilespmem:$0x10860];
	_ =	sdelay $0x4  }
0x218: {  	v5 =	vshll.u32 v4, $0x3  }
0x219: {  	v4 =	vand.u32 $0x7, v4;
	v5 =	vand.u32 $0xFFFFFFC0, v5  }
0x21a: {  	v4 =	vor.u32 v4, v5  }
0x21b: {  	v5 =	vperm.xlane v4, v1;
	_ =	sdelay $0x1  }
0x21c: {  	v5 =	vadd.s32 v2, v5;
	_ =	sdelay $0x4  }
0x21d: {  	[tilespmem:s24], [sflag:$0x1] =	stream.indirect_vreg.gather [hbm4b:s0+s24], $0x80, v5, vm0, $0xb8;
	[tilespmem:$0x11200] =	vst v63  }
0x21e: {  	s13 =	simm.s32 $0x800;
	v4 =	vperm.xlane v4, v3  }
0x21f: {  	[tilespmem:s13], [sflag:$0x1] =	stream.indirect_vreg.gather [hbm4b:s9+s24], $0x80, v5, vm0, $0xb8;
	[tilespmem:$0x11200] =	vst v63  }
0x220: {  	s25 =	simm.s32 $0x1000;
	v4 =	vadd.s32 v2, v4  }
0x221: {  	[tilespmem:s25], [sflag:$0x1] =	stream.indirect_vreg.gather [hbm4b:s10+s24], $0x80, v5, vm0, $0xb8;
	[tilespmem:$0x11200] =	vst v63  }
0x222: {  	s26 =	simm.s32 $0x1800  }
0x223: {  	[tilespmem:s26], [sflag:$0x1] =	stream.indirect_vreg.gather [hbm4b:s11+s24], $0x80, v5, vm0, $0xb8;
	[tilespmem:$0x11200] =	vst v63  }
0x224: {  	s28 =	simm.s32 $0x2000  }
0x225: {  	[tilespmem:s28], [sflag:$0x1] =	stream.indirect_vreg.gather [hbm4b:s0+s24], $0x80, v4, vm0, $0xb8;
	[tilespmem:$0x11200] =	vst v63  }
0x226: {  	s29 =	simm.s32 $0x2800  }
0x227: {  	[tilespmem:s29], [sflag:$0x1] =	stream.indirect_vreg.gather [hbm4b:s9+s24], $0x80, v4, vm0, $0xb8;
	[tilespmem:$0x11200] =	vst v63  }
0x228: {  	_ = 	snop  }
0x229: {  	[tilespmem:s4], [sflag:$0x1] =	stream.indirect_vreg.gather [hbm4b:s10+s24], $0x80, v4, vm0, $0xb8;
	[tilespmem:$0x11200] =	vst v63  }
0x22a: {  	_ = 	snop  }
0x22b: {  	[tilespmem:s7], [sflag:$0x1] =	stream.indirect_vreg.gather [hbm4b:s11+s24], $0x80, v4, vm0, $0xb8;
	[tilespmem:$0x11200] =	vst v63  }
0x22c: {  	v4 =	vld [tilespmem:$0x10870];
	_ =	sdelay $0x4  }
0x22d: {  	v5 =	vshll.u32 v4, $0x3  }
0x22e: {  	v4 =	vand.u32 $0x7, v4;
	v5 =	vand.u32 $0xFFFFFFC0, v5  }
0x22f: {  	v4 =	vor.u32 v4, v5  }
0x230: {  	v5 =	vperm.xlane v4, v1;
	_ =	sdelay $0x1  }
0x231: {  	v5 =	vadd.s32 v2, v5;
	_ =	sdelay $0x4  }
0x232: {  	[tilespmem:s8], [sflag:$0x1] =	stream.indirect_vreg.gather [hbm4b:s0+s24], $0x80, v5, vm0, $0xb8;
	[tilespmem:$0x11200] =	vst v63  }
0x233: {  	v4 =	vperm.xlane v4, v3  }
0x234: {  	[tilespmem:s14], [sflag:$0x1] =	stream.indirect_vreg.gather [hbm4b:s9+s24], $0x80, v5, vm0, $0xb8;
	[tilespmem:$0x11200] =	vst v63  }
0x235: {  	v4 =	vadd.s32 v2, v4  }
0x236: {  	[tilespmem:s15], [sflag:$0x1] =	stream.indirect_vreg.gather [hbm4b:s10+s24], $0x80, v5, vm0, $0xb8;
	[tilespmem:$0x11200] =	vst v63  }
0x237: {  	_ = 	snop  }
0x238: {  	[tilespmem:s16], [sflag:$0x1] =	stream.indirect_vreg.gather [hbm4b:s11+s24], $0x80, v5, vm0, $0xb8;
	[tilespmem:$0x11200] =	vst v63  }
0x239: {  	_ = 	snop  }
0x23a: {  	[tilespmem:s17], [sflag:$0x1] =	stream.indirect_vreg.gather [hbm4b:s0+s24], $0x80, v4, vm0, $0xb8;
	[tilespmem:$0x11200] =	vst v63  }
0x23b: {  	_ = 	snop  }
0x23c: {  	[tilespmem:s18], [sflag:$0x1] =	stream.indirect_vreg.gather [hbm4b:s9+s24], $0x80, v4, vm0, $0xb8;
	[tilespmem:$0x11200] =	vst v63  }
0x23d: {  	_ = 	snop  }
0x23e: {  	[tilespmem:s19], [sflag:$0x1] =	stream.indirect_vreg.gather [hbm4b:s10+s24], $0x80, v4, vm0, $0xb8;
	[tilespmem:$0x11200] =	vst v63  }
0x23f: {  	_ = 	snop  }
0x240: {  	[tilespmem:s20], [sflag:$0x1] =	stream.indirect_vreg.gather [hbm4b:s11+s24], $0x80, v4, vm0, $0xb8;
	[tilespmem:$0x11200] =	vst v63  }
0x241: {  	_ =	swait.ge [sflag:s21], $0x8000  }
0x242: {  	[sflag:s21] =	ssyncset.done $0x0  }
0x243: {  	s30 =	rddreg [dreg:$0x10];
	[sflag:s21] =	ssyncadd.s32 $0xFFFF8000  }
0x244: {  	[tilespmem:s22], [sflag:$0x2] =	stream.linear.gather [hbm4b:s30+s24], $0x8000, $0x38;
	[tilespmem:$0x11200] =	vst v63  }
0x245: {  	_ =	swait.ge [sflag:s31], $0x8000  }
0x246: {  	[sflag:s31] =	ssyncset.done $0x0  }
0x247: {  	s25 =	simm.s32 $0x0;
	[sflag:s31] =	ssyncadd.s32 $0xFFFF8000  }
.LBB2_20:
0x248: {  	s1 =	sand.u32 $0x10, s25  }
0x249: {  	v4 =	vld [tilespmem:s1+$0x10960];
	_ =	sdelay $0x3  }
0x24a: {  	s3 =	sand.u32 $0xF, s25  }
0x24b: {  	v5 =	vmov s3;
	v4 =	vcvt.s32.f32 v4  }
0x24c: {  	vm1 =	veq.s32 v5, v0  }
0x24d: {  	v4 =	vnsel vm1, $0x0, v4  }
0x24e: {  	(xrf2) =	vadd.scan.msk.f32 $0xffff, v4;
	_ =	sdelay $0x9  }
0x24f: {  	v4, _, _ =	vpop (xrf2)  }
0x250: {  	(v2sf) =	vpush v4, $0xF;
	_ =	sdelay $0xe  }
0x251: {  	s5 =	spop (v2sf)  }
0x252: {  	s2 =	sshll.u32 s25, $0x7;
	s1 =	scvt.f32.s32 s5  }
0x253: {  	s26 =	sand.u32 $0x18, s25;
	s28 =	sand.u32 $0x380, s2  }
0x254: {  	s5 =	sadd.s32 $0x0, s26;
	s3 =	sshll.u32 s1, $0xA;
	s1 =	sshll.u32 s1, $0x7  }
0x255: {  	s12 =	sshll.u32 s5, $0xA;
	s3 =	sand.u32 $0xFFFFF800, s3;
	s1 =	sand.u32 $0x80, s1  }
0x256: {  	s2 =	sor.u32 s28, s12;
	s1 =	sor.u32 s1, s3;
	s3 =	sand.u32 $0x70, s24  }
0x257: {  	s13 =	simm.s32 $0x0;
	s12 =	sor.u32 s3, s2  }
0x258: {  	s13 =	sand.u32 $0x3FFFFF00, s13;
	s29 =	sadd.s32 $0x10000, s1;
	v6 =	vld [tilespmem:s12+$0x8000]  }
0x259: {  	s1 =	sadd.s32 s13, s29;
	v8 =	vld [tilespmem:s12+$0x0]  }
0x25a: {  	s1 =	sadd.s32 s3, s1  }
0x25b: {  	v7 =	vld [tilespmem:s1+$0x0]  }
0x25c: {  	s30 =	simm.s32 $0x2;
	v5 =	vimm.f32 $0.0e+00;
	v4 =	vimm.f32 $0.0e+00;
	s5 =	simm.s32 $0x1;
	s13 =	simm.s32 $0x0  }
.LBB2_21:
0x25d: {  	p0 =	sne.s32 s30, $0x3F;
	s1 =	sshrl.u32 s5, $0x3  }
0x25e: {  	s1 =	sadd.s32 s26, s1;
	v6 =	vadd.f32 v6, v8  }
0x25f: {  	s13 =	sadd.s32 $0x10, s13;
	s1 =	sshll.u32 s1, $0xA  }
0x260: {  	s2 =	sand.u32 $0x70, s13;
	s1 =	sor.u32 s28, s1;
	v7 =	vadd.f32 v7, v6  }
0x261: {  	s3 =	sshll.u32 s5, $0x5;
	s5 =	smov.u32 s30;
	s1 =	sor.u32 s2, s1  }
.Ltmp9:
0x262: {  	s3 =	sand.u32 $0x3FFFFF00, s3;
	v6 =	vld [tilespmem:s1+$0x8000];
	[tilespmem:s12+$0x0] =	vst v7;
	v4 =	vadd.f32 v7, v4;
	v7 =	vmul.f32 v7, v7;
	s12 =	smov.u32 s1;
	(pc) =	sbr.rel @p0 .LBB2_21-.Ltmp9, $4  }
0x263: {  	s1 =	sadd.s32 s3, s29;
	v8 =	vld [tilespmem:s12+$0x0]  }
0x264: {  	s1 =	sadd.s32 s2, s1;
	v5 =	vadd.f32 v7, v5  }
0x265: {  	v7 =	vld [tilespmem:s1+$0x0]  }
0x266: {  	s30 =	sadd.s32 $0x1, s30  }
0x267: {  	s1 =	sshrl.u32 s5, $0x3  }
0x268: {  	s1 =	sadd.s32 s26, s1;
	v6 =	vadd.f32 v6, v8  }
0x269: {  	s2 =	sadd.s32 $0x10, s13;
	s1 =	sshll.u32 s1, $0xA  }
0x26a: {  	s2 =	sand.u32 $0x70, s2;
	s1 =	sor.u32 s28, s1;
	v6 =	vadd.f32 v7, v6  }
0x26b: {  	s3 =	sshll.u32 s5, $0x5;
	s1 =	sor.u32 s2, s1  }
0x26c: {  	s3 =	sand.u32 $0x3FFFFF00, s3;
	v7 =	vld [tilespmem:s1+$0x8000];
	[tilespmem:s12+$0x0] =	vst v6  }
0x26d: {  	s3 =	sadd.s32 s3, s29;
	v8 =	vld [tilespmem:s1+$0x0]  }
0x26e: {  	s2 =	sadd.s32 s2, s3  }
0x26f: {  	v9 =	vld [tilespmem:s2+$0x0];
	_ =	sdelay $0x2  }
0x270: {  	v7 =	vadd.f32 v7, v8;
	_ =	sdelay $0x1  }
0x271: {  	v8 =	vmul.f32 v6, v6;
	v7 =	vadd.f32 v9, v7  }
0x272: {  	v4 =	vadd.f32 v6, v4  }
0x273: {  	v5 =	vadd.f32 v8, v5;
	v6 =	vmul.f32 v7, v7  }
0x274: {  	v4 =	vadd.f32 v7, v4  }
0x275: {  	v5 =	vadd.f32 v6, v5  }
0x276: {  	(xrf2) =	vadd.scan.msk.f32 $0xffff, v4  }
0x277: {  	(xrf2) =	vadd.scan.msk.f32 $0xffff, v5;
	_ =	sdelay $0x8  }
0x278: {  	v4, _, _ =	vpop (xrf2)  }
0x279: {  	(v2sf) =	vpush v4, $0xF;
	v4, _, _ =	vpop (xrf2)  }
0x27a: {  	(v2sf) =	vpush v4, $0xF;
	_ =	sdelay $0xd  }
0x27b: {  	s5 =	spop (v2sf)  }
0x27c: {  	s2 =	smul.f32 $9.765625000e-04, s5;
	s12 =	spop (v2sf)  }
0x27d: {  	s3 =	smul.f32 $9.765625000e-04, s12  }
0x27e: {  	s13 =	smul.f32 s2, s2;
	_ =	sdelay $0x1  }
0x27f: {  	s3 =	ssub.f32 s3, s13;
	_ =	sdelay $0x1  }
0x280: {  	s3 =	sadd.f32 $9.999999960e-13, s3;
	_ =	sdelay $0x1  }
0x281: {  	v4 =	vmov s3  }
0x282: {  	v5 =	vshra.s32 v4, $0x1;
	v4 =	vmul.f32 $5.000000000e-01, v4  }
0x283: {  	v5 =	vsub.s32 $0x5F3759DF, v5  }
0x284: {  	v6 =	vmul.f32 v5, v4;
	_ =	sdelay $0x1  }
0x285: {  	v6 =	vmul.f32 v5, v6;
	_ =	sdelay $0x1  }
0x286: {  	v6 =	vsub.f32 $1.500000000e+00, v6;
	_ =	sdelay $0x1  }
0x287: {  	v5 =	vmul.f32 v5, v6;
	_ =	sdelay $0x1  }
0x288: {  	v6 =	vmul.f32 v5, v4;
	_ =	sdelay $0x1  }
0x289: {  	v6 =	vmul.f32 v6, v5  }
0x28a: {  	s12 =	sadd.s32 $0x0, s26  }
0x28b: {  	s3 =	sshll.u32 s12, $0xA;
	v6 =	vsub.f32 $1.500000000e+00, v6  }
0x28c: {  	s29 =	simm.s32 $0x0;
	s3 =	sand.u32 $0x3FFFFC00, s3  }
0x28d: {  	s13 =	sand.u32 $0x70, s29;
	s3 =	sor.u32 s3, s28;
	v6 =	vmul.f32 v6, v5  }
0x28e: {  	[tilespmem:s1+$0x0] =	vst v7;
	s12 =	sadd.s32 s13, s3  }
0x28f: {  	v7 =	vld [tilespmem:s12+$0x0];
	v4 =	vmul.f32 v6, v4;
	_ =	sdelay $0x1  }
0x290: {  	v4 =	vmul.f32 v4, v6;
	_ =	sdelay $0x1  }
0x291: {  	s5 =	simm.s32 $0x10A00;
	v5 =	vmov s2;
	v4 =	vsub.f32 $1.500000000e+00, v4  }
0x292: {  	v8 =	vsub.f32 v7, v5;
	v7 =	vld [tilespmem:s5+$0x0]  }
0x293: {  	s13 =	simm.s32 $0x10E00;
	v4 =	vmul.f32 v4, v6  }
0x294: {  	v6 =	vld [tilespmem:s13+$0x0]  }
0x295: {  	v8 =	vmul.f32 v8, v4  }
0x296: {  	s30 =	simm.s32 $0x2;
	s2 =	simm.s32 $0x0  }
.LBB2_23:
0x297: {  	p0 =	sne.s32 s30, $0x3F;
	s1 =	sadd.s32 s26, s2;
	v7 =	vmul.f32 v8, v7  }
0x298: {  	s1 =	sshll.u32 s1, $0xA  }
0x299: {  	s29 =	sadd.s32 $0x10, s29;
	s1 =	sand.u32 $0x3FFFFC00, s1;
	v6 =	vadd.f32 v7, v6  }
0x29a: {  	s2 =	sand.u32 $0x70, s29;
	s1 =	sor.u32 s1, s28  }
0x29b: {  	[tilespmem:s12+$0x0] =	vst v6;
	s12 =	sadd.s32 s2, s1  }
0x29c: {  	v6 =	vld [tilespmem:s12+$0x0];
	_ =	sdelay $0x2  }
0x29d: {  	s5 =	sadd.s32 $0x10, s5  }
.Ltmp10:
0x29e: {  	v7 =	vld [tilespmem:s5+$0x0];
	(pc) =	sbr.rel @p0 .LBB2_23-.Ltmp10, $4  }
0x29f: {  	s13 =	sadd.s32 $0x10, s13;
	v8 =	vsub.f32 v6, v5  }
0x2a0: {  	v6 =	vld [tilespmem:s13+$0x0]  }
0x2a1: {  	v8 =	vmul.f32 v8, v4  }
0x2a2: {  	s2 =	sshrl.u32 s30, $0x3;
	s30 =	sadd.s32 $0x1, s30  }
0x2a3: {  	s1 =	sadd.s32 s26, s2;
	v7 =	vmul.f32 v8, v7  }
0x2a4: {  	s1 =	sshll.u32 s1, $0xA  }
0x2a5: {  	s26 =	sadd.s32 $0x10, s29;
	s1 =	sand.u32 $0x3FFFFC00, s1;
	v6 =	vadd.f32 v7, v6  }
0x2a6: {  	s2 =	sand.u32 $0x70, s26;
	s1 =	sor.u32 s1, s28  }
0x2a7: {  	s1 =	sadd.s32 s2, s1;
	[tilespmem:s12+$0x0] =	vst v6  }
0x2a8: {  	v6 =	vld [tilespmem:s1+$0x0];
	_ =	sdelay $0x2  }
0x2a9: {  	s29 =	sadd.s32 $0x10, s5  }
0x2aa: {  	v62 =	vld [tilespmem:s29+$0x0]  }
0x2ab: {  	s30 =	sadd.s32 $0x10, s13;
	v5 =	vsub.f32 v6, v5  }
0x2ac: {  	v63 =	vld [tilespmem:s30+$0x0]  }
0x2ad: {  	s25 =	sadd.s32 $0x1, s25;
	v4 =	vmul.f32 v5, v4  }
0x2ae: {  	p0 =	sne.s32 s25, $0x20  }
.Ltmp11:
0x2af: {  	v4 =	vmul.f32 v4, v62;
	(pc) =	sbr.rel @p0 .LBB2_20-.Ltmp11, $3  }
0x2b0: {  	_ = 	snop  }
0x2b1: {  	v4 =	vadd.f32 v4, v63;
	_ =	sdelay $0x1  }
0x2b2: {  	[tilespmem:s1+$0x0] =	vst v4  }
0x2b3: {  	s24 =	simm.s32 $0x0;
	s1 =	rddreg [dreg:$0x11]  }
0x2b4: {  	[hbm4b:s1+s24] =	stream.linear.scatter [tilespmem:s24], [sflag:$0x2], $0x8000, $0x38;
	[tilespmem:$0x11200] =	vst v63  }
0x2b5: {  	_ =	swait.ge [sflag:s31], $0x8000  }
0x2b6: {  	[sflag:s31] =	ssyncset.done $0x0  }
0x2b7: {  	[sflag:s31] =	ssyncadd.s32 $0xFFFF8000  }
0x2b8: {  	v4 =	vld [tilespmem:$0x10880];
	_ =	sdelay $0x4  }
0x2b9: {  	v5 =	vshll.u32 v4, $0x3  }
0x2ba: {  	v4 =	vand.u32 $0x7, v4;
	v5 =	vand.u32 $0xFFFFFFC0, v5  }
0x2bb: {  	v4 =	vor.u32 v4, v5  }
0x2bc: {  	v5 =	vperm.xlane v4, v1;
	_ =	sdelay $0x1  }
0x2bd: {  	v5 =	vadd.s32 v2, v5;
	_ =	sdelay $0x4  }
0x2be: {  	[tilespmem:s24], [sflag:$0x1] =	stream.indirect_vreg.gather [hbm4b:s0+s24], $0x80, v5, vm0, $0xb8;
	[tilespmem:$0x11200] =	vst v63  }
0x2bf: {  	s13 =	simm.s32 $0x800;
	v4 =	vperm.xlane v4, v3  }
0x2c0: {  	[tilespmem:s13], [sflag:$0x1] =	stream.indirect_vreg.gather [hbm4b:s9+s24], $0x80, v5, vm0, $0xb8;
	[tilespmem:$0x11200] =	vst v63  }
0x2c1: {  	s25 =	simm.s32 $0x1000;
	v4 =	vadd.s32 v2, v4  }
0x2c2: {  	[tilespmem:s25], [sflag:$0x1] =	stream.indirect_vreg.gather [hbm4b:s10+s24], $0x80, v5, vm0, $0xb8;
	[tilespmem:$0x11200] =	vst v63  }
0x2c3: {  	s26 =	simm.s32 $0x1800  }
0x2c4: {  	[tilespmem:s26], [sflag:$0x1] =	stream.indirect_vreg.gather [hbm4b:s11+s24], $0x80, v5, vm0, $0xb8;
	[tilespmem:$0x11200] =	vst v63  }
0x2c5: {  	s28 =	simm.s32 $0x2000  }
0x2c6: {  	[tilespmem:s28], [sflag:$0x1] =	stream.indirect_vreg.gather [hbm4b:s0+s24], $0x80, v4, vm0, $0xb8;
	[tilespmem:$0x11200] =	vst v63  }
0x2c7: {  	s29 =	simm.s32 $0x2800  }
0x2c8: {  	[tilespmem:s29], [sflag:$0x1] =	stream.indirect_vreg.gather [hbm4b:s9+s24], $0x80, v4, vm0, $0xb8;
	[tilespmem:$0x11200] =	vst v63  }
0x2c9: {  	_ = 	snop  }
0x2ca: {  	[tilespmem:s4], [sflag:$0x1] =	stream.indirect_vreg.gather [hbm4b:s10+s24], $0x80, v4, vm0, $0xb8;
	[tilespmem:$0x11200] =	vst v63  }
0x2cb: {  	_ = 	snop  }
0x2cc: {  	[tilespmem:s7], [sflag:$0x1] =	stream.indirect_vreg.gather [hbm4b:s11+s24], $0x80, v4, vm0, $0xb8;
	[tilespmem:$0x11200] =	vst v63  }
0x2cd: {  	v4 =	vld [tilespmem:$0x10890];
	_ =	sdelay $0x4  }
0x2ce: {  	v5 =	vshll.u32 v4, $0x3  }
0x2cf: {  	v4 =	vand.u32 $0x7, v4;
	v5 =	vand.u32 $0xFFFFFFC0, v5  }
0x2d0: {  	v4 =	vor.u32 v4, v5  }
0x2d1: {  	v5 =	vperm.xlane v4, v1;
	_ =	sdelay $0x1  }
0x2d2: {  	v5 =	vadd.s32 v2, v5;
	_ =	sdelay $0x4  }
0x2d3: {  	[tilespmem:s8], [sflag:$0x1] =	stream.indirect_vreg.gather [hbm4b:s0+s24], $0x80, v5, vm0, $0xb8;
	[tilespmem:$0x11200] =	vst v63  }
0x2d4: {  	v4 =	vperm.xlane v4, v3  }
0x2d5: {  	[tilespmem:s14], [sflag:$0x1] =	stream.indirect_vreg.gather [hbm4b:s9+s24], $0x80, v5, vm0, $0xb8;
	[tilespmem:$0x11200] =	vst v63  }
0x2d6: {  	v4 =	vadd.s32 v2, v4  }
0x2d7: {  	[tilespmem:s15], [sflag:$0x1] =	stream.indirect_vreg.gather [hbm4b:s10+s24], $0x80, v5, vm0, $0xb8;
	[tilespmem:$0x11200] =	vst v63  }
0x2d8: {  	_ = 	snop  }
0x2d9: {  	[tilespmem:s16], [sflag:$0x1] =	stream.indirect_vreg.gather [hbm4b:s11+s24], $0x80, v5, vm0, $0xb8;
	[tilespmem:$0x11200] =	vst v63  }
0x2da: {  	_ = 	snop  }
0x2db: {  	[tilespmem:s17], [sflag:$0x1] =	stream.indirect_vreg.gather [hbm4b:s0+s24], $0x80, v4, vm0, $0xb8;
	[tilespmem:$0x11200] =	vst v63  }
0x2dc: {  	_ = 	snop  }
0x2dd: {  	[tilespmem:s18], [sflag:$0x1] =	stream.indirect_vreg.gather [hbm4b:s9+s24], $0x80, v4, vm0, $0xb8;
	[tilespmem:$0x11200] =	vst v63  }
0x2de: {  	_ = 	snop  }
0x2df: {  	[tilespmem:s19], [sflag:$0x1] =	stream.indirect_vreg.gather [hbm4b:s10+s24], $0x80, v4, vm0, $0xb8;
	[tilespmem:$0x11200] =	vst v63  }
0x2e0: {  	_ = 	snop  }
0x2e1: {  	[tilespmem:s20], [sflag:$0x1] =	stream.indirect_vreg.gather [hbm4b:s11+s24], $0x80, v4, vm0, $0xb8;
	[tilespmem:$0x11200] =	vst v63  }
0x2e2: {  	_ =	swait.ge [sflag:s21], $0x8000  }
0x2e3: {  	[sflag:s21] =	ssyncset.done $0x0  }
0x2e4: {  	s30 =	rddreg [dreg:$0x12];
	[sflag:s21] =	ssyncadd.s32 $0xFFFF8000  }
0x2e5: {  	[tilespmem:s22], [sflag:$0x2] =	stream.linear.gather [hbm4b:s30+s24], $0x8000, $0x38;
	[tilespmem:$0x11200] =	vst v63  }
0x2e6: {  	_ =	swait.ge [sflag:s31], $0x8000  }
0x2e7: {  	[sflag:s31] =	ssyncset.done $0x0  }
0x2e8: {  	s25 =	simm.s32 $0x0;
	[sflag:s31] =	ssyncadd.s32 $0xFFFF8000  }
.LBB2_26:
0x2e9: {  	s1 =	sand.u32 $0x10, s25  }
0x2ea: {  	v4 =	vld [tilespmem:s1+$0x10980];
	_ =	sdelay $0x3  }
0x2eb: {  	s3 =	sand.u32 $0xF, s25  }
0x2ec: {  	v5 =	vmov s3;
	v4 =	vcvt.s32.f32 v4  }
0x2ed: {  	vm1 =	veq.s32 v5, v0  }
0x2ee: {  	v4 =	vnsel vm1, $0x0, v4  }
0x2ef: {  	(xrf2) =	vadd.scan.msk.f32 $0xffff, v4;
	_ =	sdelay $0x9  }
0x2f0: {  	v4, _, _ =	vpop (xrf2)  }
0x2f1: {  	(v2sf) =	vpush v4, $0xF;
	_ =	sdelay $0xe  }
0x2f2: {  	s5 =	spop (v2sf)  }
0x2f3: {  	s2 =	sshll.u32 s25, $0x7;
	s1 =	scvt.f32.s32 s5  }
0x2f4: {  	s26 =	sand.u32 $0x18, s25;
	s28 =	sand.u32 $0x380, s2  }
0x2f5: {  	s5 =	sadd.s32 $0x0, s26;
	s3 =	sshll.u32 s1, $0xA;
	s1 =	sshll.u32 s1, $0x7  }
0x2f6: {  	s12 =	sshll.u32 s5, $0xA;
	s3 =	sand.u32 $0xFFFFF800, s3;
	s1 =	sand.u32 $0x80, s1  }
0x2f7: {  	s2 =	sor.u32 s28, s12;
	s1 =	sor.u32 s1, s3;
	s3 =	sand.u32 $0x70, s24  }
0x2f8: {  	s13 =	simm.s32 $0x0;
	s12 =	sor.u32 s3, s2  }
0x2f9: {  	s13 =	sand.u32 $0x3FFFFF00, s13;
	s29 =	sadd.s32 $0x10000, s1;
	v6 =	vld [tilespmem:s12+$0x8000]  }
0x2fa: {  	s1 =	sadd.s32 s13, s29;
	v8 =	vld [tilespmem:s12+$0x0]  }
0x2fb: {  	s1 =	sadd.s32 s3, s1  }
0x2fc: {  	v7 =	vld [tilespmem:s1+$0x0]  }
0x2fd: {  	s30 =	simm.s32 $0x2;
	v5 =	vimm.f32 $0.0e+00;
	v4 =	vimm.f32 $0.0e+00;
	s5 =	simm.s32 $0x1;
	s13 =	simm.s32 $0x0  }
.LBB2_27:
0x2fe: {  	p0 =	sne.s32 s30, $0x3F;
	s1 =	sshrl.u32 s5, $0x3  }
0x2ff: {  	s1 =	sadd.s32 s26, s1;
	v6 =	vadd.f32 v6, v8  }
0x300: {  	s13 =	sadd.s32 $0x10, s13;
	s1 =	sshll.u32 s1, $0xA  }
0x301: {  	s2 =	sand.u32 $0x70, s13;
	s1 =	sor.u32 s28, s1;
	v7 =	vadd.f32 v7, v6  }
0x302: {  	s3 =	sshll.u32 s5, $0x5;
	s5 =	smov.u32 s30;
	s1 =	sor.u32 s2, s1  }
.Ltmp12:
0x303: {  	s3 =	sand.u32 $0x3FFFFF00, s3;
	v6 =	vld [tilespmem:s1+$0x8000];
	[tilespmem:s12+$0x0] =	vst v7;
	v4 =	vadd.f32 v7, v4;
	v7 =	vmul.f32 v7, v7;
	s12 =	smov.u32 s1;
	(pc) =	sbr.rel @p0 .LBB2_27-.Ltmp12, $4  }
0x304: {  	s1 =	sadd.s32 s3, s29;
	v8 =	vld [tilespmem:s12+$0x0]  }
0x305: {  	s1 =	sadd.s32 s2, s1;
	v5 =	vadd.f32 v7, v5  }
0x306: {  	v7 =	vld [tilespmem:s1+$0x0]  }
0x307: {  	s30 =	sadd.s32 $0x1, s30  }
0x308: {  	s1 =	sshrl.u32 s5, $0x3  }
0x309: {  	s1 =	sadd.s32 s26, s1;
	v6 =	vadd.f32 v6, v8  }
0x30a: {  	s2 =	sadd.s32 $0x10, s13;
	s1 =	sshll.u32 s1, $0xA  }
0x30b: {  	s2 =	sand.u32 $0x70, s2;
	s1 =	sor.u32 s28, s1;
	v6 =	vadd.f32 v7, v6  }
0x30c: {  	s3 =	sshll.u32 s5, $0x5;
	s1 =	sor.u32 s2, s1  }
0x30d: {  	s3 =	sand.u32 $0x3FFFFF00, s3;
	v7 =	vld [tilespmem:s1+$0x8000];
	[tilespmem:s12+$0x0] =	vst v6  }
0x30e: {  	s3 =	sadd.s32 s3, s29;
	v8 =	vld [tilespmem:s1+$0x0]  }
0x30f: {  	s2 =	sadd.s32 s2, s3  }
0x310: {  	v9 =	vld [tilespmem:s2+$0x0];
	_ =	sdelay $0x2  }
0x311: {  	v7 =	vadd.f32 v7, v8;
	_ =	sdelay $0x1  }
0x312: {  	v8 =	vmul.f32 v6, v6;
	v7 =	vadd.f32 v9, v7  }
0x313: {  	v4 =	vadd.f32 v6, v4  }
0x314: {  	v5 =	vadd.f32 v8, v5;
	v6 =	vmul.f32 v7, v7  }
0x315: {  	v4 =	vadd.f32 v7, v4  }
0x316: {  	v5 =	vadd.f32 v6, v5  }
0x317: {  	(xrf2) =	vadd.scan.msk.f32 $0xffff, v4  }
0x318: {  	(xrf2) =	vadd.scan.msk.f32 $0xffff, v5;
	_ =	sdelay $0x8  }
0x319: {  	v4, _, _ =	vpop (xrf2)  }
0x31a: {  	(v2sf) =	vpush v4, $0xF;
	v4, _, _ =	vpop (xrf2)  }
0x31b: {  	(v2sf) =	vpush v4, $0xF;
	_ =	sdelay $0xd  }
0x31c: {  	s5 =	spop (v2sf)  }
0x31d: {  	s2 =	smul.f32 $9.765625000e-04, s5;
	s12 =	spop (v2sf)  }
0x31e: {  	s3 =	smul.f32 $9.765625000e-04, s12  }
0x31f: {  	s13 =	smul.f32 s2, s2;
	_ =	sdelay $0x1  }
0x320: {  	s3 =	ssub.f32 s3, s13;
	_ =	sdelay $0x1  }
0x321: {  	s3 =	sadd.f32 $9.999999960e-13, s3;
	_ =	sdelay $0x1  }
0x322: {  	v4 =	vmov s3  }
0x323: {  	v5 =	vshra.s32 v4, $0x1;
	v4 =	vmul.f32 $5.000000000e-01, v4  }
0x324: {  	v5 =	vsub.s32 $0x5F3759DF, v5  }
0x325: {  	v6 =	vmul.f32 v5, v4;
	_ =	sdelay $0x1  }
0x326: {  	v6 =	vmul.f32 v5, v6;
	_ =	sdelay $0x1  }
0x327: {  	v6 =	vsub.f32 $1.500000000e+00, v6;
	_ =	sdelay $0x1  }
0x328: {  	v5 =	vmul.f32 v5, v6;
	_ =	sdelay $0x1  }
0x329: {  	v6 =	vmul.f32 v5, v4;
	_ =	sdelay $0x1  }
0x32a: {  	v6 =	vmul.f32 v6, v5  }
0x32b: {  	s12 =	sadd.s32 $0x0, s26  }
0x32c: {  	s3 =	sshll.u32 s12, $0xA;
	v6 =	vsub.f32 $1.500000000e+00, v6  }
0x32d: {  	s29 =	simm.s32 $0x0;
	s3 =	sand.u32 $0x3FFFFC00, s3  }
0x32e: {  	s13 =	sand.u32 $0x70, s29;
	s3 =	sor.u32 s3, s28;
	v6 =	vmul.f32 v6, v5  }
0x32f: {  	[tilespmem:s1+$0x0] =	vst v7;
	s12 =	sadd.s32 s13, s3  }
0x330: {  	v7 =	vld [tilespmem:s12+$0x0];
	v4 =	vmul.f32 v6, v4;
	_ =	sdelay $0x1  }
0x331: {  	v4 =	vmul.f32 v4, v6;
	_ =	sdelay $0x1  }
0x332: {  	s5 =	simm.s32 $0x10A00;
	v5 =	vmov s2;
	v4 =	vsub.f32 $1.500000000e+00, v4  }
0x333: {  	v8 =	vsub.f32 v7, v5;
	v7 =	vld [tilespmem:s5+$0x0]  }
0x334: {  	s13 =	simm.s32 $0x10E00;
	v4 =	vmul.f32 v4, v6  }
0x335: {  	v6 =	vld [tilespmem:s13+$0x0]  }
0x336: {  	v8 =	vmul.f32 v8, v4  }
0x337: {  	s30 =	simm.s32 $0x2;
	s2 =	simm.s32 $0x0  }
.LBB2_29:
0x338: {  	p0 =	sne.s32 s30, $0x3F;
	s1 =	sadd.s32 s26, s2;
	v7 =	vmul.f32 v8, v7  }
0x339: {  	s1 =	sshll.u32 s1, $0xA  }
0x33a: {  	s29 =	sadd.s32 $0x10, s29;
	s1 =	sand.u32 $0x3FFFFC00, s1;
	v6 =	vadd.f32 v7, v6  }
0x33b: {  	s2 =	sand.u32 $0x70, s29;
	s1 =	sor.u32 s1, s28  }
0x33c: {  	[tilespmem:s12+$0x0] =	vst v6;
	s12 =	sadd.s32 s2, s1  }
0x33d: {  	v6 =	vld [tilespmem:s12+$0x0];
	_ =	sdelay $0x2  }
0x33e: {  	s5 =	sadd.s32 $0x10, s5  }
.Ltmp13:
0x33f: {  	v7 =	vld [tilespmem:s5+$0x0];
	(pc) =	sbr.rel @p0 .LBB2_29-.Ltmp13, $4  }
0x340: {  	s13 =	sadd.s32 $0x10, s13;
	v8 =	vsub.f32 v6, v5  }
0x341: {  	v6 =	vld [tilespmem:s13+$0x0]  }
0x342: {  	v8 =	vmul.f32 v8, v4  }
0x343: {  	s2 =	sshrl.u32 s30, $0x3;
	s30 =	sadd.s32 $0x1, s30  }
0x344: {  	s1 =	sadd.s32 s26, s2;
	v7 =	vmul.f32 v8, v7  }
0x345: {  	s1 =	sshll.u32 s1, $0xA  }
0x346: {  	s26 =	sadd.s32 $0x10, s29;
	s1 =	sand.u32 $0x3FFFFC00, s1;
	v6 =	vadd.f32 v7, v6  }
0x347: {  	s2 =	sand.u32 $0x70, s26;
	s1 =	sor.u32 s1, s28  }
0x348: {  	s1 =	sadd.s32 s2, s1;
	[tilespmem:s12+$0x0] =	vst v6  }
0x349: {  	v6 =	vld [tilespmem:s1+$0x0];
	_ =	sdelay $0x2  }
0x34a: {  	s29 =	sadd.s32 $0x10, s5  }
0x34b: {  	v62 =	vld [tilespmem:s29+$0x0]  }
0x34c: {  	s30 =	sadd.s32 $0x10, s13;
	v5 =	vsub.f32 v6, v5  }
0x34d: {  	v63 =	vld [tilespmem:s30+$0x0]  }
0x34e: {  	s25 =	sadd.s32 $0x1, s25;
	v4 =	vmul.f32 v5, v4  }
0x34f: {  	p0 =	sne.s32 s25, $0x20  }
.Ltmp14:
0x350: {  	v4 =	vmul.f32 v4, v62;
	(pc) =	sbr.rel @p0 .LBB2_26-.Ltmp14, $3  }
0x351: {  	_ = 	snop  }
0x352: {  	v4 =	vadd.f32 v4, v63;
	_ =	sdelay $0x1  }
0x353: {  	[tilespmem:s1+$0x0] =	vst v4  }
0x354: {  	s24 =	simm.s32 $0x0;
	s1 =	rddreg [dreg:$0x13]  }
0x355: {  	[hbm4b:s1+s24] =	stream.linear.scatter [tilespmem:s24], [sflag:$0x2], $0x8000, $0x38;
	[tilespmem:$0x11200] =	vst v63  }
0x356: {  	_ =	swait.ge [sflag:s31], $0x8000  }
0x357: {  	[sflag:s31] =	ssyncset.done $0x0  }
0x358: {  	[sflag:s31] =	ssyncadd.s32 $0xFFFF8000  }
0x359: {  	v4 =	vld [tilespmem:$0x108A0];
	_ =	sdelay $0x4  }
0x35a: {  	v5 =	vshll.u32 v4, $0x3  }
0x35b: {  	v4 =	vand.u32 $0x7, v4;
	v5 =	vand.u32 $0xFFFFFFC0, v5  }
0x35c: {  	v4 =	vor.u32 v4, v5  }
0x35d: {  	v5 =	vperm.xlane v4, v1;
	_ =	sdelay $0x1  }
0x35e: {  	v5 =	vadd.s32 v2, v5;
	_ =	sdelay $0x4  }
0x35f: {  	[tilespmem:s24], [sflag:$0x1] =	stream.indirect_vreg.gather [hbm4b:s0+s24], $0x80, v5, vm0, $0xb8;
	[tilespmem:$0x11200] =	vst v63  }
0x360: {  	s13 =	simm.s32 $0x800;
	v4 =	vperm.xlane v4, v3  }
0x361: {  	[tilespmem:s13], [sflag:$0x1] =	stream.indirect_vreg.gather [hbm4b:s9+s24], $0x80, v5, vm0, $0xb8;
	[tilespmem:$0x11200] =	vst v63  }
0x362: {  	s25 =	simm.s32 $0x1000;
	v4 =	vadd.s32 v2, v4  }
0x363: {  	[tilespmem:s25], [sflag:$0x1] =	stream.indirect_vreg.gather [hbm4b:s10+s24], $0x80, v5, vm0, $0xb8;
	[tilespmem:$0x11200] =	vst v63  }
0x364: {  	s26 =	simm.s32 $0x1800  }
0x365: {  	[tilespmem:s26], [sflag:$0x1] =	stream.indirect_vreg.gather [hbm4b:s11+s24], $0x80, v5, vm0, $0xb8;
	[tilespmem:$0x11200] =	vst v63  }
0x366: {  	s28 =	simm.s32 $0x2000  }
0x367: {  	[tilespmem:s28], [sflag:$0x1] =	stream.indirect_vreg.gather [hbm4b:s0+s24], $0x80, v4, vm0, $0xb8;
	[tilespmem:$0x11200] =	vst v63  }
0x368: {  	s29 =	simm.s32 $0x2800  }
0x369: {  	[tilespmem:s29], [sflag:$0x1] =	stream.indirect_vreg.gather [hbm4b:s9+s24], $0x80, v4, vm0, $0xb8;
	[tilespmem:$0x11200] =	vst v63  }
0x36a: {  	_ = 	snop  }
0x36b: {  	[tilespmem:s4], [sflag:$0x1] =	stream.indirect_vreg.gather [hbm4b:s10+s24], $0x80, v4, vm0, $0xb8;
	[tilespmem:$0x11200] =	vst v63  }
0x36c: {  	_ = 	snop  }
0x36d: {  	[tilespmem:s7], [sflag:$0x1] =	stream.indirect_vreg.gather [hbm4b:s11+s24], $0x80, v4, vm0, $0xb8;
	[tilespmem:$0x11200] =	vst v63  }
0x36e: {  	v4 =	vld [tilespmem:$0x108B0];
	_ =	sdelay $0x4  }
0x36f: {  	v5 =	vshll.u32 v4, $0x3  }
0x370: {  	v4 =	vand.u32 $0x7, v4;
	v5 =	vand.u32 $0xFFFFFFC0, v5  }
0x371: {  	v4 =	vor.u32 v4, v5  }
0x372: {  	v5 =	vperm.xlane v4, v1;
	_ =	sdelay $0x1  }
0x373: {  	v5 =	vadd.s32 v2, v5;
	_ =	sdelay $0x4  }
0x374: {  	[tilespmem:s8], [sflag:$0x1] =	stream.indirect_vreg.gather [hbm4b:s0+s24], $0x80, v5, vm0, $0xb8;
	[tilespmem:$0x11200] =	vst v63  }
0x375: {  	v4 =	vperm.xlane v4, v3  }
0x376: {  	[tilespmem:s14], [sflag:$0x1] =	stream.indirect_vreg.gather [hbm4b:s9+s24], $0x80, v5, vm0, $0xb8;
	[tilespmem:$0x11200] =	vst v63  }
0x377: {  	v4 =	vadd.s32 v2, v4  }
0x378: {  	[tilespmem:s15], [sflag:$0x1] =	stream.indirect_vreg.gather [hbm4b:s10+s24], $0x80, v5, vm0, $0xb8;
	[tilespmem:$0x11200] =	vst v63  }
0x379: {  	_ = 	snop  }
0x37a: {  	[tilespmem:s16], [sflag:$0x1] =	stream.indirect_vreg.gather [hbm4b:s11+s24], $0x80, v5, vm0, $0xb8;
	[tilespmem:$0x11200] =	vst v63  }
0x37b: {  	_ = 	snop  }
0x37c: {  	[tilespmem:s17], [sflag:$0x1] =	stream.indirect_vreg.gather [hbm4b:s0+s24], $0x80, v4, vm0, $0xb8;
	[tilespmem:$0x11200] =	vst v63  }
0x37d: {  	_ = 	snop  }
0x37e: {  	[tilespmem:s18], [sflag:$0x1] =	stream.indirect_vreg.gather [hbm4b:s9+s24], $0x80, v4, vm0, $0xb8;
	[tilespmem:$0x11200] =	vst v63  }
0x37f: {  	_ = 	snop  }
0x380: {  	[tilespmem:s19], [sflag:$0x1] =	stream.indirect_vreg.gather [hbm4b:s10+s24], $0x80, v4, vm0, $0xb8;
	[tilespmem:$0x11200] =	vst v63  }
0x381: {  	_ = 	snop  }
0x382: {  	[tilespmem:s20], [sflag:$0x1] =	stream.indirect_vreg.gather [hbm4b:s11+s24], $0x80, v4, vm0, $0xb8;
	[tilespmem:$0x11200] =	vst v63  }
0x383: {  	_ =	swait.ge [sflag:s21], $0x8000  }
0x384: {  	[sflag:s21] =	ssyncset.done $0x0  }
0x385: {  	s30 =	rddreg [dreg:$0x14];
	[sflag:s21] =	ssyncadd.s32 $0xFFFF8000  }
0x386: {  	[tilespmem:s22], [sflag:$0x2] =	stream.linear.gather [hbm4b:s30+s24], $0x8000, $0x38;
	[tilespmem:$0x11200] =	vst v63  }
0x387: {  	_ =	swait.ge [sflag:s31], $0x8000  }
0x388: {  	[sflag:s31] =	ssyncset.done $0x0  }
0x389: {  	s25 =	simm.s32 $0x0;
	[sflag:s31] =	ssyncadd.s32 $0xFFFF8000  }
.LBB2_32:
0x38a: {  	s1 =	sand.u32 $0x10, s25  }
0x38b: {  	v4 =	vld [tilespmem:s1+$0x109A0];
	_ =	sdelay $0x3  }
0x38c: {  	s3 =	sand.u32 $0xF, s25  }
0x38d: {  	v5 =	vmov s3;
	v4 =	vcvt.s32.f32 v4  }
0x38e: {  	vm1 =	veq.s32 v5, v0  }
0x38f: {  	v4 =	vnsel vm1, $0x0, v4  }
0x390: {  	(xrf2) =	vadd.scan.msk.f32 $0xffff, v4;
	_ =	sdelay $0x9  }
0x391: {  	v4, _, _ =	vpop (xrf2)  }
0x392: {  	(v2sf) =	vpush v4, $0xF;
	_ =	sdelay $0xe  }
0x393: {  	s5 =	spop (v2sf)  }
0x394: {  	s2 =	sshll.u32 s25, $0x7;
	s1 =	scvt.f32.s32 s5  }
0x395: {  	s26 =	sand.u32 $0x18, s25;
	s28 =	sand.u32 $0x380, s2  }
0x396: {  	s5 =	sadd.s32 $0x0, s26;
	s3 =	sshll.u32 s1, $0xA;
	s1 =	sshll.u32 s1, $0x7  }
0x397: {  	s12 =	sshll.u32 s5, $0xA;
	s3 =	sand.u32 $0xFFFFF800, s3;
	s1 =	sand.u32 $0x80, s1  }
0x398: {  	s2 =	sor.u32 s28, s12;
	s1 =	sor.u32 s1, s3;
	s3 =	sand.u32 $0x70, s24  }
0x399: {  	s13 =	simm.s32 $0x0;
	s12 =	sor.u32 s3, s2  }
0x39a: {  	s13 =	sand.u32 $0x3FFFFF00, s13;
	s29 =	sadd.s32 $0x10000, s1;
	v6 =	vld [tilespmem:s12+$0x8000]  }
0x39b: {  	s1 =	sadd.s32 s13, s29;
	v8 =	vld [tilespmem:s12+$0x0]  }
0x39c: {  	s1 =	sadd.s32 s3, s1  }
0x39d: {  	v7 =	vld [tilespmem:s1+$0x0]  }
0x39e: {  	s30 =	simm.s32 $0x2;
	v5 =	vimm.f32 $0.0e+00;
	v4 =	vimm.f32 $0.0e+00;
	s5 =	simm.s32 $0x1;
	s13 =	simm.s32 $0x0  }
.LBB2_33:
0x39f: {  	p0 =	sne.s32 s30, $0x3F;
	s1 =	sshrl.u32 s5, $0x3  }
0x3a0: {  	s1 =	sadd.s32 s26, s1;
	v6 =	vadd.f32 v6, v8  }
0x3a1: {  	s13 =	sadd.s32 $0x10, s13;
	s1 =	sshll.u32 s1, $0xA  }
0x3a2: {  	s2 =	sand.u32 $0x70, s13;
	s1 =	sor.u32 s28, s1;
	v7 =	vadd.f32 v7, v6  }
0x3a3: {  	s3 =	sshll.u32 s5, $0x5;
	s5 =	smov.u32 s30;
	s1 =	sor.u32 s2, s1  }
.Ltmp15:
0x3a4: {  	s3 =	sand.u32 $0x3FFFFF00, s3;
	v6 =	vld [tilespmem:s1+$0x8000];
	[tilespmem:s12+$0x0] =	vst v7;
	v4 =	vadd.f32 v7, v4;
	v7 =	vmul.f32 v7, v7;
	s12 =	smov.u32 s1;
	(pc) =	sbr.rel @p0 .LBB2_33-.Ltmp15, $4  }
0x3a5: {  	s1 =	sadd.s32 s3, s29;
	v8 =	vld [tilespmem:s12+$0x0]  }
0x3a6: {  	s1 =	sadd.s32 s2, s1;
	v5 =	vadd.f32 v7, v5  }
0x3a7: {  	v7 =	vld [tilespmem:s1+$0x0]  }
0x3a8: {  	s30 =	sadd.s32 $0x1, s30  }
0x3a9: {  	s1 =	sshrl.u32 s5, $0x3  }
0x3aa: {  	s1 =	sadd.s32 s26, s1;
	v6 =	vadd.f32 v6, v8  }
0x3ab: {  	s2 =	sadd.s32 $0x10, s13;
	s1 =	sshll.u32 s1, $0xA  }
0x3ac: {  	s2 =	sand.u32 $0x70, s2;
	s1 =	sor.u32 s28, s1;
	v6 =	vadd.f32 v7, v6  }
0x3ad: {  	s3 =	sshll.u32 s5, $0x5;
	s1 =	sor.u32 s2, s1  }
0x3ae: {  	s3 =	sand.u32 $0x3FFFFF00, s3;
	v7 =	vld [tilespmem:s1+$0x8000];
	[tilespmem:s12+$0x0] =	vst v6  }
0x3af: {  	s3 =	sadd.s32 s3, s29;
	v8 =	vld [tilespmem:s1+$0x0]  }
0x3b0: {  	s2 =	sadd.s32 s2, s3  }
0x3b1: {  	v9 =	vld [tilespmem:s2+$0x0];
	_ =	sdelay $0x2  }
0x3b2: {  	v7 =	vadd.f32 v7, v8;
	_ =	sdelay $0x1  }
0x3b3: {  	v8 =	vmul.f32 v6, v6;
	v7 =	vadd.f32 v9, v7  }
0x3b4: {  	v4 =	vadd.f32 v6, v4  }
0x3b5: {  	v5 =	vadd.f32 v8, v5;
	v6 =	vmul.f32 v7, v7  }
0x3b6: {  	v4 =	vadd.f32 v7, v4  }
0x3b7: {  	v5 =	vadd.f32 v6, v5  }
0x3b8: {  	(xrf2) =	vadd.scan.msk.f32 $0xffff, v4  }
0x3b9: {  	(xrf2) =	vadd.scan.msk.f32 $0xffff, v5;
	_ =	sdelay $0x8  }
0x3ba: {  	v4, _, _ =	vpop (xrf2)  }
0x3bb: {  	(v2sf) =	vpush v4, $0xF;
	v4, _, _ =	vpop (xrf2)  }
0x3bc: {  	(v2sf) =	vpush v4, $0xF;
	_ =	sdelay $0xd  }
0x3bd: {  	s5 =	spop (v2sf)  }
0x3be: {  	s2 =	smul.f32 $9.765625000e-04, s5;
	s12 =	spop (v2sf)  }
0x3bf: {  	s3 =	smul.f32 $9.765625000e-04, s12  }
0x3c0: {  	s13 =	smul.f32 s2, s2;
	_ =	sdelay $0x1  }
0x3c1: {  	s3 =	ssub.f32 s3, s13;
	_ =	sdelay $0x1  }
0x3c2: {  	s3 =	sadd.f32 $9.999999960e-13, s3;
	_ =	sdelay $0x1  }
0x3c3: {  	v4 =	vmov s3  }
0x3c4: {  	v5 =	vshra.s32 v4, $0x1;
	v4 =	vmul.f32 $5.000000000e-01, v4  }
0x3c5: {  	v5 =	vsub.s32 $0x5F3759DF, v5  }
0x3c6: {  	v6 =	vmul.f32 v5, v4;
	_ =	sdelay $0x1  }
0x3c7: {  	v6 =	vmul.f32 v5, v6;
	_ =	sdelay $0x1  }
0x3c8: {  	v6 =	vsub.f32 $1.500000000e+00, v6;
	_ =	sdelay $0x1  }
0x3c9: {  	v5 =	vmul.f32 v5, v6;
	_ =	sdelay $0x1  }
0x3ca: {  	v6 =	vmul.f32 v5, v4;
	_ =	sdelay $0x1  }
0x3cb: {  	v6 =	vmul.f32 v6, v5  }
0x3cc: {  	s12 =	sadd.s32 $0x0, s26  }
0x3cd: {  	s3 =	sshll.u32 s12, $0xA;
	v6 =	vsub.f32 $1.500000000e+00, v6  }
0x3ce: {  	s29 =	simm.s32 $0x0;
	s3 =	sand.u32 $0x3FFFFC00, s3  }
0x3cf: {  	s13 =	sand.u32 $0x70, s29;
	s3 =	sor.u32 s3, s28;
	v6 =	vmul.f32 v6, v5  }
0x3d0: {  	[tilespmem:s1+$0x0] =	vst v7;
	s12 =	sadd.s32 s13, s3  }
0x3d1: {  	v7 =	vld [tilespmem:s12+$0x0];
	v4 =	vmul.f32 v6, v4;
	_ =	sdelay $0x1  }
0x3d2: {  	v4 =	vmul.f32 v4, v6;
	_ =	sdelay $0x1  }
0x3d3: {  	s5 =	simm.s32 $0x10A00;
	v5 =	vmov s2;
	v4 =	vsub.f32 $1.500000000e+00, v4  }
0x3d4: {  	v8 =	vsub.f32 v7, v5;
	v7 =	vld [tilespmem:s5+$0x0]  }
0x3d5: {  	s13 =	simm.s32 $0x10E00;
	v4 =	vmul.f32 v4, v6  }
0x3d6: {  	v6 =	vld [tilespmem:s13+$0x0]  }
0x3d7: {  	v8 =	vmul.f32 v8, v4  }
0x3d8: {  	s30 =	simm.s32 $0x2;
	s2 =	simm.s32 $0x0  }
.LBB2_35:
0x3d9: {  	p0 =	sne.s32 s30, $0x3F;
	s1 =	sadd.s32 s26, s2;
	v7 =	vmul.f32 v8, v7  }
0x3da: {  	s1 =	sshll.u32 s1, $0xA  }
0x3db: {  	s29 =	sadd.s32 $0x10, s29;
	s1 =	sand.u32 $0x3FFFFC00, s1;
	v6 =	vadd.f32 v7, v6  }
0x3dc: {  	s2 =	sand.u32 $0x70, s29;
	s1 =	sor.u32 s1, s28  }
0x3dd: {  	[tilespmem:s12+$0x0] =	vst v6;
	s12 =	sadd.s32 s2, s1  }
0x3de: {  	v6 =	vld [tilespmem:s12+$0x0];
	_ =	sdelay $0x2  }
0x3df: {  	s5 =	sadd.s32 $0x10, s5  }
.Ltmp16:
0x3e0: {  	v7 =	vld [tilespmem:s5+$0x0];
	(pc) =	sbr.rel @p0 .LBB2_35-.Ltmp16, $4  }
0x3e1: {  	s13 =	sadd.s32 $0x10, s13;
	v8 =	vsub.f32 v6, v5  }
0x3e2: {  	v6 =	vld [tilespmem:s13+$0x0]  }
0x3e3: {  	v8 =	vmul.f32 v8, v4  }
0x3e4: {  	s2 =	sshrl.u32 s30, $0x3;
	s30 =	sadd.s32 $0x1, s30  }
0x3e5: {  	s1 =	sadd.s32 s26, s2;
	v7 =	vmul.f32 v8, v7  }
0x3e6: {  	s1 =	sshll.u32 s1, $0xA  }
0x3e7: {  	s26 =	sadd.s32 $0x10, s29;
	s1 =	sand.u32 $0x3FFFFC00, s1;
	v6 =	vadd.f32 v7, v6  }
0x3e8: {  	s2 =	sand.u32 $0x70, s26;
	s1 =	sor.u32 s1, s28  }
0x3e9: {  	s1 =	sadd.s32 s2, s1;
	[tilespmem:s12+$0x0] =	vst v6  }
0x3ea: {  	v6 =	vld [tilespmem:s1+$0x0];
	_ =	sdelay $0x2  }
0x3eb: {  	s29 =	sadd.s32 $0x10, s5  }
0x3ec: {  	v62 =	vld [tilespmem:s29+$0x0]  }
0x3ed: {  	s30 =	sadd.s32 $0x10, s13;
	v5 =	vsub.f32 v6, v5  }
0x3ee: {  	v63 =	vld [tilespmem:s30+$0x0]  }
0x3ef: {  	s25 =	sadd.s32 $0x1, s25;
	v4 =	vmul.f32 v5, v4  }
0x3f0: {  	p0 =	sne.s32 s25, $0x20  }
.Ltmp17:
0x3f1: {  	v4 =	vmul.f32 v4, v62;
	(pc) =	sbr.rel @p0 .LBB2_32-.Ltmp17, $3  }
0x3f2: {  	_ = 	snop  }
0x3f3: {  	v4 =	vadd.f32 v4, v63;
	_ =	sdelay $0x1  }
0x3f4: {  	[tilespmem:s1+$0x0] =	vst v4  }
0x3f5: {  	s24 =	simm.s32 $0x0;
	s1 =	rddreg [dreg:$0x15]  }
0x3f6: {  	[hbm4b:s1+s24] =	stream.linear.scatter [tilespmem:s24], [sflag:$0x2], $0x8000, $0x38;
	[tilespmem:$0x11200] =	vst v63  }
0x3f7: {  	_ =	swait.ge [sflag:s31], $0x8000  }
0x3f8: {  	[sflag:s31] =	ssyncset.done $0x0  }
0x3f9: {  	[sflag:s31] =	ssyncadd.s32 $0xFFFF8000  }
0x3fa: {  	v4 =	vld [tilespmem:$0x108C0];
	_ =	sdelay $0x4  }
0x3fb: {  	v5 =	vshll.u32 v4, $0x3  }
0x3fc: {  	v4 =	vand.u32 $0x7, v4;
	v5 =	vand.u32 $0xFFFFFFC0, v5  }
0x3fd: {  	v4 =	vor.u32 v4, v5  }
0x3fe: {  	v5 =	vperm.xlane v4, v1;
	_ =	sdelay $0x1  }
0x3ff: {  	v5 =	vadd.s32 v2, v5;
	_ =	sdelay $0x4  }
0x400: {  	[tilespmem:s24], [sflag:$0x1] =	stream.indirect_vreg.gather [hbm4b:s0+s24], $0x80, v5, vm0, $0xb8;
	[tilespmem:$0x11200] =	vst v63  }
0x401: {  	s13 =	simm.s32 $0x800;
	v4 =	vperm.xlane v4, v3  }
0x402: {  	[tilespmem:s13], [sflag:$0x1] =	stream.indirect_vreg.gather [hbm4b:s9+s24], $0x80, v5, vm0, $0xb8;
	[tilespmem:$0x11200] =	vst v63  }
0x403: {  	s25 =	simm.s32 $0x1000;
	v4 =	vadd.s32 v2, v4  }
0x404: {  	[tilespmem:s25], [sflag:$0x1] =	stream.indirect_vreg.gather [hbm4b:s10+s24], $0x80, v5, vm0, $0xb8;
	[tilespmem:$0x11200] =	vst v63  }
0x405: {  	s26 =	simm.s32 $0x1800  }
0x406: {  	[tilespmem:s26], [sflag:$0x1] =	stream.indirect_vreg.gather [hbm4b:s11+s24], $0x80, v5, vm0, $0xb8;
	[tilespmem:$0x11200] =	vst v63  }
0x407: {  	s28 =	simm.s32 $0x2000  }
0x408: {  	[tilespmem:s28], [sflag:$0x1] =	stream.indirect_vreg.gather [hbm4b:s0+s24], $0x80, v4, vm0, $0xb8;
	[tilespmem:$0x11200] =	vst v63  }
0x409: {  	s29 =	simm.s32 $0x2800  }
0x40a: {  	[tilespmem:s29], [sflag:$0x1] =	stream.indirect_vreg.gather [hbm4b:s9+s24], $0x80, v4, vm0, $0xb8;
	[tilespmem:$0x11200] =	vst v63  }
0x40b: {  	_ = 	snop  }
0x40c: {  	[tilespmem:s4], [sflag:$0x1] =	stream.indirect_vreg.gather [hbm4b:s10+s24], $0x80, v4, vm0, $0xb8;
	[tilespmem:$0x11200] =	vst v63  }
0x40d: {  	_ = 	snop  }
0x40e: {  	[tilespmem:s7], [sflag:$0x1] =	stream.indirect_vreg.gather [hbm4b:s11+s24], $0x80, v4, vm0, $0xb8;
	[tilespmem:$0x11200] =	vst v63  }
0x40f: {  	v4 =	vld [tilespmem:$0x108D0];
	_ =	sdelay $0x4  }
0x410: {  	v5 =	vshll.u32 v4, $0x3  }
0x411: {  	v4 =	vand.u32 $0x7, v4;
	v5 =	vand.u32 $0xFFFFFFC0, v5  }
0x412: {  	v4 =	vor.u32 v4, v5  }
0x413: {  	v5 =	vperm.xlane v4, v1;
	_ =	sdelay $0x1  }
0x414: {  	v5 =	vadd.s32 v2, v5;
	_ =	sdelay $0x4  }
0x415: {  	[tilespmem:s8], [sflag:$0x1] =	stream.indirect_vreg.gather [hbm4b:s0+s24], $0x80, v5, vm0, $0xb8;
	[tilespmem:$0x11200] =	vst v63  }
0x416: {  	v4 =	vperm.xlane v4, v3  }
0x417: {  	[tilespmem:s14], [sflag:$0x1] =	stream.indirect_vreg.gather [hbm4b:s9+s24], $0x80, v5, vm0, $0xb8;
	[tilespmem:$0x11200] =	vst v63  }
0x418: {  	v4 =	vadd.s32 v2, v4  }
0x419: {  	[tilespmem:s15], [sflag:$0x1] =	stream.indirect_vreg.gather [hbm4b:s10+s24], $0x80, v5, vm0, $0xb8;
	[tilespmem:$0x11200] =	vst v63  }
0x41a: {  	_ = 	snop  }
0x41b: {  	[tilespmem:s16], [sflag:$0x1] =	stream.indirect_vreg.gather [hbm4b:s11+s24], $0x80, v5, vm0, $0xb8;
	[tilespmem:$0x11200] =	vst v63  }
0x41c: {  	_ = 	snop  }
0x41d: {  	[tilespmem:s17], [sflag:$0x1] =	stream.indirect_vreg.gather [hbm4b:s0+s24], $0x80, v4, vm0, $0xb8;
	[tilespmem:$0x11200] =	vst v63  }
0x41e: {  	_ = 	snop  }
0x41f: {  	[tilespmem:s18], [sflag:$0x1] =	stream.indirect_vreg.gather [hbm4b:s9+s24], $0x80, v4, vm0, $0xb8;
	[tilespmem:$0x11200] =	vst v63  }
0x420: {  	_ = 	snop  }
0x421: {  	[tilespmem:s19], [sflag:$0x1] =	stream.indirect_vreg.gather [hbm4b:s10+s24], $0x80, v4, vm0, $0xb8;
	[tilespmem:$0x11200] =	vst v63  }
0x422: {  	_ = 	snop  }
0x423: {  	[tilespmem:s20], [sflag:$0x1] =	stream.indirect_vreg.gather [hbm4b:s11+s24], $0x80, v4, vm0, $0xb8;
	[tilespmem:$0x11200] =	vst v63  }
0x424: {  	_ =	swait.ge [sflag:s21], $0x8000  }
0x425: {  	[sflag:s21] =	ssyncset.done $0x0  }
0x426: {  	s30 =	rddreg [dreg:$0x16];
	[sflag:s21] =	ssyncadd.s32 $0xFFFF8000  }
0x427: {  	[tilespmem:s22], [sflag:$0x2] =	stream.linear.gather [hbm4b:s30+s24], $0x8000, $0x38;
	[tilespmem:$0x11200] =	vst v63  }
0x428: {  	_ =	swait.ge [sflag:s31], $0x8000  }
0x429: {  	[sflag:s31] =	ssyncset.done $0x0  }
0x42a: {  	s25 =	simm.s32 $0x0;
	[sflag:s31] =	ssyncadd.s32 $0xFFFF8000  }
.LBB2_38:
0x42b: {  	s1 =	sand.u32 $0x10, s25  }
0x42c: {  	v4 =	vld [tilespmem:s1+$0x109C0];
	_ =	sdelay $0x3  }
0x42d: {  	s3 =	sand.u32 $0xF, s25  }
0x42e: {  	v5 =	vmov s3;
	v4 =	vcvt.s32.f32 v4  }
0x42f: {  	vm1 =	veq.s32 v5, v0  }
0x430: {  	v4 =	vnsel vm1, $0x0, v4  }
0x431: {  	(xrf2) =	vadd.scan.msk.f32 $0xffff, v4;
	_ =	sdelay $0x9  }
0x432: {  	v4, _, _ =	vpop (xrf2)  }
0x433: {  	(v2sf) =	vpush v4, $0xF;
	_ =	sdelay $0xe  }
0x434: {  	s5 =	spop (v2sf)  }
0x435: {  	s2 =	sshll.u32 s25, $0x7;
	s1 =	scvt.f32.s32 s5  }
0x436: {  	s26 =	sand.u32 $0x18, s25;
	s28 =	sand.u32 $0x380, s2  }
0x437: {  	s5 =	sadd.s32 $0x0, s26;
	s3 =	sshll.u32 s1, $0xA;
	s1 =	sshll.u32 s1, $0x7  }
0x438: {  	s12 =	sshll.u32 s5, $0xA;
	s3 =	sand.u32 $0xFFFFF800, s3;
	s1 =	sand.u32 $0x80, s1  }
0x439: {  	s2 =	sor.u32 s28, s12;
	s1 =	sor.u32 s1, s3;
	s3 =	sand.u32 $0x70, s24  }
0x43a: {  	s13 =	simm.s32 $0x0;
	s12 =	sor.u32 s3, s2  }
0x43b: {  	s13 =	sand.u32 $0x3FFFFF00, s13;
	s29 =	sadd.s32 $0x10000, s1;
	v6 =	vld [tilespmem:s12+$0x8000]  }
0x43c: {  	s1 =	sadd.s32 s13, s29;
	v8 =	vld [tilespmem:s12+$0x0]  }
0x43d: {  	s1 =	sadd.s32 s3, s1  }
0x43e: {  	v7 =	vld [tilespmem:s1+$0x0]  }
0x43f: {  	s30 =	simm.s32 $0x2;
	v5 =	vimm.f32 $0.0e+00;
	v4 =	vimm.f32 $0.0e+00;
	s5 =	simm.s32 $0x1;
	s13 =	simm.s32 $0x0  }
.LBB2_39:
0x440: {  	p0 =	sne.s32 s30, $0x3F;
	s1 =	sshrl.u32 s5, $0x3  }
0x441: {  	s1 =	sadd.s32 s26, s1;
	v6 =	vadd.f32 v6, v8  }
0x442: {  	s13 =	sadd.s32 $0x10, s13;
	s1 =	sshll.u32 s1, $0xA  }
0x443: {  	s2 =	sand.u32 $0x70, s13;
	s1 =	sor.u32 s28, s1;
	v7 =	vadd.f32 v7, v6  }
0x444: {  	s3 =	sshll.u32 s5, $0x5;
	s5 =	smov.u32 s30;
	s1 =	sor.u32 s2, s1  }
.Ltmp18:
0x445: {  	s3 =	sand.u32 $0x3FFFFF00, s3;
	v6 =	vld [tilespmem:s1+$0x8000];
	[tilespmem:s12+$0x0] =	vst v7;
	v4 =	vadd.f32 v7, v4;
	v7 =	vmul.f32 v7, v7;
	s12 =	smov.u32 s1;
	(pc) =	sbr.rel @p0 .LBB2_39-.Ltmp18, $4  }
0x446: {  	s1 =	sadd.s32 s3, s29;
	v8 =	vld [tilespmem:s12+$0x0]  }
0x447: {  	s1 =	sadd.s32 s2, s1;
	v5 =	vadd.f32 v7, v5  }
0x448: {  	v7 =	vld [tilespmem:s1+$0x0]  }
0x449: {  	s30 =	sadd.s32 $0x1, s30  }
0x44a: {  	s1 =	sshrl.u32 s5, $0x3  }
0x44b: {  	s1 =	sadd.s32 s26, s1;
	v6 =	vadd.f32 v6, v8  }
0x44c: {  	s2 =	sadd.s32 $0x10, s13;
	s1 =	sshll.u32 s1, $0xA  }
0x44d: {  	s2 =	sand.u32 $0x70, s2;
	s1 =	sor.u32 s28, s1;
	v6 =	vadd.f32 v7, v6  }
0x44e: {  	s3 =	sshll.u32 s5, $0x5;
	s1 =	sor.u32 s2, s1  }
0x44f: {  	s3 =	sand.u32 $0x3FFFFF00, s3;
	v7 =	vld [tilespmem:s1+$0x8000];
	[tilespmem:s12+$0x0] =	vst v6  }
0x450: {  	s3 =	sadd.s32 s3, s29;
	v8 =	vld [tilespmem:s1+$0x0]  }
0x451: {  	s2 =	sadd.s32 s2, s3  }
0x452: {  	v9 =	vld [tilespmem:s2+$0x0];
	_ =	sdelay $0x2  }
0x453: {  	v7 =	vadd.f32 v7, v8;
	_ =	sdelay $0x1  }
0x454: {  	v8 =	vmul.f32 v6, v6;
	v7 =	vadd.f32 v9, v7  }
0x455: {  	v4 =	vadd.f32 v6, v4  }
0x456: {  	v5 =	vadd.f32 v8, v5;
	v6 =	vmul.f32 v7, v7  }
0x457: {  	v4 =	vadd.f32 v7, v4  }
0x458: {  	v5 =	vadd.f32 v6, v5  }
0x459: {  	(xrf2) =	vadd.scan.msk.f32 $0xffff, v4  }
0x45a: {  	(xrf2) =	vadd.scan.msk.f32 $0xffff, v5;
	_ =	sdelay $0x8  }
0x45b: {  	v4, _, _ =	vpop (xrf2)  }
0x45c: {  	(v2sf) =	vpush v4, $0xF;
	v4, _, _ =	vpop (xrf2)  }
0x45d: {  	(v2sf) =	vpush v4, $0xF;
	_ =	sdelay $0xd  }
0x45e: {  	s5 =	spop (v2sf)  }
0x45f: {  	s2 =	smul.f32 $9.765625000e-04, s5;
	s12 =	spop (v2sf)  }
0x460: {  	s3 =	smul.f32 $9.765625000e-04, s12  }
0x461: {  	s13 =	smul.f32 s2, s2;
	_ =	sdelay $0x1  }
0x462: {  	s3 =	ssub.f32 s3, s13;
	_ =	sdelay $0x1  }
0x463: {  	s3 =	sadd.f32 $9.999999960e-13, s3;
	_ =	sdelay $0x1  }
0x464: {  	v4 =	vmov s3  }
0x465: {  	v5 =	vshra.s32 v4, $0x1;
	v4 =	vmul.f32 $5.000000000e-01, v4  }
0x466: {  	v5 =	vsub.s32 $0x5F3759DF, v5  }
0x467: {  	v6 =	vmul.f32 v5, v4;
	_ =	sdelay $0x1  }
0x468: {  	v6 =	vmul.f32 v5, v6;
	_ =	sdelay $0x1  }
0x469: {  	v6 =	vsub.f32 $1.500000000e+00, v6;
	_ =	sdelay $0x1  }
0x46a: {  	v5 =	vmul.f32 v5, v6;
	_ =	sdelay $0x1  }
0x46b: {  	v6 =	vmul.f32 v5, v4;
	_ =	sdelay $0x1  }
0x46c: {  	v6 =	vmul.f32 v6, v5  }
0x46d: {  	s12 =	sadd.s32 $0x0, s26  }
0x46e: {  	s3 =	sshll.u32 s12, $0xA;
	v6 =	vsub.f32 $1.500000000e+00, v6  }
0x46f: {  	s29 =	simm.s32 $0x0;
	s3 =	sand.u32 $0x3FFFFC00, s3  }
0x470: {  	s13 =	sand.u32 $0x70, s29;
	s3 =	sor.u32 s3, s28;
	v6 =	vmul.f32 v6, v5  }
0x471: {  	[tilespmem:s1+$0x0] =	vst v7;
	s12 =	sadd.s32 s13, s3  }
0x472: {  	v7 =	vld [tilespmem:s12+$0x0];
	v4 =	vmul.f32 v6, v4;
	_ =	sdelay $0x1  }
0x473: {  	v4 =	vmul.f32 v4, v6;
	_ =	sdelay $0x1  }
0x474: {  	s5 =	simm.s32 $0x10A00;
	v5 =	vmov s2;
	v4 =	vsub.f32 $1.500000000e+00, v4  }
0x475: {  	v8 =	vsub.f32 v7, v5;
	v7 =	vld [tilespmem:s5+$0x0]  }
0x476: {  	s13 =	simm.s32 $0x10E00;
	v4 =	vmul.f32 v4, v6  }
0x477: {  	v6 =	vld [tilespmem:s13+$0x0]  }
0x478: {  	v8 =	vmul.f32 v8, v4  }
0x479: {  	s30 =	simm.s32 $0x2;
	s2 =	simm.s32 $0x0  }
.LBB2_41:
0x47a: {  	p0 =	sne.s32 s30, $0x3F;
	s1 =	sadd.s32 s26, s2;
	v7 =	vmul.f32 v8, v7  }
0x47b: {  	s1 =	sshll.u32 s1, $0xA  }
0x47c: {  	s29 =	sadd.s32 $0x10, s29;
	s1 =	sand.u32 $0x3FFFFC00, s1;
	v6 =	vadd.f32 v7, v6  }
0x47d: {  	s2 =	sand.u32 $0x70, s29;
	s1 =	sor.u32 s1, s28  }
0x47e: {  	[tilespmem:s12+$0x0] =	vst v6;
	s12 =	sadd.s32 s2, s1  }
0x47f: {  	v6 =	vld [tilespmem:s12+$0x0];
	_ =	sdelay $0x2  }
0x480: {  	s5 =	sadd.s32 $0x10, s5  }
.Ltmp19:
0x481: {  	v7 =	vld [tilespmem:s5+$0x0];
	(pc) =	sbr.rel @p0 .LBB2_41-.Ltmp19, $4  }
0x482: {  	s13 =	sadd.s32 $0x10, s13;
	v8 =	vsub.f32 v6, v5  }
0x483: {  	v6 =	vld [tilespmem:s13+$0x0]  }
0x484: {  	v8 =	vmul.f32 v8, v4  }
0x485: {  	s2 =	sshrl.u32 s30, $0x3;
	s30 =	sadd.s32 $0x1, s30  }
0x486: {  	s1 =	sadd.s32 s26, s2;
	v7 =	vmul.f32 v8, v7  }
0x487: {  	s1 =	sshll.u32 s1, $0xA  }
0x488: {  	s26 =	sadd.s32 $0x10, s29;
	s1 =	sand.u32 $0x3FFFFC00, s1;
	v6 =	vadd.f32 v7, v6  }
0x489: {  	s2 =	sand.u32 $0x70, s26;
	s1 =	sor.u32 s1, s28  }
0x48a: {  	s1 =	sadd.s32 s2, s1;
	[tilespmem:s12+$0x0] =	vst v6  }
0x48b: {  	v6 =	vld [tilespmem:s1+$0x0];
	_ =	sdelay $0x2  }
0x48c: {  	s29 =	sadd.s32 $0x10, s5  }
0x48d: {  	v62 =	vld [tilespmem:s29+$0x0]  }
0x48e: {  	s30 =	sadd.s32 $0x10, s13;
	v5 =	vsub.f32 v6, v5  }
0x48f: {  	v63 =	vld [tilespmem:s30+$0x0]  }
0x490: {  	s25 =	sadd.s32 $0x1, s25;
	v4 =	vmul.f32 v5, v4  }
0x491: {  	p0 =	sne.s32 s25, $0x20  }
.Ltmp20:
0x492: {  	v4 =	vmul.f32 v4, v62;
	(pc) =	sbr.rel @p0 .LBB2_38-.Ltmp20, $3  }
0x493: {  	_ = 	snop  }
0x494: {  	v4 =	vadd.f32 v4, v63;
	_ =	sdelay $0x1  }
0x495: {  	[tilespmem:s1+$0x0] =	vst v4  }
0x496: {  	s24 =	simm.s32 $0x0;
	s1 =	rddreg [dreg:$0x18]  }
0x497: {  	[hbm4b:s1+s24] =	stream.linear.scatter [tilespmem:s24], [sflag:$0x2], $0x8000, $0x38;
	[tilespmem:$0x11200] =	vst v63  }
0x498: {  	_ =	swait.ge [sflag:s31], $0x8000  }
0x499: {  	[sflag:s31] =	ssyncset.done $0x0  }
0x49a: {  	[sflag:s31] =	ssyncadd.s32 $0xFFFF8000  }
0x49b: {  	v4 =	vld [tilespmem:$0x108E0];
	_ =	sdelay $0x4  }
0x49c: {  	v5 =	vshll.u32 v4, $0x3  }
0x49d: {  	v4 =	vand.u32 $0x7, v4;
	v5 =	vand.u32 $0xFFFFFFC0, v5  }
0x49e: {  	v4 =	vor.u32 v4, v5  }
0x49f: {  	v5 =	vperm.xlane v4, v1;
	_ =	sdelay $0x1  }
0x4a0: {  	v5 =	vadd.s32 v2, v5;
	_ =	sdelay $0x4  }
0x4a1: {  	[tilespmem:s24], [sflag:$0x1] =	stream.indirect_vreg.gather [hbm4b:s0+s24], $0x80, v5, vm0, $0xb8;
	[tilespmem:$0x11200] =	vst v63  }
0x4a2: {  	s13 =	simm.s32 $0x800;
	v4 =	vperm.xlane v4, v3  }
0x4a3: {  	[tilespmem:s13], [sflag:$0x1] =	stream.indirect_vreg.gather [hbm4b:s9+s24], $0x80, v5, vm0, $0xb8;
	[tilespmem:$0x11200] =	vst v63  }
0x4a4: {  	s25 =	simm.s32 $0x1000;
	v4 =	vadd.s32 v2, v4  }
0x4a5: {  	[tilespmem:s25], [sflag:$0x1] =	stream.indirect_vreg.gather [hbm4b:s10+s24], $0x80, v5, vm0, $0xb8;
	[tilespmem:$0x11200] =	vst v63  }
0x4a6: {  	s26 =	simm.s32 $0x1800  }
0x4a7: {  	[tilespmem:s26], [sflag:$0x1] =	stream.indirect_vreg.gather [hbm4b:s11+s24], $0x80, v5, vm0, $0xb8;
	[tilespmem:$0x11200] =	vst v63  }
0x4a8: {  	s28 =	simm.s32 $0x2000  }
0x4a9: {  	[tilespmem:s28], [sflag:$0x1] =	stream.indirect_vreg.gather [hbm4b:s0+s24], $0x80, v4, vm0, $0xb8;
	[tilespmem:$0x11200] =	vst v63  }
0x4aa: {  	s29 =	simm.s32 $0x2800  }
0x4ab: {  	[tilespmem:s29], [sflag:$0x1] =	stream.indirect_vreg.gather [hbm4b:s9+s24], $0x80, v4, vm0, $0xb8;
	[tilespmem:$0x11200] =	vst v63  }
0x4ac: {  	_ = 	snop  }
0x4ad: {  	[tilespmem:s4], [sflag:$0x1] =	stream.indirect_vreg.gather [hbm4b:s10+s24], $0x80, v4, vm0, $0xb8;
	[tilespmem:$0x11200] =	vst v63  }
0x4ae: {  	_ = 	snop  }
0x4af: {  	[tilespmem:s7], [sflag:$0x1] =	stream.indirect_vreg.gather [hbm4b:s11+s24], $0x80, v4, vm0, $0xb8;
	[tilespmem:$0x11200] =	vst v63  }
0x4b0: {  	v4 =	vld [tilespmem:$0x108F0];
	_ =	sdelay $0x4  }
0x4b1: {  	v5 =	vshll.u32 v4, $0x3  }
0x4b2: {  	v4 =	vand.u32 $0x7, v4;
	v5 =	vand.u32 $0xFFFFFFC0, v5  }
0x4b3: {  	v4 =	vor.u32 v4, v5  }
0x4b4: {  	v5 =	vperm.xlane v4, v1;
	_ =	sdelay $0x1  }
0x4b5: {  	v5 =	vadd.s32 v2, v5;
	_ =	sdelay $0x4  }
0x4b6: {  	[tilespmem:s8], [sflag:$0x1] =	stream.indirect_vreg.gather [hbm4b:s0+s24], $0x80, v5, vm0, $0xb8;
	[tilespmem:$0x11200] =	vst v63  }
0x4b7: {  	v4 =	vperm.xlane v4, v3  }
0x4b8: {  	[tilespmem:s14], [sflag:$0x1] =	stream.indirect_vreg.gather [hbm4b:s9+s24], $0x80, v5, vm0, $0xb8;
	[tilespmem:$0x11200] =	vst v63  }
0x4b9: {  	v4 =	vadd.s32 v2, v4  }
0x4ba: {  	[tilespmem:s15], [sflag:$0x1] =	stream.indirect_vreg.gather [hbm4b:s10+s24], $0x80, v5, vm0, $0xb8;
	[tilespmem:$0x11200] =	vst v63  }
0x4bb: {  	_ = 	snop  }
0x4bc: {  	[tilespmem:s16], [sflag:$0x1] =	stream.indirect_vreg.gather [hbm4b:s11+s24], $0x80, v5, vm0, $0xb8;
	[tilespmem:$0x11200] =	vst v63  }
0x4bd: {  	_ = 	snop  }
0x4be: {  	[tilespmem:s17], [sflag:$0x1] =	stream.indirect_vreg.gather [hbm4b:s0+s24], $0x80, v4, vm0, $0xb8;
	[tilespmem:$0x11200] =	vst v63  }
0x4bf: {  	_ = 	snop  }
0x4c0: {  	[tilespmem:s18], [sflag:$0x1] =	stream.indirect_vreg.gather [hbm4b:s9+s24], $0x80, v4, vm0, $0xb8;
	[tilespmem:$0x11200] =	vst v63  }
0x4c1: {  	_ = 	snop  }
0x4c2: {  	[tilespmem:s19], [sflag:$0x1] =	stream.indirect_vreg.gather [hbm4b:s10+s24], $0x80, v4, vm0, $0xb8;
	[tilespmem:$0x11200] =	vst v63  }
0x4c3: {  	_ = 	snop  }
0x4c4: {  	[tilespmem:s20], [sflag:$0x1] =	stream.indirect_vreg.gather [hbm4b:s11+s24], $0x80, v4, vm0, $0xb8;
	[tilespmem:$0x11200] =	vst v63  }
0x4c5: {  	_ =	swait.ge [sflag:s21], $0x8000  }
0x4c6: {  	[sflag:s21] =	ssyncset.done $0x0  }
0x4c7: {  	s30 =	rddreg [dreg:$0x19];
	[sflag:s21] =	ssyncadd.s32 $0xFFFF8000  }
0x4c8: {  	[tilespmem:s22], [sflag:$0x2] =	stream.linear.gather [hbm4b:s30+s24], $0x8000, $0x38;
	[tilespmem:$0x11200] =	vst v63  }
0x4c9: {  	_ =	swait.ge [sflag:s31], $0x8000  }
0x4ca: {  	[sflag:s31] =	ssyncset.done $0x0  }
0x4cb: {  	s25 =	simm.s32 $0x0;
	[sflag:s31] =	ssyncadd.s32 $0xFFFF8000  }
.LBB2_44:
0x4cc: {  	s1 =	sand.u32 $0x10, s25  }
0x4cd: {  	v4 =	vld [tilespmem:s1+$0x109E0];
	_ =	sdelay $0x3  }
0x4ce: {  	s3 =	sand.u32 $0xF, s25  }
0x4cf: {  	v5 =	vmov s3;
	v4 =	vcvt.s32.f32 v4  }
0x4d0: {  	vm1 =	veq.s32 v5, v0  }
0x4d1: {  	v4 =	vnsel vm1, $0x0, v4  }
0x4d2: {  	(xrf2) =	vadd.scan.msk.f32 $0xffff, v4;
	_ =	sdelay $0x9  }
0x4d3: {  	v4, _, _ =	vpop (xrf2)  }
0x4d4: {  	(v2sf) =	vpush v4, $0xF;
	_ =	sdelay $0xe  }
0x4d5: {  	s5 =	spop (v2sf)  }
0x4d6: {  	s2 =	sshll.u32 s25, $0x7;
	s1 =	scvt.f32.s32 s5  }
0x4d7: {  	s26 =	sand.u32 $0x18, s25;
	s28 =	sand.u32 $0x380, s2  }
0x4d8: {  	s5 =	sadd.s32 $0x0, s26;
	s3 =	sshll.u32 s1, $0xA;
	s1 =	sshll.u32 s1, $0x7  }
0x4d9: {  	s12 =	sshll.u32 s5, $0xA;
	s3 =	sand.u32 $0xFFFFF800, s3;
	s1 =	sand.u32 $0x80, s1  }
0x4da: {  	s2 =	sor.u32 s28, s12;
	s1 =	sor.u32 s1, s3;
	s3 =	sand.u32 $0x70, s24  }
0x4db: {  	s13 =	simm.s32 $0x0;
	s12 =	sor.u32 s3, s2  }
0x4dc: {  	s13 =	sand.u32 $0x3FFFFF00, s13;
	s29 =	sadd.s32 $0x10000, s1;
	v6 =	vld [tilespmem:s12+$0x8000]  }
0x4dd: {  	s1 =	sadd.s32 s13, s29;
	v8 =	vld [tilespmem:s12+$0x0]  }
0x4de: {  	s1 =	sadd.s32 s3, s1  }
0x4df: {  	v7 =	vld [tilespmem:s1+$0x0]  }
0x4e0: {  	s30 =	simm.s32 $0x2;
	v5 =	vimm.f32 $0.0e+00;
	v4 =	vimm.f32 $0.0e+00;
	s5 =	simm.s32 $0x1;
	s13 =	simm.s32 $0x0  }
.LBB2_45:
0x4e1: {  	p0 =	sne.s32 s30, $0x3F;
	s1 =	sshrl.u32 s5, $0x3  }
0x4e2: {  	s1 =	sadd.s32 s26, s1;
	v6 =	vadd.f32 v6, v8  }
0x4e3: {  	s13 =	sadd.s32 $0x10, s13;
	s1 =	sshll.u32 s1, $0xA  }
0x4e4: {  	s2 =	sand.u32 $0x70, s13;
	s1 =	sor.u32 s28, s1;
	v7 =	vadd.f32 v7, v6  }
0x4e5: {  	s3 =	sshll.u32 s5, $0x5;
	s5 =	smov.u32 s30;
	s1 =	sor.u32 s2, s1  }
.Ltmp21:
0x4e6: {  	s3 =	sand.u32 $0x3FFFFF00, s3;
	v6 =	vld [tilespmem:s1+$0x8000];
	[tilespmem:s12+$0x0] =	vst v7;
	v4 =	vadd.f32 v7, v4;
	v7 =	vmul.f32 v7, v7;
	s12 =	smov.u32 s1;
	(pc) =	sbr.rel @p0 .LBB2_45-.Ltmp21, $4  }
0x4e7: {  	s1 =	sadd.s32 s3, s29;
	v8 =	vld [tilespmem:s12+$0x0]  }
0x4e8: {  	s1 =	sadd.s32 s2, s1;
	v5 =	vadd.f32 v7, v5  }
0x4e9: {  	v7 =	vld [tilespmem:s1+$0x0]  }
0x4ea: {  	s30 =	sadd.s32 $0x1, s30  }
0x4eb: {  	s1 =	sshrl.u32 s5, $0x3  }
0x4ec: {  	s1 =	sadd.s32 s26, s1;
	v6 =	vadd.f32 v6, v8  }
0x4ed: {  	s2 =	sadd.s32 $0x10, s13;
	s1 =	sshll.u32 s1, $0xA  }
0x4ee: {  	s2 =	sand.u32 $0x70, s2;
	s1 =	sor.u32 s28, s1;
	v6 =	vadd.f32 v7, v6  }
0x4ef: {  	s3 =	sshll.u32 s5, $0x5;
	s1 =	sor.u32 s2, s1  }
0x4f0: {  	s3 =	sand.u32 $0x3FFFFF00, s3;
	v7 =	vld [tilespmem:s1+$0x8000];
	[tilespmem:s12+$0x0] =	vst v6  }
0x4f1: {  	s3 =	sadd.s32 s3, s29;
	v8 =	vld [tilespmem:s1+$0x0]  }
0x4f2: {  	s2 =	sadd.s32 s2, s3  }
0x4f3: {  	v9 =	vld [tilespmem:s2+$0x0];
	_ =	sdelay $0x2  }
0x4f4: {  	v7 =	vadd.f32 v7, v8;
	_ =	sdelay $0x1  }
0x4f5: {  	v8 =	vmul.f32 v6, v6;
	v7 =	vadd.f32 v9, v7  }
0x4f6: {  	v4 =	vadd.f32 v6, v4  }
0x4f7: {  	v5 =	vadd.f32 v8, v5;
	v6 =	vmul.f32 v7, v7  }
0x4f8: {  	v4 =	vadd.f32 v7, v4  }
0x4f9: {  	v5 =	vadd.f32 v6, v5  }
0x4fa: {  	(xrf2) =	vadd.scan.msk.f32 $0xffff, v4  }
0x4fb: {  	(xrf2) =	vadd.scan.msk.f32 $0xffff, v5;
	_ =	sdelay $0x8  }
0x4fc: {  	v4, _, _ =	vpop (xrf2)  }
0x4fd: {  	(v2sf) =	vpush v4, $0xF;
	v4, _, _ =	vpop (xrf2)  }
0x4fe: {  	(v2sf) =	vpush v4, $0xF;
	_ =	sdelay $0xd  }
0x4ff: {  	s5 =	spop (v2sf)  }
0x500: {  	s2 =	smul.f32 $9.765625000e-04, s5;
	s12 =	spop (v2sf)  }
0x501: {  	s3 =	smul.f32 $9.765625000e-04, s12  }
0x502: {  	s13 =	smul.f32 s2, s2;
	_ =	sdelay $0x1  }
0x503: {  	s3 =	ssub.f32 s3, s13;
	_ =	sdelay $0x1  }
0x504: {  	s3 =	sadd.f32 $9.999999960e-13, s3;
	_ =	sdelay $0x1  }
0x505: {  	v4 =	vmov s3  }
0x506: {  	v5 =	vshra.s32 v4, $0x1;
	v4 =	vmul.f32 $5.000000000e-01, v4  }
0x507: {  	v5 =	vsub.s32 $0x5F3759DF, v5  }
0x508: {  	v6 =	vmul.f32 v5, v4;
	_ =	sdelay $0x1  }
0x509: {  	v6 =	vmul.f32 v5, v6;
	_ =	sdelay $0x1  }
0x50a: {  	v6 =	vsub.f32 $1.500000000e+00, v6;
	_ =	sdelay $0x1  }
0x50b: {  	v5 =	vmul.f32 v5, v6;
	_ =	sdelay $0x1  }
0x50c: {  	v6 =	vmul.f32 v5, v4;
	_ =	sdelay $0x1  }
0x50d: {  	v6 =	vmul.f32 v6, v5  }
0x50e: {  	s12 =	sadd.s32 $0x0, s26  }
0x50f: {  	s3 =	sshll.u32 s12, $0xA;
	v6 =	vsub.f32 $1.500000000e+00, v6  }
0x510: {  	s29 =	simm.s32 $0x0;
	s3 =	sand.u32 $0x3FFFFC00, s3  }
0x511: {  	s13 =	sand.u32 $0x70, s29;
	s3 =	sor.u32 s3, s28;
	v6 =	vmul.f32 v6, v5  }
0x512: {  	[tilespmem:s1+$0x0] =	vst v7;
	s12 =	sadd.s32 s13, s3  }
0x513: {  	v7 =	vld [tilespmem:s12+$0x0];
	v4 =	vmul.f32 v6, v4;
	_ =	sdelay $0x1  }
0x514: {  	v4 =	vmul.f32 v4, v6;
	_ =	sdelay $0x1  }
0x515: {  	s5 =	simm.s32 $0x10A00;
	v5 =	vmov s2;
	v4 =	vsub.f32 $1.500000000e+00, v4  }
0x516: {  	v8 =	vsub.f32 v7, v5;
	v7 =	vld [tilespmem:s5+$0x0]  }
0x517: {  	s13 =	simm.s32 $0x10E00;
	v4 =	vmul.f32 v4, v6  }
0x518: {  	v6 =	vld [tilespmem:s13+$0x0]  }
0x519: {  	v8 =	vmul.f32 v8, v4  }
0x51a: {  	s30 =	simm.s32 $0x2;
	s2 =	simm.s32 $0x0  }
.LBB2_47:
0x51b: {  	p0 =	sne.s32 s30, $0x3F;
	s1 =	sadd.s32 s26, s2;
	v7 =	vmul.f32 v8, v7  }
0x51c: {  	s1 =	sshll.u32 s1, $0xA  }
0x51d: {  	s29 =	sadd.s32 $0x10, s29;
	s1 =	sand.u32 $0x3FFFFC00, s1;
	v6 =	vadd.f32 v7, v6  }
0x51e: {  	s2 =	sand.u32 $0x70, s29;
	s1 =	sor.u32 s1, s28  }
0x51f: {  	[tilespmem:s12+$0x0] =	vst v6;
	s12 =	sadd.s32 s2, s1  }
0x520: {  	v6 =	vld [tilespmem:s12+$0x0];
	_ =	sdelay $0x2  }
0x521: {  	s5 =	sadd.s32 $0x10, s5  }
.Ltmp22:
0x522: {  	v7 =	vld [tilespmem:s5+$0x0];
	(pc) =	sbr.rel @p0 .LBB2_47-.Ltmp22, $4  }
0x523: {  	s13 =	sadd.s32 $0x10, s13;
	v8 =	vsub.f32 v6, v5  }
0x524: {  	v6 =	vld [tilespmem:s13+$0x0]  }
0x525: {  	v8 =	vmul.f32 v8, v4  }
0x526: {  	s2 =	sshrl.u32 s30, $0x3;
	s30 =	sadd.s32 $0x1, s30  }
0x527: {  	s1 =	sadd.s32 s26, s2;
	v7 =	vmul.f32 v8, v7  }
0x528: {  	s1 =	sshll.u32 s1, $0xA  }
0x529: {  	s26 =	sadd.s32 $0x10, s29;
	s1 =	sand.u32 $0x3FFFFC00, s1;
	v6 =	vadd.f32 v7, v6  }
0x52a: {  	s2 =	sand.u32 $0x70, s26;
	s1 =	sor.u32 s1, s28  }
0x52b: {  	s1 =	sadd.s32 s2, s1;
	[tilespmem:s12+$0x0] =	vst v6  }
0x52c: {  	v6 =	vld [tilespmem:s1+$0x0];
	_ =	sdelay $0x2  }
0x52d: {  	s29 =	sadd.s32 $0x10, s5  }
0x52e: {  	v62 =	vld [tilespmem:s29+$0x0]  }
0x52f: {  	s30 =	sadd.s32 $0x10, s13;
	v5 =	vsub.f32 v6, v5  }
0x530: {  	v63 =	vld [tilespmem:s30+$0x0]  }
0x531: {  	s25 =	sadd.s32 $0x1, s25;
	v4 =	vmul.f32 v5, v4  }
0x532: {  	p0 =	sne.s32 s25, $0x20  }
.Ltmp23:
0x533: {  	v4 =	vmul.f32 v4, v62;
	(pc) =	sbr.rel @p0 .LBB2_44-.Ltmp23, $3  }
0x534: {  	_ = 	snop  }
0x535: {  	v4 =	vadd.f32 v4, v63;
	_ =	sdelay $0x1  }
0x536: {  	[tilespmem:s1+$0x0] =	vst v4  }
0x537: {  	s1 =	rddreg [dreg:$0x1a]  }
0x538: {  	[hbm4b:s1+s6] =	stream.linear.scatter [tilespmem:s6], [sflag:$0x2], $0x8000, $0x38;
	[tilespmem:$0x11200] =	vst v63  }
0x539: {  	_ =	swait.ge [sflag:s31], $0x8000  }
0x53a: {  	s23 =	sadd.s32 $0x1, s23;
	s30 =	rddreg [dreg:$0x17]  }
0x53b: {  	p0 =	sne.s32 s23, s30  }
.Ltmp24:
0x53c: {  	_ = 	snop;
	(pc) =	sbr.rel @p0 .LBB2_1-.Ltmp24, $3  }
0x53d: {  	_ =	sdelay $0x1  }
0x53e: {  	[sflag:s31] =	ssyncset.done $0x0  }
0x53f: {  	[sflag:s31] =	ssyncadd.s32 $0xFFFF8000  }
0x540: {  	_ =	sfence.sel $0x180000  }
0x541: {  	[bflag:$0x0] =	sbarrier.arrive $0xFFFF  }
0x542: {  	_ =	strace $0x90000047  }
0x543: {  	s0 =	stileid.u32;
	[bflag:$0x2] =	sbarrier.arrive $0xFFFF  }
0x544: {  	p0 =	sne.s32 s0, $0x0;
	s0 =	rddreg [dreg:$0x7]  }
0x545: {  	s0 =	sadd.s32 @!p0 $0x100000, s0  }
0x546: {  	[sflag:s0] =	ssyncadd.tile.s32 @!p0 $0x1;
	_ =	shalt  }
.Lfunc_end2:
_tile_overlayer_lowered:
.L_overlay_start_2:
0x547: {  	(tag) =	ssettag $0x2  }
0x548: {  	s0 =	rddreg [dreg:$0x0];
	s2 =	stileid.u32  }
0x549: {  	s1 =	rddreg [dreg:$0x1];
	p0 =	sne.s32 s2, $0x0  }
0x54a: {  	s3 =	rddreg [dreg:$0x2];
	[bflag:$0x3] =	sbarrier.arrive $0xFFFF;
	s2 =	simm.s32 @!p0 $0x1C02  }
0x54b: {  	[timem:s3], [sflag:s2] =	dma.local @!p0 [hbm:s0], s1  }
0x54c: {  	s0 =	simm.s32 @!p0 $0x2  }
0x54d: {  	_ =	swait.ge @!p0 [sflag:s0], s1  }
0x54e: {  	s1 =	ssub.s32 @!p0 $0x0, s1;
	[sflag:s0] =	ssyncset.done @!p0 $0x0  }
0x54f: {  	[sflag:s0] =	ssyncadd.s32 @!p0 s1  }
0x550: {  	[bflag:$0x3] =	sbarrier.arrive $0xFFFF  }
0x551: {  	_ =	shalt  }

</sc_bundles>
